<compile_context>
chip_gen: v7x
topology: tpu7x:2x2x1
jax: 0.10.2.dev20260603
libtpu: 0.0.44.dev20260713+nightly
codegen_flags: <defaults>
</compile_context>

<pallas_src>
import functools

import jax
import jax.numpy as jnp
from jax import lax
from jax.experimental import pallas as pl
from jax.experimental.pallas import tpu as pltpu
from jax.experimental.pallas import tpu_sc as plsc

NC = 2
NS = 16
NW = NC * NS
B = 128


def _largest_divisor_le(n, cap):
    for d in range(cap, 0, -1):
        if n % d == 0:
            return d
    return 1



def _deg_body(nrows, cpw, zr, dst_ref, degp_ref, acc, didx, ones_v, zbuf):
    rps = nrows // NS
    nz = rps // zr
    c = lax.axis_index("c")
    s = lax.axis_index("s")
    w = s * NC + c

    def oloop(i, carry):
        ones_v[i] = jnp.full((16,), 1.0, jnp.float32)
        return carry
    lax.fori_loop(0, B, oloop, 0)

    def zloop(i, carry):
        zbuf[i] = jnp.zeros((16,), jnp.float32)
        return carry
    lax.fori_loop(0, zr, zloop, 0)
    for t in range(nz):
        pltpu.sync_copy(zbuf, acc.at[pl.ds(s * rps + t * zr, zr)])
    plsc.subcore_barrier()

    def body(k, carry):
        pltpu.sync_copy(dst_ref.at[pl.ds((w * cpw + k) * B, B)], didx)
        pltpu.sync_copy(ones_v, acc.at[didx], add=True)
        return carry
    lax.fori_loop(0, cpw, body, 0)
    plsc.subcore_barrier()

    pltpu.sync_copy(acc.at[pl.ds(s * rps, rps)],
                    degp_ref.at[c, pl.ds(s * rps, rps)])


def _edge_body(nrows, d, cpw, zr, g_ref, src_ref, dst_ref, p_ref,
               acc, sidx0, didx0, sidx1, didx1, rows0, rows1, zbuf,
               sem0, sem1):
    rps = nrows // NS
    nz = rps // zr
    vpr = d // 16
    c = lax.axis_index("c")
    s = lax.axis_index("s")
    w = s * NC + c

    def zloop(t, carry):
        i = t // vpr
        j = t - i * vpr
        zbuf[i, pl.ds(j * 16, 16)] = jnp.zeros((16,), jnp.float32)
        return carry
    lax.fori_loop(0, zr * vpr, zloop, 0)
    for t in range(nz):
        pltpu.sync_copy(zbuf, acc.at[pl.ds(s * rps + t * zr, zr)])
    plsc.subcore_barrier()

    def body(j, carry):
        base0 = (w * cpw + 2 * j) * B
        ia = pltpu.async_copy(src_ref.at[pl.ds(base0, B)], sidx0, sem0)
        ib = pltpu.async_copy(dst_ref.at[pl.ds(base0, B)], didx0, sem0)
        ic = pltpu.async_copy(src_ref.at[pl.ds(base0 + B, B)], sidx1, sem1)
        id_ = pltpu.async_copy(dst_ref.at[pl.ds(base0 + B, B)], didx1, sem1)
        ia.wait()
        ib.wait()
        d0 = pltpu.async_copy(g_ref.at[sidx0], rows0, sem0)
        ic.wait()
        id_.wait()
        d1 = pltpu.async_copy(g_ref.at[sidx1], rows1, sem1)
        d0.wait()
        pltpu.sync_copy(rows0, acc.at[didx0], add=True)
        d1.wait()
        pltpu.sync_copy(rows1, acc.at[didx1], add=True)
        return carry
    lax.fori_loop(0, cpw // 2, body, 0)
    plsc.subcore_barrier()

    pltpu.sync_copy(acc.at[pl.ds(s * rps, rps)],
                    p_ref.at[c, pl.ds(s * rps, rps)])



def _tc1_body(degs_ref, x_ref, w_ref, dinv_ref, g_ref):
    deg = degs_ref[:, 0:1] + degs_ref[:, 1:2] + 1.0
    dinv = lax.rsqrt(deg)
    dinv_ref[...] = dinv
    g_ref[...] = jnp.dot(x_ref[...], w_ref[...],
                         preferred_element_type=jnp.float32,
                         precision=lax.Precision.HIGHEST) * dinv


def _tc2_body(p_ref, g1_ref, dinv_ref, b_ref, w_ref, g2_ref):
    ssum = p_ref[0] + p_ref[1] + g1_ref[...]
    h = jnp.maximum(dinv_ref[...] * ssum + b_ref[...], 0.0)
    g2_ref[...] = jnp.dot(h, w_ref[...],
                          preferred_element_type=jnp.float32,
                          precision=lax.Precision.HIGHEST) * dinv_ref[...]


def _tc3_body(p_ref, g2_ref, dinv_ref, b_ref, out_ref):
    out_ref[...] = dinv_ref[...] * (p_ref[0] + p_ref[1] + g2_ref[...]) \
        + b_ref[...]



def kernel(x, edge_index, W1, b1, W2, b2):
    n, d_in = x.shape
    d_hid = W1.shape[1]
    d_out = W2.shape[1]
    e = edge_index.shape[1]

    cpw = -(-e // (NW * B))
    cpw += cpw % 2
    pe = cpw * NW * B
    pad = pe - e
    nrows = ((n + 127) // 128 + 1) * 128
    ndump = nrows - n
    assert nrows % (NS * 8) == 0 and d_in % 16 == 0
    zr = _largest_divisor_le(nrows // NS, 128)
    zre = _largest_divisor_le(nrows // NS, 32)

    src = edge_index[0].astype(jnp.int32)
    dst = edge_index[1].astype(jnp.int32)
    ar = jnp.arange(pad, dtype=jnp.int32)
    src2 = jnp.concatenate([src, (ar * 997) % n])
    dst2 = jnp.concatenate([dst, n + (ar % ndump)])

    mesh = plsc.VectorSubcoreMesh(core_axis_name="c", subcore_axis_name="s")

    deg_call = pl.kernel(
        functools.partial(_deg_body, nrows, cpw, zr),
        out_type=jax.ShapeDtypeStruct((NC, nrows, 16), jnp.float32),
        mesh=mesh,
        scratch_types=[
            pltpu.VMEM_SHARED((nrows, 16), jnp.float32),
            pltpu.VMEM((B,), jnp.int32),
            pltpu.VMEM((B, 16), jnp.float32),
            pltpu.VMEM((zr, 16), jnp.float32),
        ],
    )
    degp = deg_call(dst2)
    degs = jnp.transpose(degp[:, :n, 0])

    def edge_call(d, g):
        return pl.kernel(
            functools.partial(_edge_body, nrows, d, cpw, zre),
            out_type=jax.ShapeDtypeStruct((NC, nrows, d), jnp.float32),
            mesh=mesh,
            scratch_types=[
                pltpu.VMEM_SHARED((nrows, d), jnp.float32),
                pltpu.VMEM((B,), jnp.int32),
                pltpu.VMEM((B,), jnp.int32),
                pltpu.VMEM((B,), jnp.int32),
                pltpu.VMEM((B,), jnp.int32),
                pltpu.VMEM((B, d), jnp.float32),
                pltpu.VMEM((B, d), jnp.float32),
                pltpu.VMEM((zre, d), jnp.float32),
                pltpu.SemaphoreType.DMA,
                pltpu.SemaphoreType.DMA,
            ],
        )(g, src2, dst2)

    r = n // 10
    dinv, g1 = pl.pallas_call(
        _tc1_body,
        grid=(n // r,),
        in_specs=[
            pl.BlockSpec((r, 2), lambda i: (i, 0)),
            pl.BlockSpec((r, d_in), lambda i: (i, 0)),
            pl.BlockSpec((d_in, d_hid), lambda i: (0, 0)),
        ],
        out_specs=[
            pl.BlockSpec((r, 1), lambda i: (i, 0)),
            pl.BlockSpec((r, d_hid), lambda i: (i, 0)),
        ],
        out_shape=[
            jax.ShapeDtypeStruct((n, 1), jnp.float32),
            jax.ShapeDtypeStruct((n, d_hid), jnp.float32),
        ],
    )(degs, x, W1)

    p1 = edge_call(d_hid, g1)

    g2 = pl.pallas_call(
        _tc2_body,
        grid=(n // r,),
        in_specs=[
            pl.BlockSpec((NC, r, d_hid), lambda i: (0, i, 0)),
            pl.BlockSpec((r, d_hid), lambda i: (i, 0)),
            pl.BlockSpec((r, 1), lambda i: (i, 0)),
            pl.BlockSpec((1, d_hid), lambda i: (0, 0)),
            pl.BlockSpec((d_hid, d_out), lambda i: (0, 0)),
        ],
        out_specs=pl.BlockSpec((r, d_out), lambda i: (i, 0)),
        out_shape=jax.ShapeDtypeStruct((n, d_out), jnp.float32),
    )(p1, g1, dinv, b1.reshape(1, -1), W2)

    p2 = edge_call(d_out, g2)

    out = pl.pallas_call(
        _tc3_body,
        grid=(n // r,),
        in_specs=[
            pl.BlockSpec((NC, r, d_out), lambda i: (0, i, 0)),
            pl.BlockSpec((r, d_out), lambda i: (i, 0)),
            pl.BlockSpec((r, 1), lambda i: (i, 0)),
            pl.BlockSpec((1, d_out), lambda i: (0, 0)),
        ],
        out_specs=pl.BlockSpec((r, d_out), lambda i: (i, 0)),
        out_shape=jax.ShapeDtypeStruct((n, d_out), jnp.float32),
    )(p2, g2, dinv, b2.reshape(1, -1))

    return out

# --- scband reference (transcript-rebuilt; emitter-appended) ---
"""Pipeline reference for scband-gcn-6176162972388 (READ-ONLY COPY).

The authoritative reference and input builder live on the scoring server;
editing this copy changes nothing except your own understanding.
"""

import jax, jax.numpy as jnp
import numpy as np


def gcn_conv(x, edge_index, W, b):
    # Faithful PyG-style GCNConv: add self-loops, symmetric normalization,
    # x' = D^{-1/2} (A + I) D^{-1/2} X W + b
    N = x.shape[0]
    loop = jnp.arange(N, dtype=edge_index.dtype)
    src = jnp.concatenate([edge_index[0], loop])
    dst = jnp.concatenate([edge_index[1], loop])
    h = x @ W
    deg = jnp.zeros((N,), dtype=h.dtype).at[dst].add(1.0)
    deg_inv_sqrt = jnp.where(deg > 0, jax.lax.rsqrt(jnp.maximum(deg, 1e-12)), 0.0)
    norm = deg_inv_sqrt[src] * deg_inv_sqrt[dst]
    msg = norm[:, None] * h[src]
    out = jnp.zeros((N, W.shape[1]), dtype=h.dtype).at[dst].add(msg)
    return out + b


def setup_inputs(seed: int = 0) -> dict:
    key = jax.random.key(seed)
    k1, k2, k3, k4 = jax.random.split(key, 4)
    N, E, d_in, d_hid, d_out = 10000, 320000, 128, 128, 128
    x = jax.random.normal(k1, (N, d_in), dtype=jnp.float32)
    edge_index = jax.random.randint(k2, (2, E), 0, N, dtype=jnp.int64)
    # Glorot-style init for GCNConv weights, zero bias (PyG default)
    s1 = (6.0 / (d_in + d_hid)) ** 0.5
    W1 = jax.random.uniform(k3, (d_in, d_hid), dtype=jnp.float32, minval=-s1, maxval=s1)
    b1 = jnp.zeros((d_hid,), dtype=jnp.float32)
    s2 = (6.0 / (d_hid + d_out)) ** 0.5
    W2 = jax.random.uniform(k4, (d_hid, d_out), dtype=jnp.float32, minval=-s2, maxval=s2)
    b2 = jnp.zeros((d_out,), dtype=jnp.float32)
    return {"x": x, "edge_index": edge_index, "W1": W1, "b1": b1, "W2": W2, "b2": b2}


def reference(x, edge_index, W1, b1, W2, b2):
    h = jax.nn.relu(gcn_conv(x, edge_index, W1, b1))
    out = gcn_conv(h, edge_index, W2, b2)
    return out

if __name__ == "__main__":
    import jax
    _d = setup_inputs()
    print(jax.jit(kernel)(*tuple(_d.values())))

</pallas_src>

<mosaic_0001>
#map = affine_map<(d0, d1) -> (0, 0)>
#map1 = affine_map<(d0, d1) -> (0)>
#map2 = affine_map<(d0, d1) -> (0, 0, 0)>
module attributes {stable_mosaic.version = 14 : i64} {
  func.func @_edge_body(%arg0: i32, %arg1: i32, %arg2: memref<10000x128xf32, #tpu.memory_space<hbm>>, %arg3: memref<327680xi32, #tpu.memory_space<hbm>>, %arg4: memref<327680xi32, #tpu.memory_space<hbm>>, %arg5: memref<2x10240x128xf32, #tpu.memory_space<hbm>>, %arg6: memref<10240x128xf32, #tpu.memory_space<vmem_shared>>, %arg7: memref<128xi32, #tpu.memory_space<vmem>>, %arg8: memref<128xi32, #tpu.memory_space<vmem>>, %arg9: memref<128xi32, #tpu.memory_space<vmem>>, %arg10: memref<128xi32, #tpu.memory_space<vmem>>, %arg11: memref<128x128xf32, #tpu.memory_space<vmem>>, %arg12: memref<128x128xf32, #tpu.memory_space<vmem>>, %arg13: memref<32x128xf32, #tpu.memory_space<vmem>>, %arg14: memref<!tpu.dma_semaphore, #tpu.memory_space<semaphore_mem>>, %arg15: memref<!tpu.dma_semaphore, #tpu.memory_space<semaphore_mem>>) attributes {dimension_semantics = [#tpu.dimension_semantics<core_parallel>, #tpu.dimension_semantics<subcore_parallel>], iteration_bounds = array<i64: 2, 16>, scalar_prefetch = 0 : i64, scratch_operands = 10 : i64, tpu.core_type = #tpu.core_type<sc_vector_subcore>, window_params = [{transform_indices = #map}, {transform_indices = #map1}, {transform_indices = #map1}, {transform_indices = #map2}]} {
    %mul3A = arith.constant 2 : i32
    %mul3A_0 = arith.muli %arg1, %mul3A : i32
    %add3A = arith.addi %mul3A_0, %arg0 : i32
    %scan3A = arith.constant 0 : i32
    %scan3A_1 = arith.constant 0 : i32
    %scan3A_2 = arith.constant 256 : i32
    %scan3A_3 = arith.addi %scan3A_1, %scan3A_2 : i32
    %scan3A_4 = arith.constant 1 : i32
    scf.for %scan3A_97 = %scan3A_1 to %scan3A_3 step %scan3A_4  : i32 {
      %jit3A = arith.constant 8 : i32
      %div3A = arith.divsi %scan3A_97, %jit3A : i32
      %sign3A = arith.constant 0 : i32
      %sign3A_98 = arith.cmpi sgt, %scan3A_97, %sign3A : i32
      %sign3A_99 = arith.extui %sign3A_98 : i1 to i32
      %sign3A_100 = arith.constant 0 : i32
      %sign3A_101 = arith.cmpi slt, %scan3A_97, %sign3A_100 : i32
      %sign3A_102 = arith.extui %sign3A_101 : i1 to i32
      %sign3A_103 = arith.subi %sign3A_99, %sign3A_102 : i32
      %sign3A_104 = arith.constant 0 : i32
      %sign3A_105 = arith.cmpi sgt, %jit3A, %sign3A_104 : i32
      %sign3A_106 = arith.extui %sign3A_105 : i1 to i32
      %sign3A_107 = arith.constant 0 : i32
      %sign3A_108 = arith.cmpi slt, %jit3A, %sign3A_107 : i32
      %sign3A_109 = arith.extui %sign3A_108 : i1 to i32
      %sign3A_110 = arith.subi %sign3A_106, %sign3A_109 : i32
      %ne3A = arith.cmpi ne, %sign3A_103, %sign3A_110 : i32
      %rem3A = arith.remsi %scan3A_97, %jit3A : i32
      %ne3A_111 = arith.constant 0 : i32
      %ne3A_112 = arith.cmpi ne, %rem3A, %ne3A_111 : i32
      %and3A = arith.andi %ne3A, %ne3A_112 : i1
      %sub3A = arith.constant 1 : i32
      %sub3A_113 = arith.subi %div3A, %sub3A : i32
      %select_n3A = arith.select %and3A, %sub3A_113, %div3A : i32
      %mul3A_114 = arith.constant 8 : i32
      %mul3A_115 = arith.muli %select_n3A, %mul3A_114 : i32
      %sub3A_116 = arith.subi %scan3A_97, %mul3A_115 : i32
      %broadcast_in_dim3A = arith.constant 0.000000e+00 : f32
      %broadcast_in_dim3A_117 = vector.broadcast %broadcast_in_dim3A : f32 to vector<16xf32>
      %mul3A_118 = arith.constant 16 : i32
      %mul3A_119 = arith.muli %sub3A_116, %mul3A_118 : i32
      %swap3A = arith.index_cast %select_n3A : i32 to index
      %swap3A_120 = arith.index_cast %mul3A_119 : i32 to index
      %swap3A_121 = tpu.vector_load %arg13[%swap3A, %swap3A_120] {strides = array<i32>} : memref<32x128xf32, #tpu.memory_space<vmem>>, vector<1x16xf32>,
      %swap3A_122 = vector.shape_cast %swap3A_121 : vector<1x16xf32> to vector<16xf32>
      %swap3A_123 = vector.shape_cast %broadcast_in_dim3A_117 : vector<16xf32> to vector<1x16xf32>
      tpu.vector_store %arg13[%swap3A, %swap3A_120], %swap3A_123 {strides = array<i32>} : memref<32x128xf32, #tpu.memory_space<vmem>>, vector<1x16xf32>,
    }
    %scan3A_5 = arith.constant 256 : i32
    %mul3A_6 = arith.constant 640 : i32
    %mul3A_7 = arith.muli %arg1, %mul3A_6 : i32
    %add3A_8 = arith.constant 0 : i32
    %add3A_9 = arith.addi %mul3A_7, %add3A_8 : i32
    "tpu.region"() ({
      %run_scoped3A = tpu.sem_alloc : memref<!tpu.dma_semaphore, #tpu.memory_space<semaphore_mem>>
      %dma_start3A = arith.constant 0 : i32
      %dma_start3A_97 = tpu.memref_slice %arg6[%add3A_9, %dma_start3A] : memref<10240x128xf32, #tpu.memory_space<vmem_shared>> -> memref<32x128xf32, #tpu.memory_space<vmem_shared>>
      %dma_start3A_98 = arith.constant 0 : i32
      %dma_start3A_99 = tpu.memref_slice %arg6[%add3A_9, %dma_start3A_98] : memref<10240x128xf32, #tpu.memory_space<vmem_shared>> -> memref<32x128xf32, #tpu.memory_space<vmem_shared>>
      tpu.enqueue_dma source(%arg13 : memref<32x128xf32, #tpu.memory_space<vmem>>) target(%dma_start3A_99 : memref<32x128xf32, #tpu.memory_space<vmem_shared>>) target_semaphore(%run_scoped3A : memref<!tpu.dma_semaphore, #tpu.memory_space<semaphore_mem>>)
      %dma_wait3A = arith.constant 0 : i32
      %dma_wait3A_100 = tpu.memref_slice %arg6[%add3A_9, %dma_wait3A] : memref<10240x128xf32, #tpu.memory_space<vmem_shared>> -> memref<32x128xf32, #tpu.memory_space<vmem_shared>>
      %dma_wait3A_101 = arith.constant 0 : i32
      %dma_wait3A_102 = tpu.memref_slice %arg6[%add3A_9, %dma_wait3A_101] : memref<10240x128xf32, #tpu.memory_space<vmem_shared>> -> memref<32x128xf32, #tpu.memory_space<vmem_shared>>
      tpu.wait_dma2 semaphore(%run_scoped3A : memref<!tpu.dma_semaphore, #tpu.memory_space<semaphore_mem>>) src(%arg13 : memref<32x128xf32, #tpu.memory_space<vmem>>) dst(%dma_wait3A_102 : memref<32x128xf32, #tpu.memory_space<vmem_shared>>)
      tpu.yield
    }) : () -> ()
    %mul3A_10 = arith.constant 640 : i32
    %mul3A_11 = arith.muli %arg1, %mul3A_10 : i32
    %add3A_12 = arith.constant 32 : i32
    %add3A_13 = arith.addi %mul3A_11, %add3A_12 : i32
    "tpu.region"() ({
      %run_scoped3A = tpu.sem_alloc : memref<!tpu.dma_semaphore, #tpu.memory_space<semaphore_mem>>
      %dma_start3A = arith.constant 0 : i32
      %dma_start3A_97 = tpu.memref_slice %arg6[%add3A_13, %dma_start3A] : memref<10240x128xf32, #tpu.memory_space<vmem_shared>> -> memref<32x128xf32, #tpu.memory_space<vmem_shared>>
      %dma_start3A_98 = arith.constant 0 : i32
      %dma_start3A_99 = tpu.memref_slice %arg6[%add3A_13, %dma_start3A_98] : memref<10240x128xf32, #tpu.memory_space<vmem_shared>> -> memref<32x128xf32, #tpu.memory_space<vmem_shared>>
      tpu.enqueue_dma source(%arg13 : memref<32x128xf32, #tpu.memory_space<vmem>>) target(%dma_start3A_99 : memref<32x128xf32, #tpu.memory_space<vmem_shared>>) target_semaphore(%run_scoped3A : memref<!tpu.dma_semaphore, #tpu.memory_space<semaphore_mem>>)
      %dma_wait3A = arith.constant 0 : i32
      %dma_wait3A_100 = tpu.memref_slice %arg6[%add3A_13, %dma_wait3A] : memref<10240x128xf32, #tpu.memory_space<vmem_shared>> -> memref<32x128xf32, #tpu.memory_space<vmem_shared>>
      %dma_wait3A_101 = arith.constant 0 : i32
      %dma_wait3A_102 = tpu.memref_slice %arg6[%add3A_13, %dma_wait3A_101] : memref<10240x128xf32, #tpu.memory_space<vmem_shared>> -> memref<32x128xf32, #tpu.memory_space<vmem_shared>>
      tpu.wait_dma2 semaphore(%run_scoped3A : memref<!tpu.dma_semaphore, #tpu.memory_space<semaphore_mem>>) src(%arg13 : memref<32x128xf32, #tpu.memory_space<vmem>>) dst(%dma_wait3A_102 : memref<32x128xf32, #tpu.memory_space<vmem_shared>>)
      tpu.yield
    }) : () -> ()
    %mul3A_14 = arith.constant 640 : i32
    %mul3A_15 = arith.muli %arg1, %mul3A_14 : i32
    %add3A_16 = arith.constant 64 : i32
    %add3A_17 = arith.addi %mul3A_15, %add3A_16 : i32
    "tpu.region"() ({
      %run_scoped3A = tpu.sem_alloc : memref<!tpu.dma_semaphore, #tpu.memory_space<semaphore_mem>>
      %dma_start3A = arith.constant 0 : i32
      %dma_start3A_97 = tpu.memref_slice %arg6[%add3A_17, %dma_start3A] : memref<10240x128xf32, #tpu.memory_space<vmem_shared>> -> memref<32x128xf32, #tpu.memory_space<vmem_shared>>
      %dma_start3A_98 = arith.constant 0 : i32
      %dma_start3A_99 = tpu.memref_slice %arg6[%add3A_17, %dma_start3A_98] : memref<10240x128xf32, #tpu.memory_space<vmem_shared>> -> memref<32x128xf32, #tpu.memory_space<vmem_shared>>
      tpu.enqueue_dma source(%arg13 : memref<32x128xf32, #tpu.memory_space<vmem>>) target(%dma_start3A_99 : memref<32x128xf32, #tpu.memory_space<vmem_shared>>) target_semaphore(%run_scoped3A : memref<!tpu.dma_semaphore, #tpu.memory_space<semaphore_mem>>)
      %dma_wait3A = arith.constant 0 : i32
      %dma_wait3A_100 = tpu.memref_slice %arg6[%add3A_17, %dma_wait3A] : memref<10240x128xf32, #tpu.memory_space<vmem_shared>> -> memref<32x128xf32, #tpu.memory_space<vmem_shared>>
      %dma_wait3A_101 = arith.constant 0 : i32
      %dma_wait3A_102 = tpu.memref_slice %arg6[%add3A_17, %dma_wait3A_101] : memref<10240x128xf32, #tpu.memory_space<vmem_shared>> -> memref<32x128xf32, #tpu.memory_space<vmem_shared>>
      tpu.wait_dma2 semaphore(%run_scoped3A : memref<!tpu.dma_semaphore, #tpu.memory_space<semaphore_mem>>) src(%arg13 : memref<32x128xf32, #tpu.memory_space<vmem>>) dst(%dma_wait3A_102 : memref<32x128xf32, #tpu.memory_space<vmem_shared>>)
      tpu.yield
    }) : () -> ()
    %mul3A_18 = arith.constant 640 : i32
    %mul3A_19 = arith.muli %arg1, %mul3A_18 : i32
    %add3A_20 = arith.constant 96 : i32
    %add3A_21 = arith.addi %mul3A_19, %add3A_20 : i32
    "tpu.region"() ({
      %run_scoped3A = tpu.sem_alloc : memref<!tpu.dma_semaphore, #tpu.memory_space<semaphore_mem>>
      %dma_start3A = arith.constant 0 : i32
      %dma_start3A_97 = tpu.memref_slice %arg6[%add3A_21, %dma_start3A] : memref<10240x128xf32, #tpu.memory_space<vmem_shared>> -> memref<32x128xf32, #tpu.memory_space<vmem_shared>>
      %dma_start3A_98 = arith.constant 0 : i32
      %dma_start3A_99 = tpu.memref_slice %arg6[%add3A_21, %dma_start3A_98] : memref<10240x128xf32, #tpu.memory_space<vmem_shared>> -> memref<32x128xf32, #tpu.memory_space<vmem_shared>>
      tpu.enqueue_dma source(%arg13 : memref<32x128xf32, #tpu.memory_space<vmem>>) target(%dma_start3A_99 : memref<32x128xf32, #tpu.memory_space<vmem_shared>>) target_semaphore(%run_scoped3A : memref<!tpu.dma_semaphore, #tpu.memory_space<semaphore_mem>>)
      %dma_wait3A = arith.constant 0 : i32
      %dma_wait3A_100 = tpu.memref_slice %arg6[%add3A_21, %dma_wait3A] : memref<10240x128xf32, #tpu.memory_space<vmem_shared>> -> memref<32x128xf32, #tpu.memory_space<vmem_shared>>
      %dma_wait3A_101 = arith.constant 0 : i32
      %dma_wait3A_102 = tpu.memref_slice %arg6[%add3A_21, %dma_wait3A_101] : memref<10240x128xf32, #tpu.memory_space<vmem_shared>> -> memref<32x128xf32, #tpu.memory_space<vmem_shared>>
      tpu.wait_dma2 semaphore(%run_scoped3A : memref<!tpu.dma_semaphore, #tpu.memory_space<semaphore_mem>>) src(%arg13 : memref<32x128xf32, #tpu.memory_space<vmem>>) dst(%dma_wait3A_102 : memref<32x128xf32, #tpu.memory_space<vmem_shared>>)
      tpu.yield
    }) : () -> ()
    %mul3A_22 = arith.constant 640 : i32
    %mul3A_23 = arith.muli %arg1, %mul3A_22 : i32
    %add3A_24 = arith.constant 128 : i32
    %add3A_25 = arith.addi %mul3A_23, %add3A_24 : i32
    "tpu.region"() ({
      %run_scoped3A = tpu.sem_alloc : memref<!tpu.dma_semaphore, #tpu.memory_space<semaphore_mem>>
      %dma_start3A = arith.constant 0 : i32
      %dma_start3A_97 = tpu.memref_slice %arg6[%add3A_25, %dma_start3A] : memref<10240x128xf32, #tpu.memory_space<vmem_shared>> -> memref<32x128xf32, #tpu.memory_space<vmem_shared>>
      %dma_start3A_98 = arith.constant 0 : i32
      %dma_start3A_99 = tpu.memref_slice %arg6[%add3A_25, %dma_start3A_98] : memref<10240x128xf32, #tpu.memory_space<vmem_shared>> -> memref<32x128xf32, #tpu.memory_space<vmem_shared>>
      tpu.enqueue_dma source(%arg13 : memref<32x128xf32, #tpu.memory_space<vmem>>) target(%dma_start3A_99 : memref<32x128xf32, #tpu.memory_space<vmem_shared>>) target_semaphore(%run_scoped3A : memref<!tpu.dma_semaphore, #tpu.memory_space<semaphore_mem>>)
      %dma_wait3A = arith.constant 0 : i32
      %dma_wait3A_100 = tpu.memref_slice %arg6[%add3A_25, %dma_wait3A] : memref<10240x128xf32, #tpu.memory_space<vmem_shared>> -> memref<32x128xf32, #tpu.memory_space<vmem_shared>>
      %dma_wait3A_101 = arith.constant 0 : i32
      %dma_wait3A_102 = tpu.memref_slice %arg6[%add3A_25, %dma_wait3A_101] : memref<10240x128xf32, #tpu.memory_space<vmem_shared>> -> memref<32x128xf32, #tpu.memory_space<vmem_shared>>
      tpu.wait_dma2 semaphore(%run_scoped3A : memref<!tpu.dma_semaphore, #tpu.memory_space<semaphore_mem>>) src(%arg13 : memref<32x128xf32, #tpu.memory_space<vmem>>) dst(%dma_wait3A_102 : memref<32x128xf32, #tpu.memory_space<vmem_shared>>)
      tpu.yield
    }) : () -> ()
    %mul3A_26 = arith.constant 640 : i32
    %mul3A_27 = arith.muli %arg1, %mul3A_26 : i32
    %add3A_28 = arith.constant 160 : i32
    %add3A_29 = arith.addi %mul3A_27, %add3A_28 : i32
    "tpu.region"() ({
      %run_scoped3A = tpu.sem_alloc : memref<!tpu.dma_semaphore, #tpu.memory_space<semaphore_mem>>
      %dma_start3A = arith.constant 0 : i32
      %dma_start3A_97 = tpu.memref_slice %arg6[%add3A_29, %dma_start3A] : memref<10240x128xf32, #tpu.memory_space<vmem_shared>> -> memref<32x128xf32, #tpu.memory_space<vmem_shared>>
      %dma_start3A_98 = arith.constant 0 : i32
      %dma_start3A_99 = tpu.memref_slice %arg6[%add3A_29, %dma_start3A_98] : memref<10240x128xf32, #tpu.memory_space<vmem_shared>> -> memref<32x128xf32, #tpu.memory_space<vmem_shared>>
      tpu.enqueue_dma source(%arg13 : memref<32x128xf32, #tpu.memory_space<vmem>>) target(%dma_start3A_99 : memref<32x128xf32, #tpu.memory_space<vmem_shared>>) target_semaphore(%run_scoped3A : memref<!tpu.dma_semaphore, #tpu.memory_space<semaphore_mem>>)
      %dma_wait3A = arith.constant 0 : i32
      %dma_wait3A_100 = tpu.memref_slice %arg6[%add3A_29, %dma_wait3A] : memref<10240x128xf32, #tpu.memory_space<vmem_shared>> -> memref<32x128xf32, #tpu.memory_space<vmem_shared>>
      %dma_wait3A_101 = arith.constant 0 : i32
      %dma_wait3A_102 = tpu.memref_slice %arg6[%add3A_29, %dma_wait3A_101] : memref<10240x128xf32, #tpu.memory_space<vmem_shared>> -> memref<32x128xf32, #tpu.memory_space<vmem_shared>>
      tpu.wait_dma2 semaphore(%run_scoped3A : memref<!tpu.dma_semaphore, #tpu.memory_space<semaphore_mem>>) src(%arg13 : memref<32x128xf32, #tpu.memory_space<vmem>>) dst(%dma_wait3A_102 : memref<32x128xf32, #tpu.memory_space<vmem_shared>>)
      tpu.yield
    }) : () -> ()
    %mul3A_30 = arith.constant 640 : i32
    %mul3A_31 = arith.muli %arg1, %mul3A_30 : i32
    %add3A_32 = arith.constant 192 : i32
    %add3A_33 = arith.addi %mul3A_31, %add3A_32 : i32
    "tpu.region"() ({
      %run_scoped3A = tpu.sem_alloc : memref<!tpu.dma_semaphore, #tpu.memory_space<semaphore_mem>>
      %dma_start3A = arith.constant 0 : i32
      %dma_start3A_97 = tpu.memref_slice %arg6[%add3A_33, %dma_start3A] : memref<10240x128xf32, #tpu.memory_space<vmem_shared>> -> memref<32x128xf32, #tpu.memory_space<vmem_shared>>
      %dma_start3A_98 = arith.constant 0 : i32
      %dma_start3A_99 = tpu.memref_slice %arg6[%add3A_33, %dma_start3A_98] : memref<10240x128xf32, #tpu.memory_space<vmem_shared>> -> memref<32x128xf32, #tpu.memory_space<vmem_shared>>
      tpu.enqueue_dma source(%arg13 : memref<32x128xf32, #tpu.memory_space<vmem>>) target(%dma_start3A_99 : memref<32x128xf32, #tpu.memory_space<vmem_shared>>) target_semaphore(%run_scoped3A : memref<!tpu.dma_semaphore, #tpu.memory_space<semaphore_mem>>)
      %dma_wait3A = arith.constant 0 : i32
      %dma_wait3A_100 = tpu.memref_slice %arg6[%add3A_33, %dma_wait3A] : memref<10240x128xf32, #tpu.memory_space<vmem_shared>> -> memref<32x128xf32, #tpu.memory_space<vmem_shared>>
      %dma_wait3A_101 = arith.constant 0 : i32
      %dma_wait3A_102 = tpu.memref_slice %arg6[%add3A_33, %dma_wait3A_101] : memref<10240x128xf32, #tpu.memory_space<vmem_shared>> -> memref<32x128xf32, #tpu.memory_space<vmem_shared>>
      tpu.wait_dma2 semaphore(%run_scoped3A : memref<!tpu.dma_semaphore, #tpu.memory_space<semaphore_mem>>) src(%arg13 : memref<32x128xf32, #tpu.memory_space<vmem>>) dst(%dma_wait3A_102 : memref<32x128xf32, #tpu.memory_space<vmem_shared>>)
      tpu.yield
    }) : () -> ()
    %mul3A_34 = arith.constant 640 : i32
    %mul3A_35 = arith.muli %arg1, %mul3A_34 : i32
    %add3A_36 = arith.constant 224 : i32
    %add3A_37 = arith.addi %mul3A_35, %add3A_36 : i32
    "tpu.region"() ({
      %run_scoped3A = tpu.sem_alloc : memref<!tpu.dma_semaphore, #tpu.memory_space<semaphore_mem>>
      %dma_start3A = arith.constant 0 : i32
      %dma_start3A_97 = tpu.memref_slice %arg6[%add3A_37, %dma_start3A] : memref<10240x128xf32, #tpu.memory_space<vmem_shared>> -> memref<32x128xf32, #tpu.memory_space<vmem_shared>>
      %dma_start3A_98 = arith.constant 0 : i32
      %dma_start3A_99 = tpu.memref_slice %arg6[%add3A_37, %dma_start3A_98] : memref<10240x128xf32, #tpu.memory_space<vmem_shared>> -> memref<32x128xf32, #tpu.memory_space<vmem_shared>>
      tpu.enqueue_dma source(%arg13 : memref<32x128xf32, #tpu.memory_space<vmem>>) target(%dma_start3A_99 : memref<32x128xf32, #tpu.memory_space<vmem_shared>>) target_semaphore(%run_scoped3A : memref<!tpu.dma_semaphore, #tpu.memory_space<semaphore_mem>>)
      %dma_wait3A = arith.constant 0 : i32
      %dma_wait3A_100 = tpu.memref_slice %arg6[%add3A_37, %dma_wait3A] : memref<10240x128xf32, #tpu.memory_space<vmem_shared>> -> memref<32x128xf32, #tpu.memory_space<vmem_shared>>
      %dma_wait3A_101 = arith.constant 0 : i32
      %dma_wait3A_102 = tpu.memref_slice %arg6[%add3A_37, %dma_wait3A_101] : memref<10240x128xf32, #tpu.memory_space<vmem_shared>> -> memref<32x128xf32, #tpu.memory_space<vmem_shared>>
      tpu.wait_dma2 semaphore(%run_scoped3A : memref<!tpu.dma_semaphore, #tpu.memory_space<semaphore_mem>>) src(%arg13 : memref<32x128xf32, #tpu.memory_space<vmem>>) dst(%dma_wait3A_102 : memref<32x128xf32, #tpu.memory_space<vmem_shared>>)
      tpu.yield
    }) : () -> ()
    %mul3A_38 = arith.constant 640 : i32
    %mul3A_39 = arith.muli %arg1, %mul3A_38 : i32
    %add3A_40 = arith.constant 256 : i32
    %add3A_41 = arith.addi %mul3A_39, %add3A_40 : i32
    "tpu.region"() ({
      %run_scoped3A = tpu.sem_alloc : memref<!tpu.dma_semaphore, #tpu.memory_space<semaphore_mem>>
      %dma_start3A = arith.constant 0 : i32
      %dma_start3A_97 = tpu.memref_slice %arg6[%add3A_41, %dma_start3A] : memref<10240x128xf32, #tpu.memory_space<vmem_shared>> -> memref<32x128xf32, #tpu.memory_space<vmem_shared>>
      %dma_start3A_98 = arith.constant 0 : i32
      %dma_start3A_99 = tpu.memref_slice %arg6[%add3A_41, %dma_start3A_98] : memref<10240x128xf32, #tpu.memory_space<vmem_shared>> -> memref<32x128xf32, #tpu.memory_space<vmem_shared>>
      tpu.enqueue_dma source(%arg13 : memref<32x128xf32, #tpu.memory_space<vmem>>) target(%dma_start3A_99 : memref<32x128xf32, #tpu.memory_space<vmem_shared>>) target_semaphore(%run_scoped3A : memref<!tpu.dma_semaphore, #tpu.memory_space<semaphore_mem>>)
      %dma_wait3A = arith.constant 0 : i32
      %dma_wait3A_100 = tpu.memref_slice %arg6[%add3A_41, %dma_wait3A] : memref<10240x128xf32, #tpu.memory_space<vmem_shared>> -> memref<32x128xf32, #tpu.memory_space<vmem_shared>>
      %dma_wait3A_101 = arith.constant 0 : i32
      %dma_wait3A_102 = tpu.memref_slice %arg6[%add3A_41, %dma_wait3A_101] : memref<10240x128xf32, #tpu.memory_space<vmem_shared>> -> memref<32x128xf32, #tpu.memory_space<vmem_shared>>
      tpu.wait_dma2 semaphore(%run_scoped3A : memref<!tpu.dma_semaphore, #tpu.memory_space<semaphore_mem>>) src(%arg13 : memref<32x128xf32, #tpu.memory_space<vmem>>) dst(%dma_wait3A_102 : memref<32x128xf32, #tpu.memory_space<vmem_shared>>)
      tpu.yield
    }) : () -> ()
    %mul3A_42 = arith.constant 640 : i32
    %mul3A_43 = arith.muli %arg1, %mul3A_42 : i32
    %add3A_44 = arith.constant 288 : i32
    %add3A_45 = arith.addi %mul3A_43, %add3A_44 : i32
    "tpu.region"() ({
      %run_scoped3A = tpu.sem_alloc : memref<!tpu.dma_semaphore, #tpu.memory_space<semaphore_mem>>
      %dma_start3A = arith.constant 0 : i32
      %dma_start3A_97 = tpu.memref_slice %arg6[%add3A_45, %dma_start3A] : memref<10240x128xf32, #tpu.memory_space<vmem_shared>> -> memref<32x128xf32, #tpu.memory_space<vmem_shared>>
      %dma_start3A_98 = arith.constant 0 : i32
      %dma_start3A_99 = tpu.memref_slice %arg6[%add3A_45, %dma_start3A_98] : memref<10240x128xf32, #tpu.memory_space<vmem_shared>> -> memref<32x128xf32, #tpu.memory_space<vmem_shared>>
      tpu.enqueue_dma source(%arg13 : memref<32x128xf32, #tpu.memory_space<vmem>>) target(%dma_start3A_99 : memref<32x128xf32, #tpu.memory_space<vmem_shared>>) target_semaphore(%run_scoped3A : memref<!tpu.dma_semaphore, #tpu.memory_space<semaphore_mem>>)
      %dma_wait3A = arith.constant 0 : i32
      %dma_wait3A_100 = tpu.memref_slice %arg6[%add3A_45, %dma_wait3A] : memref<10240x128xf32, #tpu.memory_space<vmem_shared>> -> memref<32x128xf32, #tpu.memory_space<vmem_shared>>
      %dma_wait3A_101 = arith.constant 0 : i32
      %dma_wait3A_102 = tpu.memref_slice %arg6[%add3A_45, %dma_wait3A_101] : memref<10240x128xf32, #tpu.memory_space<vmem_shared>> -> memref<32x128xf32, #tpu.memory_space<vmem_shared>>
      tpu.wait_dma2 semaphore(%run_scoped3A : memref<!tpu.dma_semaphore, #tpu.memory_space<semaphore_mem>>) src(%arg13 : memref<32x128xf32, #tpu.memory_space<vmem>>) dst(%dma_wait3A_102 : memref<32x128xf32, #tpu.memory_space<vmem_shared>>)
      tpu.yield
    }) : () -> ()
    %mul3A_46 = arith.constant 640 : i32
    %mul3A_47 = arith.muli %arg1, %mul3A_46 : i32
    %add3A_48 = arith.constant 320 : i32
    %add3A_49 = arith.addi %mul3A_47, %add3A_48 : i32
    "tpu.region"() ({
      %run_scoped3A = tpu.sem_alloc : memref<!tpu.dma_semaphore, #tpu.memory_space<semaphore_mem>>
      %dma_start3A = arith.constant 0 : i32
      %dma_start3A_97 = tpu.memref_slice %arg6[%add3A_49, %dma_start3A] : memref<10240x128xf32, #tpu.memory_space<vmem_shared>> -> memref<32x128xf32, #tpu.memory_space<vmem_shared>>
      %dma_start3A_98 = arith.constant 0 : i32
      %dma_start3A_99 = tpu.memref_slice %arg6[%add3A_49, %dma_start3A_98] : memref<10240x128xf32, #tpu.memory_space<vmem_shared>> -> memref<32x128xf32, #tpu.memory_space<vmem_shared>>
      tpu.enqueue_dma source(%arg13 : memref<32x128xf32, #tpu.memory_space<vmem>>) target(%dma_start3A_99 : memref<32x128xf32, #tpu.memory_space<vmem_shared>>) target_semaphore(%run_scoped3A : memref<!tpu.dma_semaphore, #tpu.memory_space<semaphore_mem>>)
      %dma_wait3A = arith.constant 0 : i32
      %dma_wait3A_100 = tpu.memref_slice %arg6[%add3A_49, %dma_wait3A] : memref<10240x128xf32, #tpu.memory_space<vmem_shared>> -> memref<32x128xf32, #tpu.memory_space<vmem_shared>>
      %dma_wait3A_101 = arith.constant 0 : i32
      %dma_wait3A_102 = tpu.memref_slice %arg6[%add3A_49, %dma_wait3A_101] : memref<10240x128xf32, #tpu.memory_space<vmem_shared>> -> memref<32x128xf32, #tpu.memory_space<vmem_shared>>
      tpu.wait_dma2 semaphore(%run_scoped3A : memref<!tpu.dma_semaphore, #tpu.memory_space<semaphore_mem>>) src(%arg13 : memref<32x128xf32, #tpu.memory_space<vmem>>) dst(%dma_wait3A_102 : memref<32x128xf32, #tpu.memory_space<vmem_shared>>)
      tpu.yield
    }) : () -> ()
    %mul3A_50 = arith.constant 640 : i32
    %mul3A_51 = arith.muli %arg1, %mul3A_50 : i32
    %add3A_52 = arith.constant 352 : i32
    %add3A_53 = arith.addi %mul3A_51, %add3A_52 : i32
    "tpu.region"() ({
      %run_scoped3A = tpu.sem_alloc : memref<!tpu.dma_semaphore, #tpu.memory_space<semaphore_mem>>
      %dma_start3A = arith.constant 0 : i32
      %dma_start3A_97 = tpu.memref_slice %arg6[%add3A_53, %dma_start3A] : memref<10240x128xf32, #tpu.memory_space<vmem_shared>> -> memref<32x128xf32, #tpu.memory_space<vmem_shared>>
      %dma_start3A_98 = arith.constant 0 : i32
      %dma_start3A_99 = tpu.memref_slice %arg6[%add3A_53, %dma_start3A_98] : memref<10240x128xf32, #tpu.memory_space<vmem_shared>> -> memref<32x128xf32, #tpu.memory_space<vmem_shared>>
      tpu.enqueue_dma source(%arg13 : memref<32x128xf32, #tpu.memory_space<vmem>>) target(%dma_start3A_99 : memref<32x128xf32, #tpu.memory_space<vmem_shared>>) target_semaphore(%run_scoped3A : memref<!tpu.dma_semaphore, #tpu.memory_space<semaphore_mem>>)
      %dma_wait3A = arith.constant 0 : i32
      %dma_wait3A_100 = tpu.memref_slice %arg6[%add3A_53, %dma_wait3A] : memref<10240x128xf32, #tpu.memory_space<vmem_shared>> -> memref<32x128xf32, #tpu.memory_space<vmem_shared>>
      %dma_wait3A_101 = arith.constant 0 : i32
      %dma_wait3A_102 = tpu.memref_slice %arg6[%add3A_53, %dma_wait3A_101] : memref<10240x128xf32, #tpu.memory_space<vmem_shared>> -> memref<32x128xf32, #tpu.memory_space<vmem_shared>>
      tpu.wait_dma2 semaphore(%run_scoped3A : memref<!tpu.dma_semaphore, #tpu.memory_space<semaphore_mem>>) src(%arg13 : memref<32x128xf32, #tpu.memory_space<vmem>>) dst(%dma_wait3A_102 : memref<32x128xf32, #tpu.memory_space<vmem_shared>>)
      tpu.yield
    }) : () -> ()
    %mul3A_54 = arith.constant 640 : i32
    %mul3A_55 = arith.muli %arg1, %mul3A_54 : i32
    %add3A_56 = arith.constant 384 : i32
    %add3A_57 = arith.addi %mul3A_55, %add3A_56 : i32
    "tpu.region"() ({
      %run_scoped3A = tpu.sem_alloc : memref<!tpu.dma_semaphore, #tpu.memory_space<semaphore_mem>>
      %dma_start3A = arith.constant 0 : i32
      %dma_start3A_97 = tpu.memref_slice %arg6[%add3A_57, %dma_start3A] : memref<10240x128xf32, #tpu.memory_space<vmem_shared>> -> memref<32x128xf32, #tpu.memory_space<vmem_shared>>
      %dma_start3A_98 = arith.constant 0 : i32
      %dma_start3A_99 = tpu.memref_slice %arg6[%add3A_57, %dma_start3A_98] : memref<10240x128xf32, #tpu.memory_space<vmem_shared>> -> memref<32x128xf32, #tpu.memory_space<vmem_shared>>
      tpu.enqueue_dma source(%arg13 : memref<32x128xf32, #tpu.memory_space<vmem>>) target(%dma_start3A_99 : memref<32x128xf32, #tpu.memory_space<vmem_shared>>) target_semaphore(%run_scoped3A : memref<!tpu.dma_semaphore, #tpu.memory_space<semaphore_mem>>)
      %dma_wait3A = arith.constant 0 : i32
      %dma_wait3A_100 = tpu.memref_slice %arg6[%add3A_57, %dma_wait3A] : memref<10240x128xf32, #tpu.memory_space<vmem_shared>> -> memref<32x128xf32, #tpu.memory_space<vmem_shared>>
      %dma_wait3A_101 = arith.constant 0 : i32
      %dma_wait3A_102 = tpu.memref_slice %arg6[%add3A_57, %dma_wait3A_101] : memref<10240x128xf32, #tpu.memory_space<vmem_shared>> -> memref<32x128xf32, #tpu.memory_space<vmem_shared>>
      tpu.wait_dma2 semaphore(%run_scoped3A : memref<!tpu.dma_semaphore, #tpu.memory_space<semaphore_mem>>) src(%arg13 : memref<32x128xf32, #tpu.memory_space<vmem>>) dst(%dma_wait3A_102 : memref<32x128xf32, #tpu.memory_space<vmem_shared>>)
      tpu.yield
    }) : () -> ()
    %mul3A_58 = arith.constant 640 : i32
    %mul3A_59 = arith.muli %arg1, %mul3A_58 : i32
    %add3A_60 = arith.constant 416 : i32
    %add3A_61 = arith.addi %mul3A_59, %add3A_60 : i32
    "tpu.region"() ({
      %run_scoped3A = tpu.sem_alloc : memref<!tpu.dma_semaphore, #tpu.memory_space<semaphore_mem>>
      %dma_start3A = arith.constant 0 : i32
      %dma_start3A_97 = tpu.memref_slice %arg6[%add3A_61, %dma_start3A] : memref<10240x128xf32, #tpu.memory_space<vmem_shared>> -> memref<32x128xf32, #tpu.memory_space<vmem_shared>>
      %dma_start3A_98 = arith.constant 0 : i32
      %dma_start3A_99 = tpu.memref_slice %arg6[%add3A_61, %dma_start3A_98] : memref<10240x128xf32, #tpu.memory_space<vmem_shared>> -> memref<32x128xf32, #tpu.memory_space<vmem_shared>>
      tpu.enqueue_dma source(%arg13 : memref<32x128xf32, #tpu.memory_space<vmem>>) target(%dma_start3A_99 : memref<32x128xf32, #tpu.memory_space<vmem_shared>>) target_semaphore(%run_scoped3A : memref<!tpu.dma_semaphore, #tpu.memory_space<semaphore_mem>>)
      %dma_wait3A = arith.constant 0 : i32
      %dma_wait3A_100 = tpu.memref_slice %arg6[%add3A_61, %dma_wait3A] : memref<10240x128xf32, #tpu.memory_space<vmem_shared>> -> memref<32x128xf32, #tpu.memory_space<vmem_shared>>
      %dma_wait3A_101 = arith.constant 0 : i32
      %dma_wait3A_102 = tpu.memref_slice %arg6[%add3A_61, %dma_wait3A_101] : memref<10240x128xf32, #tpu.memory_space<vmem_shared>> -> memref<32x128xf32, #tpu.memory_space<vmem_shared>>
      tpu.wait_dma2 semaphore(%run_scoped3A : memref<!tpu.dma_semaphore, #tpu.memory_space<semaphore_mem>>) src(%arg13 : memref<32x128xf32, #tpu.memory_space<vmem>>) dst(%dma_wait3A_102 : memref<32x128xf32, #tpu.memory_space<vmem_shared>>)
      tpu.yield
    }) : () -> ()
    %mul3A_62 = arith.constant 640 : i32
    %mul3A_63 = arith.muli %arg1, %mul3A_62 : i32
    %add3A_64 = arith.constant 448 : i32
    %add3A_65 = arith.addi %mul3A_63, %add3A_64 : i32
    "tpu.region"() ({
      %run_scoped3A = tpu.sem_alloc : memref<!tpu.dma_semaphore, #tpu.memory_space<semaphore_mem>>
      %dma_start3A = arith.constant 0 : i32
      %dma_start3A_97 = tpu.memref_slice %arg6[%add3A_65, %dma_start3A] : memref<10240x128xf32, #tpu.memory_space<vmem_shared>> -> memref<32x128xf32, #tpu.memory_space<vmem_shared>>
      %dma_start3A_98 = arith.constant 0 : i32
      %dma_start3A_99 = tpu.memref_slice %arg6[%add3A_65, %dma_start3A_98] : memref<10240x128xf32, #tpu.memory_space<vmem_shared>> -> memref<32x128xf32, #tpu.memory_space<vmem_shared>>
      tpu.enqueue_dma source(%arg13 : memref<32x128xf32, #tpu.memory_space<vmem>>) target(%dma_start3A_99 : memref<32x128xf32, #tpu.memory_space<vmem_shared>>) target_semaphore(%run_scoped3A : memref<!tpu.dma_semaphore, #tpu.memory_space<semaphore_mem>>)
      %dma_wait3A = arith.constant 0 : i32
      %dma_wait3A_100 = tpu.memref_slice %arg6[%add3A_65, %dma_wait3A] : memref<10240x128xf32, #tpu.memory_space<vmem_shared>> -> memref<32x128xf32, #tpu.memory_space<vmem_shared>>
      %dma_wait3A_101 = arith.constant 0 : i32
      %dma_wait3A_102 = tpu.memref_slice %arg6[%add3A_65, %dma_wait3A_101] : memref<10240x128xf32, #tpu.memory_space<vmem_shared>> -> memref<32x128xf32, #tpu.memory_space<vmem_shared>>
      tpu.wait_dma2 semaphore(%run_scoped3A : memref<!tpu.dma_semaphore, #tpu.memory_space<semaphore_mem>>) src(%arg13 : memref<32x128xf32, #tpu.memory_space<vmem>>) dst(%dma_wait3A_102 : memref<32x128xf32, #tpu.memory_space<vmem_shared>>)
      tpu.yield
    }) : () -> ()
    %mul3A_66 = arith.constant 640 : i32
    %mul3A_67 = arith.muli %arg1, %mul3A_66 : i32
    %add3A_68 = arith.constant 480 : i32
    %add3A_69 = arith.addi %mul3A_67, %add3A_68 : i32
    "tpu.region"() ({
      %run_scoped3A = tpu.sem_alloc : memref<!tpu.dma_semaphore, #tpu.memory_space<semaphore_mem>>
      %dma_start3A = arith.constant 0 : i32
      %dma_start3A_97 = tpu.memref_slice %arg6[%add3A_69, %dma_start3A] : memref<10240x128xf32, #tpu.memory_space<vmem_shared>> -> memref<32x128xf32, #tpu.memory_space<vmem_shared>>
      %dma_start3A_98 = arith.constant 0 : i32
      %dma_start3A_99 = tpu.memref_slice %arg6[%add3A_69, %dma_start3A_98] : memref<10240x128xf32, #tpu.memory_space<vmem_shared>> -> memref<32x128xf32, #tpu.memory_space<vmem_shared>>
      tpu.enqueue_dma source(%arg13 : memref<32x128xf32, #tpu.memory_space<vmem>>) target(%dma_start3A_99 : memref<32x128xf32, #tpu.memory_space<vmem_shared>>) target_semaphore(%run_scoped3A : memref<!tpu.dma_semaphore, #tpu.memory_space<semaphore_mem>>)
      %dma_wait3A = arith.constant 0 : i32
      %dma_wait3A_100 = tpu.memref_slice %arg6[%add3A_69, %dma_wait3A] : memref<10240x128xf32, #tpu.memory_space<vmem_shared>> -> memref<32x128xf32, #tpu.memory_space<vmem_shared>>
      %dma_wait3A_101 = arith.constant 0 : i32
      %dma_wait3A_102 = tpu.memref_slice %arg6[%add3A_69, %dma_wait3A_101] : memref<10240x128xf32, #tpu.memory_space<vmem_shared>> -> memref<32x128xf32, #tpu.memory_space<vmem_shared>>
      tpu.wait_dma2 semaphore(%run_scoped3A : memref<!tpu.dma_semaphore, #tpu.memory_space<semaphore_mem>>) src(%arg13 : memref<32x128xf32, #tpu.memory_space<vmem>>) dst(%dma_wait3A_102 : memref<32x128xf32, #tpu.memory_space<vmem_shared>>)
      tpu.yield
    }) : () -> ()
    %mul3A_70 = arith.constant 640 : i32
    %mul3A_71 = arith.muli %arg1, %mul3A_70 : i32
    %add3A_72 = arith.constant 512 : i32
    %add3A_73 = arith.addi %mul3A_71, %add3A_72 : i32
    "tpu.region"() ({
      %run_scoped3A = tpu.sem_alloc : memref<!tpu.dma_semaphore, #tpu.memory_space<semaphore_mem>>
      %dma_start3A = arith.constant 0 : i32
      %dma_start3A_97 = tpu.memref_slice %arg6[%add3A_73, %dma_start3A] : memref<10240x128xf32, #tpu.memory_space<vmem_shared>> -> memref<32x128xf32, #tpu.memory_space<vmem_shared>>
      %dma_start3A_98 = arith.constant 0 : i32
      %dma_start3A_99 = tpu.memref_slice %arg6[%add3A_73, %dma_start3A_98] : memref<10240x128xf32, #tpu.memory_space<vmem_shared>> -> memref<32x128xf32, #tpu.memory_space<vmem_shared>>
      tpu.enqueue_dma source(%arg13 : memref<32x128xf32, #tpu.memory_space<vmem>>) target(%dma_start3A_99 : memref<32x128xf32, #tpu.memory_space<vmem_shared>>) target_semaphore(%run_scoped3A : memref<!tpu.dma_semaphore, #tpu.memory_space<semaphore_mem>>)
      %dma_wait3A = arith.constant 0 : i32
      %dma_wait3A_100 = tpu.memref_slice %arg6[%add3A_73, %dma_wait3A] : memref<10240x128xf32, #tpu.memory_space<vmem_shared>> -> memref<32x128xf32, #tpu.memory_space<vmem_shared>>
      %dma_wait3A_101 = arith.constant 0 : i32
      %dma_wait3A_102 = tpu.memref_slice %arg6[%add3A_73, %dma_wait3A_101] : memref<10240x128xf32, #tpu.memory_space<vmem_shared>> -> memref<32x128xf32, #tpu.memory_space<vmem_shared>>
      tpu.wait_dma2 semaphore(%run_scoped3A : memref<!tpu.dma_semaphore, #tpu.memory_space<semaphore_mem>>) src(%arg13 : memref<32x128xf32, #tpu.memory_space<vmem>>) dst(%dma_wait3A_102 : memref<32x128xf32, #tpu.memory_space<vmem_shared>>)
      tpu.yield
    }) : () -> ()
    %mul3A_74 = arith.constant 640 : i32
    %mul3A_75 = arith.muli %arg1, %mul3A_74 : i32
    %add3A_76 = arith.constant 544 : i32
    %add3A_77 = arith.addi %mul3A_75, %add3A_76 : i32
    "tpu.region"() ({
      %run_scoped3A = tpu.sem_alloc : memref<!tpu.dma_semaphore, #tpu.memory_space<semaphore_mem>>
      %dma_start3A = arith.constant 0 : i32
      %dma_start3A_97 = tpu.memref_slice %arg6[%add3A_77, %dma_start3A] : memref<10240x128xf32, #tpu.memory_space<vmem_shared>> -> memref<32x128xf32, #tpu.memory_space<vmem_shared>>
      %dma_start3A_98 = arith.constant 0 : i32
      %dma_start3A_99 = tpu.memref_slice %arg6[%add3A_77, %dma_start3A_98] : memref<10240x128xf32, #tpu.memory_space<vmem_shared>> -> memref<32x128xf32, #tpu.memory_space<vmem_shared>>
      tpu.enqueue_dma source(%arg13 : memref<32x128xf32, #tpu.memory_space<vmem>>) target(%dma_start3A_99 : memref<32x128xf32, #tpu.memory_space<vmem_shared>>) target_semaphore(%run_scoped3A : memref<!tpu.dma_semaphore, #tpu.memory_space<semaphore_mem>>)
      %dma_wait3A = arith.constant 0 : i32
      %dma_wait3A_100 = tpu.memref_slice %arg6[%add3A_77, %dma_wait3A] : memref<10240x128xf32, #tpu.memory_space<vmem_shared>> -> memref<32x128xf32, #tpu.memory_space<vmem_shared>>
      %dma_wait3A_101 = arith.constant 0 : i32
      %dma_wait3A_102 = tpu.memref_slice %arg6[%add3A_77, %dma_wait3A_101] : memref<10240x128xf32, #tpu.memory_space<vmem_shared>> -> memref<32x128xf32, #tpu.memory_space<vmem_shared>>
      tpu.wait_dma2 semaphore(%run_scoped3A : memref<!tpu.dma_semaphore, #tpu.memory_space<semaphore_mem>>) src(%arg13 : memref<32x128xf32, #tpu.memory_space<vmem>>) dst(%dma_wait3A_102 : memref<32x128xf32, #tpu.memory_space<vmem_shared>>)
      tpu.yield
    }) : () -> ()
    %mul3A_78 = arith.constant 640 : i32
    %mul3A_79 = arith.muli %arg1, %mul3A_78 : i32
    %add3A_80 = arith.constant 576 : i32
    %add3A_81 = arith.addi %mul3A_79, %add3A_80 : i32
    "tpu.region"() ({
      %run_scoped3A = tpu.sem_alloc : memref<!tpu.dma_semaphore, #tpu.memory_space<semaphore_mem>>
      %dma_start3A = arith.constant 0 : i32
      %dma_start3A_97 = tpu.memref_slice %arg6[%add3A_81, %dma_start3A] : memref<10240x128xf32, #tpu.memory_space<vmem_shared>> -> memref<32x128xf32, #tpu.memory_space<vmem_shared>>
      %dma_start3A_98 = arith.constant 0 : i32
      %dma_start3A_99 = tpu.memref_slice %arg6[%add3A_81, %dma_start3A_98] : memref<10240x128xf32, #tpu.memory_space<vmem_shared>> -> memref<32x128xf32, #tpu.memory_space<vmem_shared>>
      tpu.enqueue_dma source(%arg13 : memref<32x128xf32, #tpu.memory_space<vmem>>) target(%dma_start3A_99 : memref<32x128xf32, #tpu.memory_space<vmem_shared>>) target_semaphore(%run_scoped3A : memref<!tpu.dma_semaphore, #tpu.memory_space<semaphore_mem>>)
      %dma_wait3A = arith.constant 0 : i32
      %dma_wait3A_100 = tpu.memref_slice %arg6[%add3A_81, %dma_wait3A] : memref<10240x128xf32, #tpu.memory_space<vmem_shared>> -> memref<32x128xf32, #tpu.memory_space<vmem_shared>>
      %dma_wait3A_101 = arith.constant 0 : i32
      %dma_wait3A_102 = tpu.memref_slice %arg6[%add3A_81, %dma_wait3A_101] : memref<10240x128xf32, #tpu.memory_space<vmem_shared>> -> memref<32x128xf32, #tpu.memory_space<vmem_shared>>
      tpu.wait_dma2 semaphore(%run_scoped3A : memref<!tpu.dma_semaphore, #tpu.memory_space<semaphore_mem>>) src(%arg13 : memref<32x128xf32, #tpu.memory_space<vmem>>) dst(%dma_wait3A_102 : memref<32x128xf32, #tpu.memory_space<vmem_shared>>)
      tpu.yield
    }) : () -> ()
    %mul3A_82 = arith.constant 640 : i32
    %mul3A_83 = arith.muli %arg1, %mul3A_82 : i32
    %add3A_84 = arith.constant 608 : i32
    %add3A_85 = arith.addi %mul3A_83, %add3A_84 : i32
    "tpu.region"() ({
      %run_scoped3A = tpu.sem_alloc : memref<!tpu.dma_semaphore, #tpu.memory_space<semaphore_mem>>
      %dma_start3A = arith.constant 0 : i32
      %dma_start3A_97 = tpu.memref_slice %arg6[%add3A_85, %dma_start3A] : memref<10240x128xf32, #tpu.memory_space<vmem_shared>> -> memref<32x128xf32, #tpu.memory_space<vmem_shared>>
      %dma_start3A_98 = arith.constant 0 : i32
      %dma_start3A_99 = tpu.memref_slice %arg6[%add3A_85, %dma_start3A_98] : memref<10240x128xf32, #tpu.memory_space<vmem_shared>> -> memref<32x128xf32, #tpu.memory_space<vmem_shared>>
      tpu.enqueue_dma source(%arg13 : memref<32x128xf32, #tpu.memory_space<vmem>>) target(%dma_start3A_99 : memref<32x128xf32, #tpu.memory_space<vmem_shared>>) target_semaphore(%run_scoped3A : memref<!tpu.dma_semaphore, #tpu.memory_space<semaphore_mem>>)
      %dma_wait3A = arith.constant 0 : i32
      %dma_wait3A_100 = tpu.memref_slice %arg6[%add3A_85, %dma_wait3A] : memref<10240x128xf32, #tpu.memory_space<vmem_shared>> -> memref<32x128xf32, #tpu.memory_space<vmem_shared>>
      %dma_wait3A_101 = arith.constant 0 : i32
      %dma_wait3A_102 = tpu.memref_slice %arg6[%add3A_85, %dma_wait3A_101] : memref<10240x128xf32, #tpu.memory_space<vmem_shared>> -> memref<32x128xf32, #tpu.memory_space<vmem_shared>>
      tpu.wait_dma2 semaphore(%run_scoped3A : memref<!tpu.dma_semaphore, #tpu.memory_space<semaphore_mem>>) src(%arg13 : memref<32x128xf32, #tpu.memory_space<vmem>>) dst(%dma_wait3A_102 : memref<32x128xf32, #tpu.memory_space<vmem_shared>>)
      tpu.yield
    }) : () -> ()
    %barrier3A = arith.constant 0 : index
    tpu.barrier barrier_id(%barrier3A)
    %scan3A_86 = arith.constant 0 : i32
    %scan3A_87 = arith.constant 0 : i32
    %scan3A_88 = arith.constant 40 : i32
    %scan3A_89 = arith.addi %scan3A_87, %scan3A_88 : i32
    %scan3A_90 = arith.constant 1 : i32
    scf.for %scan3A_97 = %scan3A_87 to %scan3A_89 step %scan3A_90  : i32 {
      %mul3A_98 = arith.constant 80 : i32
      %mul3A_99 = arith.muli %add3A, %mul3A_98 : i32
      %mul3A_100 = arith.constant 2 : i32
      %mul3A_101 = arith.muli %mul3A_100, %scan3A_97 : i32
      %add3A_102 = arith.addi %mul3A_99, %mul3A_101 : i32
      %mul3A_103 = arith.constant 128 : i32
      %mul3A_104 = arith.muli %add3A_102, %mul3A_103 : i32
      %dma_start3A = tpu.memref_slice %arg3[%mul3A_104] : memref<327680xi32, #tpu.memory_space<hbm>> -> memref<128xi32, #tpu.memory_space<hbm>>
      %dma_start3A_105 = tpu.memref_slice %arg3[%mul3A_104] : memref<327680xi32, #tpu.memory_space<hbm>> -> memref<128xi32, #tpu.memory_space<hbm>>
      tpu.enqueue_dma source(%dma_start3A_105 : memref<128xi32, #tpu.memory_space<hbm>>) target(%arg7 : memref<128xi32, #tpu.memory_space<vmem>>) target_semaphore(%arg14 : memref<!tpu.dma_semaphore, #tpu.memory_space<semaphore_mem>>)
      %dma_start3A_106 = tpu.memref_slice %arg4[%mul3A_104] : memref<327680xi32, #tpu.memory_space<hbm>> -> memref<128xi32, #tpu.memory_space<hbm>>
      %dma_start3A_107 = tpu.memref_slice %arg4[%mul3A_104] : memref<327680xi32, #tpu.memory_space<hbm>> -> memref<128xi32, #tpu.memory_space<hbm>>
      tpu.enqueue_dma source(%dma_start3A_107 : memref<128xi32, #tpu.memory_space<hbm>>) target(%arg8 : memref<128xi32, #tpu.memory_space<vmem>>) target_semaphore(%arg14 : memref<!tpu.dma_semaphore, #tpu.memory_space<semaphore_mem>>)
      %add3A_108 = arith.constant 128 : i32
      %add3A_109 = arith.addi %mul3A_104, %add3A_108 : i32
      %dma_start3A_110 = tpu.memref_slice %arg3[%add3A_109] : memref<327680xi32, #tpu.memory_space<hbm>> -> memref<128xi32, #tpu.memory_space<hbm>>
      %dma_start3A_111 = tpu.memref_slice %arg3[%add3A_109] : memref<327680xi32, #tpu.memory_space<hbm>> -> memref<128xi32, #tpu.memory_space<hbm>>
      tpu.enqueue_dma source(%dma_start3A_111 : memref<128xi32, #tpu.memory_space<hbm>>) target(%arg9 : memref<128xi32, #tpu.memory_space<vmem>>) target_semaphore(%arg15 : memref<!tpu.dma_semaphore, #tpu.memory_space<semaphore_mem>>)
      %add3A_112 = arith.constant 128 : i32
      %add3A_113 = arith.addi %mul3A_104, %add3A_112 : i32
      %dma_start3A_114 = tpu.memref_slice %arg4[%add3A_113] : memref<327680xi32, #tpu.memory_space<hbm>> -> memref<128xi32, #tpu.memory_space<hbm>>
      %dma_start3A_115 = tpu.memref_slice %arg4[%add3A_113] : memref<327680xi32, #tpu.memory_space<hbm>> -> memref<128xi32, #tpu.memory_space<hbm>>
      tpu.enqueue_dma source(%dma_start3A_115 : memref<128xi32, #tpu.memory_space<hbm>>) target(%arg10 : memref<128xi32, #tpu.memory_space<vmem>>) target_semaphore(%arg15 : memref<!tpu.dma_semaphore, #tpu.memory_space<semaphore_mem>>)
      %dma_wait3A = tpu.memref_slice %arg3[%mul3A_104] : memref<327680xi32, #tpu.memory_space<hbm>> -> memref<128xi32, #tpu.memory_space<hbm>>
      %dma_wait3A_116 = tpu.memref_slice %arg3[%mul3A_104] : memref<327680xi32, #tpu.memory_space<hbm>> -> memref<128xi32, #tpu.memory_space<hbm>>
      tpu.wait_dma2 semaphore(%arg14 : memref<!tpu.dma_semaphore, #tpu.memory_space<semaphore_mem>>) src(%dma_wait3A_116 : memref<128xi32, #tpu.memory_space<hbm>>) dst(%arg7 : memref<128xi32, #tpu.memory_space<vmem>>)
      %dma_wait3A_117 = tpu.memref_slice %arg4[%mul3A_104] : memref<327680xi32, #tpu.memory_space<hbm>> -> memref<128xi32, #tpu.memory_space<hbm>>
      %dma_wait3A_118 = tpu.memref_slice %arg4[%mul3A_104] : memref<327680xi32, #tpu.memory_space<hbm>> -> memref<128xi32, #tpu.memory_space<hbm>>
      tpu.wait_dma2 semaphore(%arg14 : memref<!tpu.dma_semaphore, #tpu.memory_space<semaphore_mem>>) src(%dma_wait3A_118 : memref<128xi32, #tpu.memory_space<hbm>>) dst(%arg8 : memref<128xi32, #tpu.memory_space<vmem>>)
      %dma_start3A_119 = arith.constant 0 : i32
      %dma_start3A_120 = arith.constant 0 : i32
      %dma_start3A_121 = tpu.memref_slice %arg2[%dma_start3A_119, %dma_start3A_120] : memref<10000x128xf32, #tpu.memory_space<hbm>> -> memref<10000x128xf32, #tpu.memory_space<hbm>>
      tpu.enqueue_indirect_dma source(%dma_start3A_121 : memref<10000x128xf32, #tpu.memory_space<hbm>>) target(%arg11 : memref<128x128xf32, #tpu.memory_space<vmem>>) offsets(%arg7 : memref<128xi32, #tpu.memory_space<vmem>>) semaphore(%arg14 : memref<!tpu.dma_semaphore, #tpu.memory_space<semaphore_mem>>)
      %dma_wait3A_122 = tpu.memref_slice %arg3[%add3A_109] : memref<327680xi32, #tpu.memory_space<hbm>> -> memref<128xi32, #tpu.memory_space<hbm>>
      %dma_wait3A_123 = tpu.memref_slice %arg3[%add3A_109] : memref<327680xi32, #tpu.memory_space<hbm>> -> memref<128xi32, #tpu.memory_space<hbm>>
      tpu.wait_dma2 semaphore(%arg15 : memref<!tpu.dma_semaphore, #tpu.memory_space<semaphore_mem>>) src(%dma_wait3A_123 : memref<128xi32, #tpu.memory_space<hbm>>) dst(%arg9 : memref<128xi32, #tpu.memory_space<vmem>>)
      %dma_wait3A_124 = tpu.memref_slice %arg4[%add3A_113] : memref<327680xi32, #tpu.memory_space<hbm>> -> memref<128xi32, #tpu.memory_space<hbm>>
      %dma_wait3A_125 = tpu.memref_slice %arg4[%add3A_113] : memref<327680xi32, #tpu.memory_space<hbm>> -> memref<128xi32, #tpu.memory_space<hbm>>
      tpu.wait_dma2 semaphore(%arg15 : memref<!tpu.dma_semaphore, #tpu.memory_space<semaphore_mem>>) src(%dma_wait3A_125 : memref<128xi32, #tpu.memory_space<hbm>>) dst(%arg10 : memref<128xi32, #tpu.memory_space<vmem>>)
      %dma_start3A_126 = arith.constant 0 : i32
      %dma_start3A_127 = arith.constant 0 : i32
      %dma_start3A_128 = tpu.memref_slice %arg2[%dma_start3A_126, %dma_start3A_127] : memref<10000x128xf32, #tpu.memory_space<hbm>> -> memref<10000x128xf32, #tpu.memory_space<hbm>>
      tpu.enqueue_indirect_dma source(%dma_start3A_128 : memref<10000x128xf32, #tpu.memory_space<hbm>>) target(%arg12 : memref<128x128xf32, #tpu.memory_space<vmem>>) offsets(%arg9 : memref<128xi32, #tpu.memory_space<vmem>>) semaphore(%arg15 : memref<!tpu.dma_semaphore, #tpu.memory_space<semaphore_mem>>)
      %dma_wait3A_129 = arith.constant 0 : i32
      %dma_wait3A_130 = arith.constant 0 : i32
      %dma_wait3A_131 = tpu.memref_slice %arg2[%dma_wait3A_129, %dma_wait3A_130] : memref<10000x128xf32, #tpu.memory_space<hbm>> -> memref<10000x128xf32, #tpu.memory_space<hbm>>
      tpu.wait_indirect_dma semaphore(%arg14 : memref<!tpu.dma_semaphore, #tpu.memory_space<semaphore_mem>>) src(%dma_wait3A_131 : memref<10000x128xf32, #tpu.memory_space<hbm>>) dst(%arg11 : memref<128x128xf32, #tpu.memory_space<vmem>>)
      "tpu.region"() ({
        %run_scoped3A = tpu.sem_alloc : memref<!tpu.dma_semaphore, #tpu.memory_space<semaphore_mem>>
        %dma_start3A_135 = arith.constant 0 : i32
        %dma_start3A_136 = arith.constant 0 : i32
        %dma_start3A_137 = tpu.memref_slice %arg6[%dma_start3A_135, %dma_start3A_136] : memref<10240x128xf32, #tpu.memory_space<vmem_shared>> -> memref<10240x128xf32, #tpu.memory_space<vmem_shared>>
        tpu.enqueue_indirect_dma source(%arg11 : memref<128x128xf32, #tpu.memory_space<vmem>>) target(%dma_start3A_137 : memref<10240x128xf32, #tpu.memory_space<vmem_shared>>) offsets(%arg8 : memref<128xi32, #tpu.memory_space<vmem>>) semaphore(%run_scoped3A : memref<!tpu.dma_semaphore, #tpu.memory_space<semaphore_mem>>) {add = true}
        %dma_wait3A_138 = arith.constant 0 : i32
        %dma_wait3A_139 = arith.constant 0 : i32
        %dma_wait3A_140 = tpu.memref_slice %arg6[%dma_wait3A_138, %dma_wait3A_139] : memref<10240x128xf32, #tpu.memory_space<vmem_shared>> -> memref<10240x128xf32, #tpu.memory_space<vmem_shared>>
        tpu.wait_indirect_dma semaphore(%run_scoped3A : memref<!tpu.dma_semaphore, #tpu.memory_space<semaphore_mem>>) src(%arg11 : memref<128x128xf32, #tpu.memory_space<vmem>>) dst(%dma_wait3A_140 : memref<10240x128xf32, #tpu.memory_space<vmem_shared>>)
        tpu.yield
      }) : () -> ()
      %dma_wait3A_132 = arith.constant 0 : i32
      %dma_wait3A_133 = arith.constant 0 : i32
      %dma_wait3A_134 = tpu.memref_slice %arg2[%dma_wait3A_132, %dma_wait3A_133] : memref<10000x128xf32, #tpu.memory_space<hbm>> -> memref<10000x128xf32, #tpu.memory_space<hbm>>
      tpu.wait_indirect_dma semaphore(%arg15 : memref<!tpu.dma_semaphore, #tpu.memory_space<semaphore_mem>>) src(%dma_wait3A_134 : memref<10000x128xf32, #tpu.memory_space<hbm>>) dst(%arg12 : memref<128x128xf32, #tpu.memory_space<vmem>>)
      "tpu.region"() ({
        %run_scoped3A = tpu.sem_alloc : memref<!tpu.dma_semaphore, #tpu.memory_space<semaphore_mem>>
        %dma_start3A_135 = arith.constant 0 : i32
        %dma_start3A_136 = arith.constant 0 : i32
        %dma_start3A_137 = tpu.memref_slice %arg6[%dma_start3A_135, %dma_start3A_136] : memref<10240x128xf32, #tpu.memory_space<vmem_shared>> -> memref<10240x128xf32, #tpu.memory_space<vmem_shared>>
        tpu.enqueue_indirect_dma source(%arg12 : memref<128x128xf32, #tpu.memory_space<vmem>>) target(%dma_start3A_137 : memref<10240x128xf32, #tpu.memory_space<vmem_shared>>) offsets(%arg10 : memref<128xi32, #tpu.memory_space<vmem>>) semaphore(%run_scoped3A : memref<!tpu.dma_semaphore, #tpu.memory_space<semaphore_mem>>) {add = true}
        %dma_wait3A_138 = arith.constant 0 : i32
        %dma_wait3A_139 = arith.constant 0 : i32
        %dma_wait3A_140 = tpu.memref_slice %arg6[%dma_wait3A_138, %dma_wait3A_139] : memref<10240x128xf32, #tpu.memory_space<vmem_shared>> -> memref<10240x128xf32, #tpu.memory_space<vmem_shared>>
        tpu.wait_indirect_dma semaphore(%run_scoped3A : memref<!tpu.dma_semaphore, #tpu.memory_space<semaphore_mem>>) src(%arg12 : memref<128x128xf32, #tpu.memory_space<vmem>>) dst(%dma_wait3A_140 : memref<10240x128xf32, #tpu.memory_space<vmem_shared>>)
        tpu.yield
      }) : () -> ()
    }
    %scan3A_91 = arith.constant 40 : i32
    %barrier3A_92 = arith.constant 0 : index
    tpu.barrier barrier_id(%barrier3A_92)
    %mul3A_93 = arith.constant 640 : i32
    %mul3A_94 = arith.muli %arg1, %mul3A_93 : i32
    %mul3A_95 = arith.constant 640 : i32
    %mul3A_96 = arith.muli %arg1, %mul3A_95 : i32
    "tpu.region"() ({
      %run_scoped3A = tpu.sem_alloc : memref<!tpu.dma_semaphore, #tpu.memory_space<semaphore_mem>>
      %dma_start3A = arith.constant 0 : i32
      %dma_start3A_97 = tpu.memref_slice %arg5[%arg0, %mul3A_96, %dma_start3A] : memref<2x10240x128xf32, #tpu.memory_space<hbm>> -> memref<1x640x128xf32, #tpu.memory_space<hbm>>
      %dma_start3A_98 = tpu.memref_squeeze %dma_start3A_97 : memref<1x640x128xf32, #tpu.memory_space<hbm>> -> memref<640x128xf32, #tpu.memory_space<hbm>>
      %dma_start3A_99 = arith.constant 0 : i32
      %dma_start3A_100 = tpu.memref_slice %arg6[%mul3A_94, %dma_start3A_99] : memref<10240x128xf32, #tpu.memory_space<vmem_shared>> -> memref<640x128xf32, #tpu.memory_space<vmem_shared>>
      tpu.enqueue_dma source(%dma_start3A_100 : memref<640x128xf32, #tpu.memory_space<vmem_shared>>) target(%dma_start3A_98 : memref<640x128xf32, #tpu.memory_space<hbm>>) target_semaphore(%run_scoped3A : memref<!tpu.dma_semaphore, #tpu.memory_space<semaphore_mem>>)
      %dma_wait3A = arith.constant 0 : i32
      %dma_wait3A_101 = tpu.memref_slice %arg5[%arg0, %mul3A_96, %dma_wait3A] : memref<2x10240x128xf32, #tpu.memory_space<hbm>> -> memref<1x640x128xf32, #tpu.memory_space<hbm>>
      %dma_wait3A_102 = tpu.memref_squeeze %dma_wait3A_101 : memref<1x640x128xf32, #tpu.memory_space<hbm>> -> memref<640x128xf32, #tpu.memory_space<hbm>>
      %dma_wait3A_103 = arith.constant 0 : i32
      %dma_wait3A_104 = tpu.memref_slice %arg6[%mul3A_94, %dma_wait3A_103] : memref<10240x128xf32, #tpu.memory_space<vmem_shared>> -> memref<640x128xf32, #tpu.memory_space<vmem_shared>>
      tpu.wait_dma2 semaphore(%run_scoped3A : memref<!tpu.dma_semaphore, #tpu.memory_space<semaphore_mem>>) src(%dma_wait3A_104 : memref<640x128xf32, #tpu.memory_space<vmem_shared>>) dst(%dma_wait3A_102 : memref<640x128xf32, #tpu.memory_space<hbm>>)
      tpu.yield
    }) : () -> ()
    return
  }
}

#map = affine_map<(d0, d1) -> (0)>
#map1 = affine_map<(d0, d1) -> (0, 0, 0)>
module attributes {stable_mosaic.version = 14 : i64} {
  func.func @_deg_body(%arg0: i32, %arg1: i32, %arg2: memref<327680xi32, #tpu.memory_space<hbm>>, %arg3: memref<2x10240x16xf32, #tpu.memory_space<hbm>>, %arg4: memref<10240x16xf32, #tpu.memory_space<vmem_shared>>, %arg5: memref<128xi32, #tpu.memory_space<vmem>>, %arg6: memref<128x16xf32, #tpu.memory_space<vmem>>, %arg7: memref<128x16xf32, #tpu.memory_space<vmem>>) attributes {dimension_semantics = [#tpu.dimension_semantics<core_parallel>, #tpu.dimension_semantics<subcore_parallel>], iteration_bounds = array<i64: 2, 16>, scalar_prefetch = 0 : i64, scratch_operands = 4 : i64, tpu.core_type = #tpu.core_type<sc_vector_subcore>, window_params = [{transform_indices = #map}, {transform_indices = #map1}]} {
    %mul3A = arith.constant 2 : i32
    %mul3A_0 = arith.muli %arg1, %mul3A : i32
    %add3A = arith.addi %mul3A_0, %arg0 : i32
    %scan3A = arith.constant 0 : i32
    %scan3A_1 = arith.constant 0 : i32
    %scan3A_2 = arith.constant 128 : i32
    %scan3A_3 = arith.addi %scan3A_1, %scan3A_2 : i32
    %scan3A_4 = arith.constant 1 : i32
    scf.for %scan3A_43 = %scan3A_1 to %scan3A_3 step %scan3A_4  : i32 {
      %broadcast_in_dim3A = arith.constant 1.000000e+00 : f32
      %broadcast_in_dim3A_44 = vector.broadcast %broadcast_in_dim3A : f32 to vector<16xf32>
      %swap3A = arith.index_cast %scan3A_43 : i32 to index
      %swap3A_45 = arith.constant 0 : index
      %swap3A_46 = tpu.vector_load %arg6[%swap3A, %swap3A_45] {strides = array<i32>} : memref<128x16xf32, #tpu.memory_space<vmem>>, vector<1x16xf32>,
      %swap3A_47 = vector.shape_cast %swap3A_46 : vector<1x16xf32> to vector<16xf32>
      %swap3A_48 = vector.shape_cast %broadcast_in_dim3A_44 : vector<16xf32> to vector<1x16xf32>
      tpu.vector_store %arg6[%swap3A, %swap3A_45], %swap3A_48 {strides = array<i32>} : memref<128x16xf32, #tpu.memory_space<vmem>>, vector<1x16xf32>,
    }
    %scan3A_5 = arith.constant 128 : i32
    %scan3A_6 = arith.constant 0 : i32
    %scan3A_7 = arith.constant 0 : i32
    %scan3A_8 = arith.constant 128 : i32
    %scan3A_9 = arith.addi %scan3A_7, %scan3A_8 : i32
    %scan3A_10 = arith.constant 1 : i32
    scf.for %scan3A_43 = %scan3A_7 to %scan3A_9 step %scan3A_10  : i32 {
      %broadcast_in_dim3A = arith.constant 0.000000e+00 : f32
      %broadcast_in_dim3A_44 = vector.broadcast %broadcast_in_dim3A : f32 to vector<16xf32>
      %swap3A = arith.index_cast %scan3A_43 : i32 to index
      %swap3A_45 = arith.constant 0 : index
      %swap3A_46 = tpu.vector_load %arg7[%swap3A, %swap3A_45] {strides = array<i32>} : memref<128x16xf32, #tpu.memory_space<vmem>>, vector<1x16xf32>,
      %swap3A_47 = vector.shape_cast %swap3A_46 : vector<1x16xf32> to vector<16xf32>
      %swap3A_48 = vector.shape_cast %broadcast_in_dim3A_44 : vector<16xf32> to vector<1x16xf32>
      tpu.vector_store %arg7[%swap3A, %swap3A_45], %swap3A_48 {strides = array<i32>} : memref<128x16xf32, #tpu.memory_space<vmem>>, vector<1x16xf32>,
    }
    %scan3A_11 = arith.constant 128 : i32
    %mul3A_12 = arith.constant 640 : i32
    %mul3A_13 = arith.muli %arg1, %mul3A_12 : i32
    %add3A_14 = arith.constant 0 : i32
    %add3A_15 = arith.addi %mul3A_13, %add3A_14 : i32
    "tpu.region"() ({
      %run_scoped3A = tpu.sem_alloc : memref<!tpu.dma_semaphore, #tpu.memory_space<semaphore_mem>>
      %dma_start3A = arith.constant 0 : i32
      %dma_start3A_43 = tpu.memref_slice %arg4[%add3A_15, %dma_start3A] : memref<10240x16xf32, #tpu.memory_space<vmem_shared>> -> memref<128x16xf32, #tpu.memory_space<vmem_shared>>
      %dma_start3A_44 = arith.constant 0 : i32
      %dma_start3A_45 = tpu.memref_slice %arg4[%add3A_15, %dma_start3A_44] : memref<10240x16xf32, #tpu.memory_space<vmem_shared>> -> memref<128x16xf32, #tpu.memory_space<vmem_shared>>
      tpu.enqueue_dma source(%arg7 : memref<128x16xf32, #tpu.memory_space<vmem>>) target(%dma_start3A_45 : memref<128x16xf32, #tpu.memory_space<vmem_shared>>) target_semaphore(%run_scoped3A : memref<!tpu.dma_semaphore, #tpu.memory_space<semaphore_mem>>)
      %dma_wait3A = arith.constant 0 : i32
      %dma_wait3A_46 = tpu.memref_slice %arg4[%add3A_15, %dma_wait3A] : memref<10240x16xf32, #tpu.memory_space<vmem_shared>> -> memref<128x16xf32, #tpu.memory_space<vmem_shared>>
      %dma_wait3A_47 = arith.constant 0 : i32
      %dma_wait3A_48 = tpu.memref_slice %arg4[%add3A_15, %dma_wait3A_47] : memref<10240x16xf32, #tpu.memory_space<vmem_shared>> -> memref<128x16xf32, #tpu.memory_space<vmem_shared>>
      tpu.wait_dma2 semaphore(%run_scoped3A : memref<!tpu.dma_semaphore, #tpu.memory_space<semaphore_mem>>) src(%arg7 : memref<128x16xf32, #tpu.memory_space<vmem>>) dst(%dma_wait3A_48 : memref<128x16xf32, #tpu.memory_space<vmem_shared>>)
      tpu.yield
    }) : () -> ()
    %mul3A_16 = arith.constant 640 : i32
    %mul3A_17 = arith.muli %arg1, %mul3A_16 : i32
    %add3A_18 = arith.constant 128 : i32
    %add3A_19 = arith.addi %mul3A_17, %add3A_18 : i32
    "tpu.region"() ({
      %run_scoped3A = tpu.sem_alloc : memref<!tpu.dma_semaphore, #tpu.memory_space<semaphore_mem>>
      %dma_start3A = arith.constant 0 : i32
      %dma_start3A_43 = tpu.memref_slice %arg4[%add3A_19, %dma_start3A] : memref<10240x16xf32, #tpu.memory_space<vmem_shared>> -> memref<128x16xf32, #tpu.memory_space<vmem_shared>>
      %dma_start3A_44 = arith.constant 0 : i32
      %dma_start3A_45 = tpu.memref_slice %arg4[%add3A_19, %dma_start3A_44] : memref<10240x16xf32, #tpu.memory_space<vmem_shared>> -> memref<128x16xf32, #tpu.memory_space<vmem_shared>>
      tpu.enqueue_dma source(%arg7 : memref<128x16xf32, #tpu.memory_space<vmem>>) target(%dma_start3A_45 : memref<128x16xf32, #tpu.memory_space<vmem_shared>>) target_semaphore(%run_scoped3A : memref<!tpu.dma_semaphore, #tpu.memory_space<semaphore_mem>>)
      %dma_wait3A = arith.constant 0 : i32
      %dma_wait3A_46 = tpu.memref_slice %arg4[%add3A_19, %dma_wait3A] : memref<10240x16xf32, #tpu.memory_space<vmem_shared>> -> memref<128x16xf32, #tpu.memory_space<vmem_shared>>
      %dma_wait3A_47 = arith.constant 0 : i32
      %dma_wait3A_48 = tpu.memref_slice %arg4[%add3A_19, %dma_wait3A_47] : memref<10240x16xf32, #tpu.memory_space<vmem_shared>> -> memref<128x16xf32, #tpu.memory_space<vmem_shared>>
      tpu.wait_dma2 semaphore(%run_scoped3A : memref<!tpu.dma_semaphore, #tpu.memory_space<semaphore_mem>>) src(%arg7 : memref<128x16xf32, #tpu.memory_space<vmem>>) dst(%dma_wait3A_48 : memref<128x16xf32, #tpu.memory_space<vmem_shared>>)
      tpu.yield
    }) : () -> ()
    %mul3A_20 = arith.constant 640 : i32
    %mul3A_21 = arith.muli %arg1, %mul3A_20 : i32
    %add3A_22 = arith.constant 256 : i32
    %add3A_23 = arith.addi %mul3A_21, %add3A_22 : i32
    "tpu.region"() ({
      %run_scoped3A = tpu.sem_alloc : memref<!tpu.dma_semaphore, #tpu.memory_space<semaphore_mem>>
      %dma_start3A = arith.constant 0 : i32
      %dma_start3A_43 = tpu.memref_slice %arg4[%add3A_23, %dma_start3A] : memref<10240x16xf32, #tpu.memory_space<vmem_shared>> -> memref<128x16xf32, #tpu.memory_space<vmem_shared>>
      %dma_start3A_44 = arith.constant 0 : i32
      %dma_start3A_45 = tpu.memref_slice %arg4[%add3A_23, %dma_start3A_44] : memref<10240x16xf32, #tpu.memory_space<vmem_shared>> -> memref<128x16xf32, #tpu.memory_space<vmem_shared>>
      tpu.enqueue_dma source(%arg7 : memref<128x16xf32, #tpu.memory_space<vmem>>) target(%dma_start3A_45 : memref<128x16xf32, #tpu.memory_space<vmem_shared>>) target_semaphore(%run_scoped3A : memref<!tpu.dma_semaphore, #tpu.memory_space<semaphore_mem>>)
      %dma_wait3A = arith.constant 0 : i32
      %dma_wait3A_46 = tpu.memref_slice %arg4[%add3A_23, %dma_wait3A] : memref<10240x16xf32, #tpu.memory_space<vmem_shared>> -> memref<128x16xf32, #tpu.memory_space<vmem_shared>>
      %dma_wait3A_47 = arith.constant 0 : i32
      %dma_wait3A_48 = tpu.memref_slice %arg4[%add3A_23, %dma_wait3A_47] : memref<10240x16xf32, #tpu.memory_space<vmem_shared>> -> memref<128x16xf32, #tpu.memory_space<vmem_shared>>
      tpu.wait_dma2 semaphore(%run_scoped3A : memref<!tpu.dma_semaphore, #tpu.memory_space<semaphore_mem>>) src(%arg7 : memref<128x16xf32, #tpu.memory_space<vmem>>) dst(%dma_wait3A_48 : memref<128x16xf32, #tpu.memory_space<vmem_shared>>)
      tpu.yield
    }) : () -> ()
    %mul3A_24 = arith.constant 640 : i32
    %mul3A_25 = arith.muli %arg1, %mul3A_24 : i32
    %add3A_26 = arith.constant 384 : i32
    %add3A_27 = arith.addi %mul3A_25, %add3A_26 : i32
    "tpu.region"() ({
      %run_scoped3A = tpu.sem_alloc : memref<!tpu.dma_semaphore, #tpu.memory_space<semaphore_mem>>
      %dma_start3A = arith.constant 0 : i32
      %dma_start3A_43 = tpu.memref_slice %arg4[%add3A_27, %dma_start3A] : memref<10240x16xf32, #tpu.memory_space<vmem_shared>> -> memref<128x16xf32, #tpu.memory_space<vmem_shared>>
      %dma_start3A_44 = arith.constant 0 : i32
      %dma_start3A_45 = tpu.memref_slice %arg4[%add3A_27, %dma_start3A_44] : memref<10240x16xf32, #tpu.memory_space<vmem_shared>> -> memref<128x16xf32, #tpu.memory_space<vmem_shared>>
      tpu.enqueue_dma source(%arg7 : memref<128x16xf32, #tpu.memory_space<vmem>>) target(%dma_start3A_45 : memref<128x16xf32, #tpu.memory_space<vmem_shared>>) target_semaphore(%run_scoped3A : memref<!tpu.dma_semaphore, #tpu.memory_space<semaphore_mem>>)
      %dma_wait3A = arith.constant 0 : i32
      %dma_wait3A_46 = tpu.memref_slice %arg4[%add3A_27, %dma_wait3A] : memref<10240x16xf32, #tpu.memory_space<vmem_shared>> -> memref<128x16xf32, #tpu.memory_space<vmem_shared>>
      %dma_wait3A_47 = arith.constant 0 : i32
      %dma_wait3A_48 = tpu.memref_slice %arg4[%add3A_27, %dma_wait3A_47] : memref<10240x16xf32, #tpu.memory_space<vmem_shared>> -> memref<128x16xf32, #tpu.memory_space<vmem_shared>>
      tpu.wait_dma2 semaphore(%run_scoped3A : memref<!tpu.dma_semaphore, #tpu.memory_space<semaphore_mem>>) src(%arg7 : memref<128x16xf32, #tpu.memory_space<vmem>>) dst(%dma_wait3A_48 : memref<128x16xf32, #tpu.memory_space<vmem_shared>>)
      tpu.yield
    }) : () -> ()
    %mul3A_28 = arith.constant 640 : i32
    %mul3A_29 = arith.muli %arg1, %mul3A_28 : i32
    %add3A_30 = arith.constant 512 : i32
    %add3A_31 = arith.addi %mul3A_29, %add3A_30 : i32
    "tpu.region"() ({
      %run_scoped3A = tpu.sem_alloc : memref<!tpu.dma_semaphore, #tpu.memory_space<semaphore_mem>>
      %dma_start3A = arith.constant 0 : i32
      %dma_start3A_43 = tpu.memref_slice %arg4[%add3A_31, %dma_start3A] : memref<10240x16xf32, #tpu.memory_space<vmem_shared>> -> memref<128x16xf32, #tpu.memory_space<vmem_shared>>
      %dma_start3A_44 = arith.constant 0 : i32
      %dma_start3A_45 = tpu.memref_slice %arg4[%add3A_31, %dma_start3A_44] : memref<10240x16xf32, #tpu.memory_space<vmem_shared>> -> memref<128x16xf32, #tpu.memory_space<vmem_shared>>
      tpu.enqueue_dma source(%arg7 : memref<128x16xf32, #tpu.memory_space<vmem>>) target(%dma_start3A_45 : memref<128x16xf32, #tpu.memory_space<vmem_shared>>) target_semaphore(%run_scoped3A : memref<!tpu.dma_semaphore, #tpu.memory_space<semaphore_mem>>)
      %dma_wait3A = arith.constant 0 : i32
      %dma_wait3A_46 = tpu.memref_slice %arg4[%add3A_31, %dma_wait3A] : memref<10240x16xf32, #tpu.memory_space<vmem_shared>> -> memref<128x16xf32, #tpu.memory_space<vmem_shared>>
      %dma_wait3A_47 = arith.constant 0 : i32
      %dma_wait3A_48 = tpu.memref_slice %arg4[%add3A_31, %dma_wait3A_47] : memref<10240x16xf32, #tpu.memory_space<vmem_shared>> -> memref<128x16xf32, #tpu.memory_space<vmem_shared>>
      tpu.wait_dma2 semaphore(%run_scoped3A : memref<!tpu.dma_semaphore, #tpu.memory_space<semaphore_mem>>) src(%arg7 : memref<128x16xf32, #tpu.memory_space<vmem>>) dst(%dma_wait3A_48 : memref<128x16xf32, #tpu.memory_space<vmem_shared>>)
      tpu.yield
    }) : () -> ()
    %barrier3A = arith.constant 0 : index
    tpu.barrier barrier_id(%barrier3A)
    %scan3A_32 = arith.constant 0 : i32
    %scan3A_33 = arith.constant 0 : i32
    %scan3A_34 = arith.constant 80 : i32
    %scan3A_35 = arith.addi %scan3A_33, %scan3A_34 : i32
    %scan3A_36 = arith.constant 1 : i32
    scf.for %scan3A_43 = %scan3A_33 to %scan3A_35 step %scan3A_36  : i32 {
      %mul3A_44 = arith.constant 80 : i32
      %mul3A_45 = arith.muli %add3A, %mul3A_44 : i32
      %add3A_46 = arith.addi %mul3A_45, %scan3A_43 : i32
      %mul3A_47 = arith.constant 128 : i32
      %mul3A_48 = arith.muli %add3A_46, %mul3A_47 : i32
      "tpu.region"() ({
        %run_scoped3A = tpu.sem_alloc : memref<!tpu.dma_semaphore, #tpu.memory_space<semaphore_mem>>
        %dma_start3A = tpu.memref_slice %arg2[%mul3A_48] : memref<327680xi32, #tpu.memory_space<hbm>> -> memref<128xi32, #tpu.memory_space<hbm>>
        %dma_start3A_49 = tpu.memref_slice %arg2[%mul3A_48] : memref<327680xi32, #tpu.memory_space<hbm>> -> memref<128xi32, #tpu.memory_space<hbm>>
        tpu.enqueue_dma source(%dma_start3A_49 : memref<128xi32, #tpu.memory_space<hbm>>) target(%arg5 : memref<128xi32, #tpu.memory_space<vmem>>) target_semaphore(%run_scoped3A : memref<!tpu.dma_semaphore, #tpu.memory_space<semaphore_mem>>)
        %dma_wait3A = tpu.memref_slice %arg2[%mul3A_48] : memref<327680xi32, #tpu.memory_space<hbm>> -> memref<128xi32, #tpu.memory_space<hbm>>
        %dma_wait3A_50 = tpu.memref_slice %arg2[%mul3A_48] : memref<327680xi32, #tpu.memory_space<hbm>> -> memref<128xi32, #tpu.memory_space<hbm>>
        tpu.wait_dma2 semaphore(%run_scoped3A : memref<!tpu.dma_semaphore, #tpu.memory_space<semaphore_mem>>) src(%dma_wait3A_50 : memref<128xi32, #tpu.memory_space<hbm>>) dst(%arg5 : memref<128xi32, #tpu.memory_space<vmem>>)
        tpu.yield
      }) : () -> ()
      "tpu.region"() ({
        %run_scoped3A = tpu.sem_alloc : memref<!tpu.dma_semaphore, #tpu.memory_space<semaphore_mem>>
        %dma_start3A = arith.constant 0 : i32
        %dma_start3A_49 = arith.constant 0 : i32
        %dma_start3A_50 = tpu.memref_slice %arg4[%dma_start3A, %dma_start3A_49] : memref<10240x16xf32, #tpu.memory_space<vmem_shared>> -> memref<10240x16xf32, #tpu.memory_space<vmem_shared>>
        tpu.enqueue_indirect_dma source(%arg6 : memref<128x16xf32, #tpu.memory_space<vmem>>) target(%dma_start3A_50 : memref<10240x16xf32, #tpu.memory_space<vmem_shared>>) offsets(%arg5 : memref<128xi32, #tpu.memory_space<vmem>>) semaphore(%run_scoped3A : memref<!tpu.dma_semaphore, #tpu.memory_space<semaphore_mem>>) {add = true}
        %dma_wait3A = arith.constant 0 : i32
        %dma_wait3A_51 = arith.constant 0 : i32
        %dma_wait3A_52 = tpu.memref_slice %arg4[%dma_wait3A, %dma_wait3A_51] : memref<10240x16xf32, #tpu.memory_space<vmem_shared>> -> memref<10240x16xf32, #tpu.memory_space<vmem_shared>>
        tpu.wait_indirect_dma semaphore(%run_scoped3A : memref<!tpu.dma_semaphore, #tpu.memory_space<semaphore_mem>>) src(%arg6 : memref<128x16xf32, #tpu.memory_space<vmem>>) dst(%dma_wait3A_52 : memref<10240x16xf32, #tpu.memory_space<vmem_shared>>)
        tpu.yield
      }) : () -> ()
    }
    %scan3A_37 = arith.constant 80 : i32
    %barrier3A_38 = arith.constant 0 : index
    tpu.barrier barrier_id(%barrier3A_38)
    %mul3A_39 = arith.constant 640 : i32
    %mul3A_40 = arith.muli %arg1, %mul3A_39 : i32
    %mul3A_41 = arith.constant 640 : i32
    %mul3A_42 = arith.muli %arg1, %mul3A_41 : i32
    "tpu.region"() ({
      %run_scoped3A = tpu.sem_alloc : memref<!tpu.dma_semaphore, #tpu.memory_space<semaphore_mem>>
      %dma_start3A = arith.constant 0 : i32
      %dma_start3A_43 = tpu.memref_slice %arg3[%arg0, %mul3A_42, %dma_start3A] : memref<2x10240x16xf32, #tpu.memory_space<hbm>> -> memref<1x640x16xf32, #tpu.memory_space<hbm>>
      %dma_start3A_44 = tpu.memref_squeeze %dma_start3A_43 : memref<1x640x16xf32, #tpu.memory_space<hbm>> -> memref<640x16xf32, #tpu.memory_space<hbm>>
      %dma_start3A_45 = arith.constant 0 : i32
      %dma_start3A_46 = tpu.memref_slice %arg4[%mul3A_40, %dma_start3A_45] : memref<10240x16xf32, #tpu.memory_space<vmem_shared>> -> memref<640x16xf32, #tpu.memory_space<vmem_shared>>
      tpu.enqueue_dma source(%dma_start3A_46 : memref<640x16xf32, #tpu.memory_space<vmem_shared>>) target(%dma_start3A_44 : memref<640x16xf32, #tpu.memory_space<hbm>>) target_semaphore(%run_scoped3A : memref<!tpu.dma_semaphore, #tpu.memory_space<semaphore_mem>>)
      %dma_wait3A = arith.constant 0 : i32
      %dma_wait3A_47 = tpu.memref_slice %arg3[%arg0, %mul3A_42, %dma_wait3A] : memref<2x10240x16xf32, #tpu.memory_space<hbm>> -> memref<1x640x16xf32, #tpu.memory_space<hbm>>
      %dma_wait3A_48 = tpu.memref_squeeze %dma_wait3A_47 : memref<1x640x16xf32, #tpu.memory_space<hbm>> -> memref<640x16xf32, #tpu.memory_space<hbm>>
      %dma_wait3A_49 = arith.constant 0 : i32
      %dma_wait3A_50 = tpu.memref_slice %arg4[%mul3A_40, %dma_wait3A_49] : memref<10240x16xf32, #tpu.memory_space<vmem_shared>> -> memref<640x16xf32, #tpu.memory_space<vmem_shared>>
      tpu.wait_dma2 semaphore(%run_scoped3A : memref<!tpu.dma_semaphore, #tpu.memory_space<semaphore_mem>>) src(%dma_wait3A_50 : memref<640x16xf32, #tpu.memory_space<vmem_shared>>) dst(%dma_wait3A_48 : memref<640x16xf32, #tpu.memory_space<hbm>>)
      tpu.yield
    }) : () -> ()
    return
  }
}

#map = affine_map<(d0, d1) -> (0, 0)>
#map1 = affine_map<(d0, d1) -> (0)>
#map2 = affine_map<(d0, d1) -> (0, 0, 0)>
module attributes {stable_mosaic.version = 14 : i64} {
  func.func @_edge_body(%arg0: i32, %arg1: i32, %arg2: memref<10000x128xf32, #tpu.memory_space<hbm>>, %arg3: memref<327680xi32, #tpu.memory_space<hbm>>, %arg4: memref<327680xi32, #tpu.memory_space<hbm>>, %arg5: memref<2x10240x128xf32, #tpu.memory_space<hbm>>, %arg6: memref<10240x128xf32, #tpu.memory_space<vmem_shared>>, %arg7: memref<128xi32, #tpu.memory_space<vmem>>, %arg8: memref<128xi32, #tpu.memory_space<vmem>>, %arg9: memref<128xi32, #tpu.memory_space<vmem>>, %arg10: memref<128xi32, #tpu.memory_space<vmem>>, %arg11: memref<128x128xf32, #tpu.memory_space<vmem>>, %arg12: memref<128x128xf32, #tpu.memory_space<vmem>>, %arg13: memref<32x128xf32, #tpu.memory_space<vmem>>, %arg14: memref<!tpu.dma_semaphore, #tpu.memory_space<semaphore_mem>>, %arg15: memref<!tpu.dma_semaphore, #tpu.memory_space<semaphore_mem>>) attributes {dimension_semantics = [#tpu.dimension_semantics<core_parallel>, #tpu.dimension_semantics<subcore_parallel>], iteration_bounds = array<i64: 2, 16>, scalar_prefetch = 0 : i64, scratch_operands = 10 : i64, tpu.core_type = #tpu.core_type<sc_vector_subcore>, window_params = [{transform_indices = #map}, {transform_indices = #map1}, {transform_indices = #map1}, {transform_indices = #map2}]} {
    %mul3A = arith.constant 2 : i32
    %mul3A_0 = arith.muli %arg1, %mul3A : i32
    %add3A = arith.addi %mul3A_0, %arg0 : i32
    %scan3A = arith.constant 0 : i32
    %scan3A_1 = arith.constant 0 : i32
    %scan3A_2 = arith.constant 256 : i32
    %scan3A_3 = arith.addi %scan3A_1, %scan3A_2 : i32
    %scan3A_4 = arith.constant 1 : i32
    scf.for %scan3A_97 = %scan3A_1 to %scan3A_3 step %scan3A_4  : i32 {
      %jit3A = arith.constant 8 : i32
      %div3A = arith.divsi %scan3A_97, %jit3A : i32
      %sign3A = arith.constant 0 : i32
      %sign3A_98 = arith.cmpi sgt, %scan3A_97, %sign3A : i32
      %sign3A_99 = arith.extui %sign3A_98 : i1 to i32
      %sign3A_100 = arith.constant 0 : i32
      %sign3A_101 = arith.cmpi slt, %scan3A_97, %sign3A_100 : i32
      %sign3A_102 = arith.extui %sign3A_101 : i1 to i32
      %sign3A_103 = arith.subi %sign3A_99, %sign3A_102 : i32
      %sign3A_104 = arith.constant 0 : i32
      %sign3A_105 = arith.cmpi sgt, %jit3A, %sign3A_104 : i32
      %sign3A_106 = arith.extui %sign3A_105 : i1 to i32
      %sign3A_107 = arith.constant 0 : i32
      %sign3A_108 = arith.cmpi slt, %jit3A, %sign3A_107 : i32
      %sign3A_109 = arith.extui %sign3A_108 : i1 to i32
      %sign3A_110 = arith.subi %sign3A_106, %sign3A_109 : i32
      %ne3A = arith.cmpi ne, %sign3A_103, %sign3A_110 : i32
      %rem3A = arith.remsi %scan3A_97, %jit3A : i32
      %ne3A_111 = arith.constant 0 : i32
      %ne3A_112 = arith.cmpi ne, %rem3A, %ne3A_111 : i32
      %and3A = arith.andi %ne3A, %ne3A_112 : i1
      %sub3A = arith.constant 1 : i32
      %sub3A_113 = arith.subi %div3A, %sub3A : i32
      %select_n3A = arith.select %and3A, %sub3A_113, %div3A : i32
      %mul3A_114 = arith.constant 8 : i32
      %mul3A_115 = arith.muli %select_n3A, %mul3A_114 : i32
      %sub3A_116 = arith.subi %scan3A_97, %mul3A_115 : i32
      %broadcast_in_dim3A = arith.constant 0.000000e+00 : f32
      %broadcast_in_dim3A_117 = vector.broadcast %broadcast_in_dim3A : f32 to vector<16xf32>
      %mul3A_118 = arith.constant 16 : i32
      %mul3A_119 = arith.muli %sub3A_116, %mul3A_118 : i32
      %swap3A = arith.index_cast %select_n3A : i32 to index
      %swap3A_120 = arith.index_cast %mul3A_119 : i32 to index
      %swap3A_121 = tpu.vector_load %arg13[%swap3A, %swap3A_120] {strides = array<i32>} : memref<32x128xf32, #tpu.memory_space<vmem>>, vector<1x16xf32>,
      %swap3A_122 = vector.shape_cast %swap3A_121 : vector<1x16xf32> to vector<16xf32>
      %swap3A_123 = vector.shape_cast %broadcast_in_dim3A_117 : vector<16xf32> to vector<1x16xf32>
      tpu.vector_store %arg13[%swap3A, %swap3A_120], %swap3A_123 {strides = array<i32>} : memref<32x128xf32, #tpu.memory_space<vmem>>, vector<1x16xf32>,
    }
    %scan3A_5 = arith.constant 256 : i32
    %mul3A_6 = arith.constant 640 : i32
    %mul3A_7 = arith.muli %arg1, %mul3A_6 : i32
    %add3A_8 = arith.constant 0 : i32
    %add3A_9 = arith.addi %mul3A_7, %add3A_8 : i32
    "tpu.region"() ({
      %run_scoped3A = tpu.sem_alloc : memref<!tpu.dma_semaphore, #tpu.memory_space<semaphore_mem>>
      %dma_start3A = arith.constant 0 : i32
      %dma_start3A_97 = tpu.memref_slice %arg6[%add3A_9, %dma_start3A] : memref<10240x128xf32, #tpu.memory_space<vmem_shared>> -> memref<32x128xf32, #tpu.memory_space<vmem_shared>>
      %dma_start3A_98 = arith.constant 0 : i32
      %dma_start3A_99 = tpu.memref_slice %arg6[%add3A_9, %dma_start3A_98] : memref<10240x128xf32, #tpu.memory_space<vmem_shared>> -> memref<32x128xf32, #tpu.memory_space<vmem_shared>>
      tpu.enqueue_dma source(%arg13 : memref<32x128xf32, #tpu.memory_space<vmem>>) target(%dma_start3A_99 : memref<32x128xf32, #tpu.memory_space<vmem_shared>>) target_semaphore(%run_scoped3A : memref<!tpu.dma_semaphore, #tpu.memory_space<semaphore_mem>>)
      %dma_wait3A = arith.constant 0 : i32
      %dma_wait3A_100 = tpu.memref_slice %arg6[%add3A_9, %dma_wait3A] : memref<10240x128xf32, #tpu.memory_space<vmem_shared>> -> memref<32x128xf32, #tpu.memory_space<vmem_shared>>
      %dma_wait3A_101 = arith.constant 0 : i32
      %dma_wait3A_102 = tpu.memref_slice %arg6[%add3A_9, %dma_wait3A_101] : memref<10240x128xf32, #tpu.memory_space<vmem_shared>> -> memref<32x128xf32, #tpu.memory_space<vmem_shared>>
      tpu.wait_dma2 semaphore(%run_scoped3A : memref<!tpu.dma_semaphore, #tpu.memory_space<semaphore_mem>>) src(%arg13 : memref<32x128xf32, #tpu.memory_space<vmem>>) dst(%dma_wait3A_102 : memref<32x128xf32, #tpu.memory_space<vmem_shared>>)
      tpu.yield
    }) : () -> ()
    %mul3A_10 = arith.constant 640 : i32
    %mul3A_11 = arith.muli %arg1, %mul3A_10 : i32
    %add3A_12 = arith.constant 32 : i32
    %add3A_13 = arith.addi %mul3A_11, %add3A_12 : i32
    "tpu.region"() ({
      %run_scoped3A = tpu.sem_alloc : memref<!tpu.dma_semaphore, #tpu.memory_space<semaphore_mem>>
      %dma_start3A = arith.constant 0 : i32
      %dma_start3A_97 = tpu.memref_slice %arg6[%add3A_13, %dma_start3A] : memref<10240x128xf32, #tpu.memory_space<vmem_shared>> -> memref<32x128xf32, #tpu.memory_space<vmem_shared>>
      %dma_start3A_98 = arith.constant 0 : i32
      %dma_start3A_99 = tpu.memref_slice %arg6[%add3A_13, %dma_start3A_98] : memref<10240x128xf32, #tpu.memory_space<vmem_shared>> -> memref<32x128xf32, #tpu.memory_space<vmem_shared>>
      tpu.enqueue_dma source(%arg13 : memref<32x128xf32, #tpu.memory_space<vmem>>) target(%dma_start3A_99 : memref<32x128xf32, #tpu.memory_space<vmem_shared>>) target_semaphore(%run_scoped3A : memref<!tpu.dma_semaphore, #tpu.memory_space<semaphore_mem>>)
      %dma_wait3A = arith.constant 0 : i32
      %dma_wait3A_100 = tpu.memref_slice %arg6[%add3A_13, %dma_wait3A] : memref<10240x128xf32, #tpu.memory_space<vmem_shared>> -> memref<32x128xf32, #tpu.memory_space<vmem_shared>>
      %dma_wait3A_101 = arith.constant 0 : i32
      %dma_wait3A_102 = tpu.memref_slice %arg6[%add3A_13, %dma_wait3A_101] : memref<10240x128xf32, #tpu.memory_space<vmem_shared>> -> memref<32x128xf32, #tpu.memory_space<vmem_shared>>
      tpu.wait_dma2 semaphore(%run_scoped3A : memref<!tpu.dma_semaphore, #tpu.memory_space<semaphore_mem>>) src(%arg13 : memref<32x128xf32, #tpu.memory_space<vmem>>) dst(%dma_wait3A_102 : memref<32x128xf32, #tpu.memory_space<vmem_shared>>)
      tpu.yield
    }) : () -> ()
    %mul3A_14 = arith.constant 640 : i32
    %mul3A_15 = arith.muli %arg1, %mul3A_14 : i32
    %add3A_16 = arith.constant 64 : i32
    %add3A_17 = arith.addi %mul3A_15, %add3A_16 : i32
    "tpu.region"() ({
      %run_scoped3A = tpu.sem_alloc : memref<!tpu.dma_semaphore, #tpu.memory_space<semaphore_mem>>
      %dma_start3A = arith.constant 0 : i32
      %dma_start3A_97 = tpu.memref_slice %arg6[%add3A_17, %dma_start3A] : memref<10240x128xf32, #tpu.memory_space<vmem_shared>> -> memref<32x128xf32, #tpu.memory_space<vmem_shared>>
      %dma_start3A_98 = arith.constant 0 : i32
      %dma_start3A_99 = tpu.memref_slice %arg6[%add3A_17, %dma_start3A_98] : memref<10240x128xf32, #tpu.memory_space<vmem_shared>> -> memref<32x128xf32, #tpu.memory_space<vmem_shared>>
      tpu.enqueue_dma source(%arg13 : memref<32x128xf32, #tpu.memory_space<vmem>>) target(%dma_start3A_99 : memref<32x128xf32, #tpu.memory_space<vmem_shared>>) target_semaphore(%run_scoped3A : memref<!tpu.dma_semaphore, #tpu.memory_space<semaphore_mem>>)
      %dma_wait3A = arith.constant 0 : i32
      %dma_wait3A_100 = tpu.memref_slice %arg6[%add3A_17, %dma_wait3A] : memref<10240x128xf32, #tpu.memory_space<vmem_shared>> -> memref<32x128xf32, #tpu.memory_space<vmem_shared>>
      %dma_wait3A_101 = arith.constant 0 : i32
      %dma_wait3A_102 = tpu.memref_slice %arg6[%add3A_17, %dma_wait3A_101] : memref<10240x128xf32, #tpu.memory_space<vmem_shared>> -> memref<32x128xf32, #tpu.memory_space<vmem_shared>>
      tpu.wait_dma2 semaphore(%run_scoped3A : memref<!tpu.dma_semaphore, #tpu.memory_space<semaphore_mem>>) src(%arg13 : memref<32x128xf32, #tpu.memory_space<vmem>>) dst(%dma_wait3A_102 : memref<32x128xf32, #tpu.memory_space<vmem_shared>>)
      tpu.yield
    }) : () -> ()
    %mul3A_18 = arith.constant 640 : i32
    %mul3A_19 = arith.muli %arg1, %mul3A_18 : i32
    %add3A_20 = arith.constant 96 : i32
    %add3A_21 = arith.addi %mul3A_19, %add3A_20 : i32
    "tpu.region"() ({
      %run_scoped3A = tpu.sem_alloc : memref<!tpu.dma_semaphore, #tpu.memory_space<semaphore_mem>>
      %dma_start3A = arith.constant 0 : i32
      %dma_start3A_97 = tpu.memref_slice %arg6[%add3A_21, %dma_start3A] : memref<10240x128xf32, #tpu.memory_space<vmem_shared>> -> memref<32x128xf32, #tpu.memory_space<vmem_shared>>
      %dma_start3A_98 = arith.constant 0 : i32
      %dma_start3A_99 = tpu.memref_slice %arg6[%add3A_21, %dma_start3A_98] : memref<10240x128xf32, #tpu.memory_space<vmem_shared>> -> memref<32x128xf32, #tpu.memory_space<vmem_shared>>
      tpu.enqueue_dma source(%arg13 : memref<32x128xf32, #tpu.memory_space<vmem>>) target(%dma_start3A_99 : memref<32x128xf32, #tpu.memory_space<vmem_shared>>) target_semaphore(%run_scoped3A : memref<!tpu.dma_semaphore, #tpu.memory_space<semaphore_mem>>)
      %dma_wait3A = arith.constant 0 : i32
      %dma_wait3A_100 = tpu.memref_slice %arg6[%add3A_21, %dma_wait3A] : memref<10240x128xf32, #tpu.memory_space<vmem_shared>> -> memref<32x128xf32, #tpu.memory_space<vmem_shared>>
      %dma_wait3A_101 = arith.constant 0 : i32
      %dma_wait3A_102 = tpu.memref_slice %arg6[%add3A_21, %dma_wait3A_101] : memref<10240x128xf32, #tpu.memory_space<vmem_shared>> -> memref<32x128xf32, #tpu.memory_space<vmem_shared>>
      tpu.wait_dma2 semaphore(%run_scoped3A : memref<!tpu.dma_semaphore, #tpu.memory_space<semaphore_mem>>) src(%arg13 : memref<32x128xf32, #tpu.memory_space<vmem>>) dst(%dma_wait3A_102 : memref<32x128xf32, #tpu.memory_space<vmem_shared>>)
      tpu.yield
    }) : () -> ()
    %mul3A_22 = arith.constant 640 : i32
    %mul3A_23 = arith.muli %arg1, %mul3A_22 : i32
    %add3A_24 = arith.constant 128 : i32
    %add3A_25 = arith.addi %mul3A_23, %add3A_24 : i32
    "tpu.region"() ({
      %run_scoped3A = tpu.sem_alloc : memref<!tpu.dma_semaphore, #tpu.memory_space<semaphore_mem>>
      %dma_start3A = arith.constant 0 : i32
      %dma_start3A_97 = tpu.memref_slice %arg6[%add3A_25, %dma_start3A] : memref<10240x128xf32, #tpu.memory_space<vmem_shared>> -> memref<32x128xf32, #tpu.memory_space<vmem_shared>>
      %dma_start3A_98 = arith.constant 0 : i32
      %dma_start3A_99 = tpu.memref_slice %arg6[%add3A_25, %dma_start3A_98] : memref<10240x128xf32, #tpu.memory_space<vmem_shared>> -> memref<32x128xf32, #tpu.memory_space<vmem_shared>>
      tpu.enqueue_dma source(%arg13 : memref<32x128xf32, #tpu.memory_space<vmem>>) target(%dma_start3A_99 : memref<32x128xf32, #tpu.memory_space<vmem_shared>>) target_semaphore(%run_scoped3A : memref<!tpu.dma_semaphore, #tpu.memory_space<semaphore_mem>>)
      %dma_wait3A = arith.constant 0 : i32
      %dma_wait3A_100 = tpu.memref_slice %arg6[%add3A_25, %dma_wait3A] : memref<10240x128xf32, #tpu.memory_space<vmem_shared>> -> memref<32x128xf32, #tpu.memory_space<vmem_shared>>
      %dma_wait3A_101 = arith.constant 0 : i32
      %dma_wait3A_102 = tpu.memref_slice %arg6[%add3A_25, %dma_wait3A_101] : memref<10240x128xf32, #tpu.memory_space<vmem_shared>> -> memref<32x128xf32, #tpu.memory_space<vmem_shared>>
      tpu.wait_dma2 semaphore(%run_scoped3A : memref<!tpu.dma_semaphore, #tpu.memory_space<semaphore_mem>>) src(%arg13 : memref<32x128xf32, #tpu.memory_space<vmem>>) dst(%dma_wait3A_102 : memref<32x128xf32, #tpu.memory_space<vmem_shared>>)
      tpu.yield
    }) : () -> ()
    %mul3A_26 = arith.constant 640 : i32
    %mul3A_27 = arith.muli %arg1, %mul3A_26 : i32
    %add3A_28 = arith.constant 160 : i32
    %add3A_29 = arith.addi %mul3A_27, %add3A_28 : i32
    "tpu.region"() ({
      %run_scoped3A = tpu.sem_alloc : memref<!tpu.dma_semaphore, #tpu.memory_space<semaphore_mem>>
      %dma_start3A = arith.constant 0 : i32
      %dma_start3A_97 = tpu.memref_slice %arg6[%add3A_29, %dma_start3A] : memref<10240x128xf32, #tpu.memory_space<vmem_shared>> -> memref<32x128xf32, #tpu.memory_space<vmem_shared>>
      %dma_start3A_98 = arith.constant 0 : i32
      %dma_start3A_99 = tpu.memref_slice %arg6[%add3A_29, %dma_start3A_98] : memref<10240x128xf32, #tpu.memory_space<vmem_shared>> -> memref<32x128xf32, #tpu.memory_space<vmem_shared>>
      tpu.enqueue_dma source(%arg13 : memref<32x128xf32, #tpu.memory_space<vmem>>) target(%dma_start3A_99 : memref<32x128xf32, #tpu.memory_space<vmem_shared>>) target_semaphore(%run_scoped3A : memref<!tpu.dma_semaphore, #tpu.memory_space<semaphore_mem>>)
      %dma_wait3A = arith.constant 0 : i32
      %dma_wait3A_100 = tpu.memref_slice %arg6[%add3A_29, %dma_wait3A] : memref<10240x128xf32, #tpu.memory_space<vmem_shared>> -> memref<32x128xf32, #tpu.memory_space<vmem_shared>>
      %dma_wait3A_101 = arith.constant 0 : i32
      %dma_wait3A_102 = tpu.memref_slice %arg6[%add3A_29, %dma_wait3A_101] : memref<10240x128xf32, #tpu.memory_space<vmem_shared>> -> memref<32x128xf32, #tpu.memory_space<vmem_shared>>
      tpu.wait_dma2 semaphore(%run_scoped3A : memref<!tpu.dma_semaphore, #tpu.memory_space<semaphore_mem>>) src(%arg13 : memref<32x128xf32, #tpu.memory_space<vmem>>) dst(%dma_wait3A_102 : memref<32x128xf32, #tpu.memory_space<vmem_shared>>)
      tpu.yield
    }) : () -> ()
    %mul3A_30 = arith.constant 640 : i32
    %mul3A_31 = arith.muli %arg1, %mul3A_30 : i32
    %add3A_32 = arith.constant 192 : i32
    %add3A_33 = arith.addi %mul3A_31, %add3A_32 : i32
    "tpu.region"() ({
      %run_scoped3A = tpu.sem_alloc : memref<!tpu.dma_semaphore, #tpu.memory_space<semaphore_mem>>
      %dma_start3A = arith.constant 0 : i32
      %dma_start3A_97 = tpu.memref_slice %arg6[%add3A_33, %dma_start3A] : memref<10240x128xf32, #tpu.memory_space<vmem_shared>> -> memref<32x128xf32, #tpu.memory_space<vmem_shared>>
      %dma_start3A_98 = arith.constant 0 : i32
      %dma_start3A_99 = tpu.memref_slice %arg6[%add3A_33, %dma_start3A_98] : memref<10240x128xf32, #tpu.memory_space<vmem_shared>> -> memref<32x128xf32, #tpu.memory_space<vmem_shared>>
      tpu.enqueue_dma source(%arg13 : memref<32x128xf32, #tpu.memory_space<vmem>>) target(%dma_start3A_99 : memref<32x128xf32, #tpu.memory_space<vmem_shared>>) target_semaphore(%run_scoped3A : memref<!tpu.dma_semaphore, #tpu.memory_space<semaphore_mem>>)
      %dma_wait3A = arith.constant 0 : i32
      %dma_wait3A_100 = tpu.memref_slice %arg6[%add3A_33, %dma_wait3A] : memref<10240x128xf32, #tpu.memory_space<vmem_shared>> -> memref<32x128xf32, #tpu.memory_space<vmem_shared>>
      %dma_wait3A_101 = arith.constant 0 : i32
      %dma_wait3A_102 = tpu.memref_slice %arg6[%add3A_33, %dma_wait3A_101] : memref<10240x128xf32, #tpu.memory_space<vmem_shared>> -> memref<32x128xf32, #tpu.memory_space<vmem_shared>>
      tpu.wait_dma2 semaphore(%run_scoped3A : memref<!tpu.dma_semaphore, #tpu.memory_space<semaphore_mem>>) src(%arg13 : memref<32x128xf32, #tpu.memory_space<vmem>>) dst(%dma_wait3A_102 : memref<32x128xf32, #tpu.memory_space<vmem_shared>>)
      tpu.yield
    }) : () -> ()
    %mul3A_34 = arith.constant 640 : i32
    %mul3A_35 = arith.muli %arg1, %mul3A_34 : i32
    %add3A_36 = arith.constant 224 : i32
    %add3A_37 = arith.addi %mul3A_35, %add3A_36 : i32
    "tpu.region"() ({
      %run_scoped3A = tpu.sem_alloc : memref<!tpu.dma_semaphore, #tpu.memory_space<semaphore_mem>>
      %dma_start3A = arith.constant 0 : i32
      %dma_start3A_97 = tpu.memref_slice %arg6[%add3A_37, %dma_start3A] : memref<10240x128xf32, #tpu.memory_space<vmem_shared>> -> memref<32x128xf32, #tpu.memory_space<vmem_shared>>
      %dma_start3A_98 = arith.constant 0 : i32
      %dma_start3A_99 = tpu.memref_slice %arg6[%add3A_37, %dma_start3A_98] : memref<10240x128xf32, #tpu.memory_space<vmem_shared>> -> memref<32x128xf32, #tpu.memory_space<vmem_shared>>
      tpu.enqueue_dma source(%arg13 : memref<32x128xf32, #tpu.memory_space<vmem>>) target(%dma_start3A_99 : memref<32x128xf32, #tpu.memory_space<vmem_shared>>) target_semaphore(%run_scoped3A : memref<!tpu.dma_semaphore, #tpu.memory_space<semaphore_mem>>)
      %dma_wait3A = arith.constant 0 : i32
      %dma_wait3A_100 = tpu.memref_slice %arg6[%add3A_37, %dma_wait3A] : memref<10240x128xf32, #tpu.memory_space<vmem_shared>> -> memref<32x128xf32, #tpu.memory_space<vmem_shared>>
      %dma_wait3A_101 = arith.constant 0 : i32
      %dma_wait3A_102 = tpu.memref_slice %arg6[%add3A_37, %dma_wait3A_101] : memref<10240x128xf32, #tpu.memory_space<vmem_shared>> -> memref<32x128xf32, #tpu.memory_space<vmem_shared>>
      tpu.wait_dma2 semaphore(%run_scoped3A : memref<!tpu.dma_semaphore, #tpu.memory_space<semaphore_mem>>) src(%arg13 : memref<32x128xf32, #tpu.memory_space<vmem>>) dst(%dma_wait3A_102 : memref<32x128xf32, #tpu.memory_space<vmem_shared>>)
      tpu.yield
    }) : () -> ()
    %mul3A_38 = arith.constant 640 : i32
    %mul3A_39 = arith.muli %arg1, %mul3A_38 : i32
    %add3A_40 = arith.constant 256 : i32
    %add3A_41 = arith.addi %mul3A_39, %add3A_40 : i32
    "tpu.region"() ({
      %run_scoped3A = tpu.sem_alloc : memref<!tpu.dma_semaphore, #tpu.memory_space<semaphore_mem>>
      %dma_start3A = arith.constant 0 : i32
      %dma_start3A_97 = tpu.memref_slice %arg6[%add3A_41, %dma_start3A] : memref<10240x128xf32, #tpu.memory_space<vmem_shared>> -> memref<32x128xf32, #tpu.memory_space<vmem_shared>>
      %dma_start3A_98 = arith.constant 0 : i32
      %dma_start3A_99 = tpu.memref_slice %arg6[%add3A_41, %dma_start3A_98] : memref<10240x128xf32, #tpu.memory_space<vmem_shared>> -> memref<32x128xf32, #tpu.memory_space<vmem_shared>>
      tpu.enqueue_dma source(%arg13 : memref<32x128xf32, #tpu.memory_space<vmem>>) target(%dma_start3A_99 : memref<32x128xf32, #tpu.memory_space<vmem_shared>>) target_semaphore(%run_scoped3A : memref<!tpu.dma_semaphore, #tpu.memory_space<semaphore_mem>>)
      %dma_wait3A = arith.constant 0 : i32
      %dma_wait3A_100 = tpu.memref_slice %arg6[%add3A_41, %dma_wait3A] : memref<10240x128xf32, #tpu.memory_space<vmem_shared>> -> memref<32x128xf32, #tpu.memory_space<vmem_shared>>
      %dma_wait3A_101 = arith.constant 0 : i32
      %dma_wait3A_102 = tpu.memref_slice %arg6[%add3A_41, %dma_wait3A_101] : memref<10240x128xf32, #tpu.memory_space<vmem_shared>> -> memref<32x128xf32, #tpu.memory_space<vmem_shared>>
      tpu.wait_dma2 semaphore(%run_scoped3A : memref<!tpu.dma_semaphore, #tpu.memory_space<semaphore_mem>>) src(%arg13 : memref<32x128xf32, #tpu.memory_space<vmem>>) dst(%dma_wait3A_102 : memref<32x128xf32, #tpu.memory_space<vmem_shared>>)
      tpu.yield
    }) : () -> ()
    %mul3A_42 = arith.constant 640 : i32
    %mul3A_43 = arith.muli %arg1, %mul3A_42 : i32
    %add3A_44 = arith.constant 288 : i32
    %add3A_45 = arith.addi %mul3A_43, %add3A_44 : i32
    "tpu.region"() ({
      %run_scoped3A = tpu.sem_alloc : memref<!tpu.dma_semaphore, #tpu.memory_space<semaphore_mem>>
      %dma_start3A = arith.constant 0 : i32
      %dma_start3A_97 = tpu.memref_slice %arg6[%add3A_45, %dma_start3A] : memref<10240x128xf32, #tpu.memory_space<vmem_shared>> -> memref<32x128xf32, #tpu.memory_space<vmem_shared>>
      %dma_start3A_98 = arith.constant 0 : i32
      %dma_start3A_99 = tpu.memref_slice %arg6[%add3A_45, %dma_start3A_98] : memref<10240x128xf32, #tpu.memory_space<vmem_shared>> -> memref<32x128xf32, #tpu.memory_space<vmem_shared>>
      tpu.enqueue_dma source(%arg13 : memref<32x128xf32, #tpu.memory_space<vmem>>) target(%dma_start3A_99 : memref<32x128xf32, #tpu.memory_space<vmem_shared>>) target_semaphore(%run_scoped3A : memref<!tpu.dma_semaphore, #tpu.memory_space<semaphore_mem>>)
      %dma_wait3A = arith.constant 0 : i32
      %dma_wait3A_100 = tpu.memref_slice %arg6[%add3A_45, %dma_wait3A] : memref<10240x128xf32, #tpu.memory_space<vmem_shared>> -> memref<32x128xf32, #tpu.memory_space<vmem_shared>>
      %dma_wait3A_101 = arith.constant 0 : i32
      %dma_wait3A_102 = tpu.memref_slice %arg6[%add3A_45, %dma_wait3A_101] : memref<10240x128xf32, #tpu.memory_space<vmem_shared>> -> memref<32x128xf32, #tpu.memory_space<vmem_shared>>
      tpu.wait_dma2 semaphore(%run_scoped3A : memref<!tpu.dma_semaphore, #tpu.memory_space<semaphore_mem>>) src(%arg13 : memref<32x128xf32, #tpu.memory_space<vmem>>) dst(%dma_wait3A_102 : memref<32x128xf32, #tpu.memory_space<vmem_shared>>)
      tpu.yield
    }) : () -> ()
    %mul3A_46 = arith.constant 640 : i32
    %mul3A_47 = arith.muli %arg1, %mul3A_46 : i32
    %add3A_48 = arith.constant 320 : i32
    %add3A_49 = arith.addi %mul3A_47, %add3A_48 : i32
    "tpu.region"() ({
      %run_scoped3A = tpu.sem_alloc : memref<!tpu.dma_semaphore, #tpu.memory_space<semaphore_mem>>
      %dma_start3A = arith.constant 0 : i32
      %dma_start3A_97 = tpu.memref_slice %arg6[%add3A_49, %dma_start3A] : memref<10240x128xf32, #tpu.memory_space<vmem_shared>> -> memref<32x128xf32, #tpu.memory_space<vmem_shared>>
      %dma_start3A_98 = arith.constant 0 : i32
      %dma_start3A_99 = tpu.memref_slice %arg6[%add3A_49, %dma_start3A_98] : memref<10240x128xf32, #tpu.memory_space<vmem_shared>> -> memref<32x128xf32, #tpu.memory_space<vmem_shared>>
      tpu.enqueue_dma source(%arg13 : memref<32x128xf32, #tpu.memory_space<vmem>>) target(%dma_start3A_99 : memref<32x128xf32, #tpu.memory_space<vmem_shared>>) target_semaphore(%run_scoped3A : memref<!tpu.dma_semaphore, #tpu.memory_space<semaphore_mem>>)
      %dma_wait3A = arith.constant 0 : i32
      %dma_wait3A_100 = tpu.memref_slice %arg6[%add3A_49, %dma_wait3A] : memref<10240x128xf32, #tpu.memory_space<vmem_shared>> -> memref<32x128xf32, #tpu.memory_space<vmem_shared>>
      %dma_wait3A_101 = arith.constant 0 : i32
      %dma_wait3A_102 = tpu.memref_slice %arg6[%add3A_49, %dma_wait3A_101] : memref<10240x128xf32, #tpu.memory_space<vmem_shared>> -> memref<32x128xf32, #tpu.memory_space<vmem_shared>>
      tpu.wait_dma2 semaphore(%run_scoped3A : memref<!tpu.dma_semaphore, #tpu.memory_space<semaphore_mem>>) src(%arg13 : memref<32x128xf32, #tpu.memory_space<vmem>>) dst(%dma_wait3A_102 : memref<32x128xf32, #tpu.memory_space<vmem_shared>>)
      tpu.yield
    }) : () -> ()
    %mul3A_50 = arith.constant 640 : i32
    %mul3A_51 = arith.muli %arg1, %mul3A_50 : i32
    %add3A_52 = arith.constant 352 : i32
    %add3A_53 = arith.addi %mul3A_51, %add3A_52 : i32
    "tpu.region"() ({
      %run_scoped3A = tpu.sem_alloc : memref<!tpu.dma_semaphore, #tpu.memory_space<semaphore_mem>>
      %dma_start3A = arith.constant 0 : i32
      %dma_start3A_97 = tpu.memref_slice %arg6[%add3A_53, %dma_start3A] : memref<10240x128xf32, #tpu.memory_space<vmem_shared>> -> memref<32x128xf32, #tpu.memory_space<vmem_shared>>
      %dma_start3A_98 = arith.constant 0 : i32
      %dma_start3A_99 = tpu.memref_slice %arg6[%add3A_53, %dma_start3A_98] : memref<10240x128xf32, #tpu.memory_space<vmem_shared>> -> memref<32x128xf32, #tpu.memory_space<vmem_shared>>
      tpu.enqueue_dma source(%arg13 : memref<32x128xf32, #tpu.memory_space<vmem>>) target(%dma_start3A_99 : memref<32x128xf32, #tpu.memory_space<vmem_shared>>) target_semaphore(%run_scoped3A : memref<!tpu.dma_semaphore, #tpu.memory_space<semaphore_mem>>)
      %dma_wait3A = arith.constant 0 : i32
      %dma_wait3A_100 = tpu.memref_slice %arg6[%add3A_53, %dma_wait3A] : memref<10240x128xf32, #tpu.memory_space<vmem_shared>> -> memref<32x128xf32, #tpu.memory_space<vmem_shared>>
      %dma_wait3A_101 = arith.constant 0 : i32
      %dma_wait3A_102 = tpu.memref_slice %arg6[%add3A_53, %dma_wait3A_101] : memref<10240x128xf32, #tpu.memory_space<vmem_shared>> -> memref<32x128xf32, #tpu.memory_space<vmem_shared>>
      tpu.wait_dma2 semaphore(%run_scoped3A : memref<!tpu.dma_semaphore, #tpu.memory_space<semaphore_mem>>) src(%arg13 : memref<32x128xf32, #tpu.memory_space<vmem>>) dst(%dma_wait3A_102 : memref<32x128xf32, #tpu.memory_space<vmem_shared>>)
      tpu.yield
    }) : () -> ()
    %mul3A_54 = arith.constant 640 : i32
    %mul3A_55 = arith.muli %arg1, %mul3A_54 : i32
    %add3A_56 = arith.constant 384 : i32
    %add3A_57 = arith.addi %mul3A_55, %add3A_56 : i32
    "tpu.region"() ({
      %run_scoped3A = tpu.sem_alloc : memref<!tpu.dma_semaphore, #tpu.memory_space<semaphore_mem>>
      %dma_start3A = arith.constant 0 : i32
      %dma_start3A_97 = tpu.memref_slice %arg6[%add3A_57, %dma_start3A] : memref<10240x128xf32, #tpu.memory_space<vmem_shared>> -> memref<32x128xf32, #tpu.memory_space<vmem_shared>>
      %dma_start3A_98 = arith.constant 0 : i32
      %dma_start3A_99 = tpu.memref_slice %arg6[%add3A_57, %dma_start3A_98] : memref<10240x128xf32, #tpu.memory_space<vmem_shared>> -> memref<32x128xf32, #tpu.memory_space<vmem_shared>>
      tpu.enqueue_dma source(%arg13 : memref<32x128xf32, #tpu.memory_space<vmem>>) target(%dma_start3A_99 : memref<32x128xf32, #tpu.memory_space<vmem_shared>>) target_semaphore(%run_scoped3A : memref<!tpu.dma_semaphore, #tpu.memory_space<semaphore_mem>>)
      %dma_wait3A = arith.constant 0 : i32
      %dma_wait3A_100 = tpu.memref_slice %arg6[%add3A_57, %dma_wait3A] : memref<10240x128xf32, #tpu.memory_space<vmem_shared>> -> memref<32x128xf32, #tpu.memory_space<vmem_shared>>
      %dma_wait3A_101 = arith.constant 0 : i32
      %dma_wait3A_102 = tpu.memref_slice %arg6[%add3A_57, %dma_wait3A_101] : memref<10240x128xf32, #tpu.memory_space<vmem_shared>> -> memref<32x128xf32, #tpu.memory_space<vmem_shared>>
      tpu.wait_dma2 semaphore(%run_scoped3A : memref<!tpu.dma_semaphore, #tpu.memory_space<semaphore_mem>>) src(%arg13 : memref<32x128xf32, #tpu.memory_space<vmem>>) dst(%dma_wait3A_102 : memref<32x128xf32, #tpu.memory_space<vmem_shared>>)
      tpu.yield
    }) : () -> ()
    %mul3A_58 = arith.constant 640 : i32
    %mul3A_59 = arith.muli %arg1, %mul3A_58 : i32
    %add3A_60 = arith.constant 416 : i32
    %add3A_61 = arith.addi %mul3A_59, %add3A_60 : i32
    "tpu.region"() ({
      %run_scoped3A = tpu.sem_alloc : memref<!tpu.dma_semaphore, #tpu.memory_space<semaphore_mem>>
      %dma_start3A = arith.constant 0 : i32
      %dma_start3A_97 = tpu.memref_slice %arg6[%add3A_61, %dma_start3A] : memref<10240x128xf32, #tpu.memory_space<vmem_shared>> -> memref<32x128xf32, #tpu.memory_space<vmem_shared>>
      %dma_start3A_98 = arith.constant 0 : i32
      %dma_start3A_99 = tpu.memref_slice %arg6[%add3A_61, %dma_start3A_98] : memref<10240x128xf32, #tpu.memory_space<vmem_shared>> -> memref<32x128xf32, #tpu.memory_space<vmem_shared>>
      tpu.enqueue_dma source(%arg13 : memref<32x128xf32, #tpu.memory_space<vmem>>) target(%dma_start3A_99 : memref<32x128xf32, #tpu.memory_space<vmem_shared>>) target_semaphore(%run_scoped3A : memref<!tpu.dma_semaphore, #tpu.memory_space<semaphore_mem>>)
      %dma_wait3A = arith.constant 0 : i32
      %dma_wait3A_100 = tpu.memref_slice %arg6[%add3A_61, %dma_wait3A] : memref<10240x128xf32, #tpu.memory_space<vmem_shared>> -> memref<32x128xf32, #tpu.memory_space<vmem_shared>>
      %dma_wait3A_101 = arith.constant 0 : i32
      %dma_wait3A_102 = tpu.memref_slice %arg6[%add3A_61, %dma_wait3A_101] : memref<10240x128xf32, #tpu.memory_space<vmem_shared>> -> memref<32x128xf32, #tpu.memory_space<vmem_shared>>
      tpu.wait_dma2 semaphore(%run_scoped3A : memref<!tpu.dma_semaphore, #tpu.memory_space<semaphore_mem>>) src(%arg13 : memref<32x128xf32, #tpu.memory_space<vmem>>) dst(%dma_wait3A_102 : memref<32x128xf32, #tpu.memory_space<vmem_shared>>)
      tpu.yield
    }) : () -> ()
    %mul3A_62 = arith.constant 640 : i32
    %mul3A_63 = arith.muli %arg1, %mul3A_62 : i32
    %add3A_64 = arith.constant 448 : i32
    %add3A_65 = arith.addi %mul3A_63, %add3A_64 : i32
    "tpu.region"() ({
      %run_scoped3A = tpu.sem_alloc : memref<!tpu.dma_semaphore, #tpu.memory_space<semaphore_mem>>
      %dma_start3A = arith.constant 0 : i32
      %dma_start3A_97 = tpu.memref_slice %arg6[%add3A_65, %dma_start3A] : memref<10240x128xf32, #tpu.memory_space<vmem_shared>> -> memref<32x128xf32, #tpu.memory_space<vmem_shared>>
      %dma_start3A_98 = arith.constant 0 : i32
      %dma_start3A_99 = tpu.memref_slice %arg6[%add3A_65, %dma_start3A_98] : memref<10240x128xf32, #tpu.memory_space<vmem_shared>> -> memref<32x128xf32, #tpu.memory_space<vmem_shared>>
      tpu.enqueue_dma source(%arg13 : memref<32x128xf32, #tpu.memory_space<vmem>>) target(%dma_start3A_99 : memref<32x128xf32, #tpu.memory_space<vmem_shared>>) target_semaphore(%run_scoped3A : memref<!tpu.dma_semaphore, #tpu.memory_space<semaphore_mem>>)
      %dma_wait3A = arith.constant 0 : i32
      %dma_wait3A_100 = tpu.memref_slice %arg6[%add3A_65, %dma_wait3A] : memref<10240x128xf32, #tpu.memory_space<vmem_shared>> -> memref<32x128xf32, #tpu.memory_space<vmem_shared>>
      %dma_wait3A_101 = arith.constant 0 : i32
      %dma_wait3A_102 = tpu.memref_slice %arg6[%add3A_65, %dma_wait3A_101] : memref<10240x128xf32, #tpu.memory_space<vmem_shared>> -> memref<32x128xf32, #tpu.memory_space<vmem_shared>>
      tpu.wait_dma2 semaphore(%run_scoped3A : memref<!tpu.dma_semaphore, #tpu.memory_space<semaphore_mem>>) src(%arg13 : memref<32x128xf32, #tpu.memory_space<vmem>>) dst(%dma_wait3A_102 : memref<32x128xf32, #tpu.memory_space<vmem_shared>>)
      tpu.yield
    }) : () -> ()
    %mul3A_66 = arith.constant 640 : i32
    %mul3A_67 = arith.muli %arg1, %mul3A_66 : i32
    %add3A_68 = arith.constant 480 : i32
    %add3A_69 = arith.addi %mul3A_67, %add3A_68 : i32
    "tpu.region"() ({
      %run_scoped3A = tpu.sem_alloc : memref<!tpu.dma_semaphore, #tpu.memory_space<semaphore_mem>>
      %dma_start3A = arith.constant 0 : i32
      %dma_start3A_97 = tpu.memref_slice %arg6[%add3A_69, %dma_start3A] : memref<10240x128xf32, #tpu.memory_space<vmem_shared>> -> memref<32x128xf32, #tpu.memory_space<vmem_shared>>
      %dma_start3A_98 = arith.constant 0 : i32
      %dma_start3A_99 = tpu.memref_slice %arg6[%add3A_69, %dma_start3A_98] : memref<10240x128xf32, #tpu.memory_space<vmem_shared>> -> memref<32x128xf32, #tpu.memory_space<vmem_shared>>
      tpu.enqueue_dma source(%arg13 : memref<32x128xf32, #tpu.memory_space<vmem>>) target(%dma_start3A_99 : memref<32x128xf32, #tpu.memory_space<vmem_shared>>) target_semaphore(%run_scoped3A : memref<!tpu.dma_semaphore, #tpu.memory_space<semaphore_mem>>)
      %dma_wait3A = arith.constant 0 : i32
      %dma_wait3A_100 = tpu.memref_slice %arg6[%add3A_69, %dma_wait3A] : memref<10240x128xf32, #tpu.memory_space<vmem_shared>> -> memref<32x128xf32, #tpu.memory_space<vmem_shared>>
      %dma_wait3A_101 = arith.constant 0 : i32
      %dma_wait3A_102 = tpu.memref_slice %arg6[%add3A_69, %dma_wait3A_101] : memref<10240x128xf32, #tpu.memory_space<vmem_shared>> -> memref<32x128xf32, #tpu.memory_space<vmem_shared>>
      tpu.wait_dma2 semaphore(%run_scoped3A : memref<!tpu.dma_semaphore, #tpu.memory_space<semaphore_mem>>) src(%arg13 : memref<32x128xf32, #tpu.memory_space<vmem>>) dst(%dma_wait3A_102 : memref<32x128xf32, #tpu.memory_space<vmem_shared>>)
      tpu.yield
    }) : () -> ()
    %mul3A_70 = arith.constant 640 : i32
    %mul3A_71 = arith.muli %arg1, %mul3A_70 : i32
    %add3A_72 = arith.constant 512 : i32
    %add3A_73 = arith.addi %mul3A_71, %add3A_72 : i32
    "tpu.region"() ({
      %run_scoped3A = tpu.sem_alloc : memref<!tpu.dma_semaphore, #tpu.memory_space<semaphore_mem>>
      %dma_start3A = arith.constant 0 : i32
      %dma_start3A_97 = tpu.memref_slice %arg6[%add3A_73, %dma_start3A] : memref<10240x128xf32, #tpu.memory_space<vmem_shared>> -> memref<32x128xf32, #tpu.memory_space<vmem_shared>>
      %dma_start3A_98 = arith.constant 0 : i32
      %dma_start3A_99 = tpu.memref_slice %arg6[%add3A_73, %dma_start3A_98] : memref<10240x128xf32, #tpu.memory_space<vmem_shared>> -> memref<32x128xf32, #tpu.memory_space<vmem_shared>>
      tpu.enqueue_dma source(%arg13 : memref<32x128xf32, #tpu.memory_space<vmem>>) target(%dma_start3A_99 : memref<32x128xf32, #tpu.memory_space<vmem_shared>>) target_semaphore(%run_scoped3A : memref<!tpu.dma_semaphore, #tpu.memory_space<semaphore_mem>>)
      %dma_wait3A = arith.constant 0 : i32
      %dma_wait3A_100 = tpu.memref_slice %arg6[%add3A_73, %dma_wait3A] : memref<10240x128xf32, #tpu.memory_space<vmem_shared>> -> memref<32x128xf32, #tpu.memory_space<vmem_shared>>
      %dma_wait3A_101 = arith.constant 0 : i32
      %dma_wait3A_102 = tpu.memref_slice %arg6[%add3A_73, %dma_wait3A_101] : memref<10240x128xf32, #tpu.memory_space<vmem_shared>> -> memref<32x128xf32, #tpu.memory_space<vmem_shared>>
      tpu.wait_dma2 semaphore(%run_scoped3A : memref<!tpu.dma_semaphore, #tpu.memory_space<semaphore_mem>>) src(%arg13 : memref<32x128xf32, #tpu.memory_space<vmem>>) dst(%dma_wait3A_102 : memref<32x128xf32, #tpu.memory_space<vmem_shared>>)
      tpu.yield
    }) : () -> ()
    %mul3A_74 = arith.constant 640 : i32
    %mul3A_75 = arith.muli %arg1, %mul3A_74 : i32
    %add3A_76 = arith.constant 544 : i32
    %add3A_77 = arith.addi %mul3A_75, %add3A_76 : i32
    "tpu.region"() ({
      %run_scoped3A = tpu.sem_alloc : memref<!tpu.dma_semaphore, #tpu.memory_space<semaphore_mem>>
      %dma_start3A = arith.constant 0 : i32
      %dma_start3A_97 = tpu.memref_slice %arg6[%add3A_77, %dma_start3A] : memref<10240x128xf32, #tpu.memory_space<vmem_shared>> -> memref<32x128xf32, #tpu.memory_space<vmem_shared>>
      %dma_start3A_98 = arith.constant 0 : i32
      %dma_start3A_99 = tpu.memref_slice %arg6[%add3A_77, %dma_start3A_98] : memref<10240x128xf32, #tpu.memory_space<vmem_shared>> -> memref<32x128xf32, #tpu.memory_space<vmem_shared>>
      tpu.enqueue_dma source(%arg13 : memref<32x128xf32, #tpu.memory_space<vmem>>) target(%dma_start3A_99 : memref<32x128xf32, #tpu.memory_space<vmem_shared>>) target_semaphore(%run_scoped3A : memref<!tpu.dma_semaphore, #tpu.memory_space<semaphore_mem>>)
      %dma_wait3A = arith.constant 0 : i32
      %dma_wait3A_100 = tpu.memref_slice %arg6[%add3A_77, %dma_wait3A] : memref<10240x128xf32, #tpu.memory_space<vmem_shared>> -> memref<32x128xf32, #tpu.memory_space<vmem_shared>>
      %dma_wait3A_101 = arith.constant 0 : i32
      %dma_wait3A_102 = tpu.memref_slice %arg6[%add3A_77, %dma_wait3A_101] : memref<10240x128xf32, #tpu.memory_space<vmem_shared>> -> memref<32x128xf32, #tpu.memory_space<vmem_shared>>
      tpu.wait_dma2 semaphore(%run_scoped3A : memref<!tpu.dma_semaphore, #tpu.memory_space<semaphore_mem>>) src(%arg13 : memref<32x128xf32, #tpu.memory_space<vmem>>) dst(%dma_wait3A_102 : memref<32x128xf32, #tpu.memory_space<vmem_shared>>)
      tpu.yield
    }) : () -> ()
    %mul3A_78 = arith.constant 640 : i32
    %mul3A_79 = arith.muli %arg1, %mul3A_78 : i32
    %add3A_80 = arith.constant 576 : i32
    %add3A_81 = arith.addi %mul3A_79, %add3A_80 : i32
    "tpu.region"() ({
      %run_scoped3A = tpu.sem_alloc : memref<!tpu.dma_semaphore, #tpu.memory_space<semaphore_mem>>
      %dma_start3A = arith.constant 0 : i32
      %dma_start3A_97 = tpu.memref_slice %arg6[%add3A_81, %dma_start3A] : memref<10240x128xf32, #tpu.memory_space<vmem_shared>> -> memref<32x128xf32, #tpu.memory_space<vmem_shared>>
      %dma_start3A_98 = arith.constant 0 : i32
      %dma_start3A_99 = tpu.memref_slice %arg6[%add3A_81, %dma_start3A_98] : memref<10240x128xf32, #tpu.memory_space<vmem_shared>> -> memref<32x128xf32, #tpu.memory_space<vmem_shared>>
      tpu.enqueue_dma source(%arg13 : memref<32x128xf32, #tpu.memory_space<vmem>>) target(%dma_start3A_99 : memref<32x128xf32, #tpu.memory_space<vmem_shared>>) target_semaphore(%run_scoped3A : memref<!tpu.dma_semaphore, #tpu.memory_space<semaphore_mem>>)
      %dma_wait3A = arith.constant 0 : i32
      %dma_wait3A_100 = tpu.memref_slice %arg6[%add3A_81, %dma_wait3A] : memref<10240x128xf32, #tpu.memory_space<vmem_shared>> -> memref<32x128xf32, #tpu.memory_space<vmem_shared>>
      %dma_wait3A_101 = arith.constant 0 : i32
      %dma_wait3A_102 = tpu.memref_slice %arg6[%add3A_81, %dma_wait3A_101] : memref<10240x128xf32, #tpu.memory_space<vmem_shared>> -> memref<32x128xf32, #tpu.memory_space<vmem_shared>>
      tpu.wait_dma2 semaphore(%run_scoped3A : memref<!tpu.dma_semaphore, #tpu.memory_space<semaphore_mem>>) src(%arg13 : memref<32x128xf32, #tpu.memory_space<vmem>>) dst(%dma_wait3A_102 : memref<32x128xf32, #tpu.memory_space<vmem_shared>>)
      tpu.yield
    }) : () -> ()
    %mul3A_82 = arith.constant 640 : i32
    %mul3A_83 = arith.muli %arg1, %mul3A_82 : i32
    %add3A_84 = arith.constant 608 : i32
    %add3A_85 = arith.addi %mul3A_83, %add3A_84 : i32
    "tpu.region"() ({
      %run_scoped3A = tpu.sem_alloc : memref<!tpu.dma_semaphore, #tpu.memory_space<semaphore_mem>>
      %dma_start3A = arith.constant 0 : i32
      %dma_start3A_97 = tpu.memref_slice %arg6[%add3A_85, %dma_start3A] : memref<10240x128xf32, #tpu.memory_space<vmem_shared>> -> memref<32x128xf32, #tpu.memory_space<vmem_shared>>
      %dma_start3A_98 = arith.constant 0 : i32
      %dma_start3A_99 = tpu.memref_slice %arg6[%add3A_85, %dma_start3A_98] : memref<10240x128xf32, #tpu.memory_space<vmem_shared>> -> memref<32x128xf32, #tpu.memory_space<vmem_shared>>
      tpu.enqueue_dma source(%arg13 : memref<32x128xf32, #tpu.memory_space<vmem>>) target(%dma_start3A_99 : memref<32x128xf32, #tpu.memory_space<vmem_shared>>) target_semaphore(%run_scoped3A : memref<!tpu.dma_semaphore, #tpu.memory_space<semaphore_mem>>)
      %dma_wait3A = arith.constant 0 : i32
      %dma_wait3A_100 = tpu.memref_slice %arg6[%add3A_85, %dma_wait3A] : memref<10240x128xf32, #tpu.memory_space<vmem_shared>> -> memref<32x128xf32, #tpu.memory_space<vmem_shared>>
      %dma_wait3A_101 = arith.constant 0 : i32
      %dma_wait3A_102 = tpu.memref_slice %arg6[%add3A_85, %dma_wait3A_101] : memref<10240x128xf32, #tpu.memory_space<vmem_shared>> -> memref<32x128xf32, #tpu.memory_space<vmem_shared>>
      tpu.wait_dma2 semaphore(%run_scoped3A : memref<!tpu.dma_semaphore, #tpu.memory_space<semaphore_mem>>) src(%arg13 : memref<32x128xf32, #tpu.memory_space<vmem>>) dst(%dma_wait3A_102 : memref<32x128xf32, #tpu.memory_space<vmem_shared>>)
      tpu.yield
    }) : () -> ()
    %barrier3A = arith.constant 0 : index
    tpu.barrier barrier_id(%barrier3A)
    %scan3A_86 = arith.constant 0 : i32
    %scan3A_87 = arith.constant 0 : i32
    %scan3A_88 = arith.constant 40 : i32
    %scan3A_89 = arith.addi %scan3A_87, %scan3A_88 : i32
    %scan3A_90 = arith.constant 1 : i32
    scf.for %scan3A_97 = %scan3A_87 to %scan3A_89 step %scan3A_90  : i32 {
      %mul3A_98 = arith.constant 80 : i32
      %mul3A_99 = arith.muli %add3A, %mul3A_98 : i32
      %mul3A_100 = arith.constant 2 : i32
      %mul3A_101 = arith.muli %mul3A_100, %scan3A_97 : i32
      %add3A_102 = arith.addi %mul3A_99, %mul3A_101 : i32
      %mul3A_103 = arith.constant 128 : i32
      %mul3A_104 = arith.muli %add3A_102, %mul3A_103 : i32
      %dma_start3A = tpu.memref_slice %arg3[%mul3A_104] : memref<327680xi32, #tpu.memory_space<hbm>> -> memref<128xi32, #tpu.memory_space<hbm>>
      %dma_start3A_105 = tpu.memref_slice %arg3[%mul3A_104] : memref<327680xi32, #tpu.memory_space<hbm>> -> memref<128xi32, #tpu.memory_space<hbm>>
      tpu.enqueue_dma source(%dma_start3A_105 : memref<128xi32, #tpu.memory_space<hbm>>) target(%arg7 : memref<128xi32, #tpu.memory_space<vmem>>) target_semaphore(%arg14 : memref<!tpu.dma_semaphore, #tpu.memory_space<semaphore_mem>>)
      %dma_start3A_106 = tpu.memref_slice %arg4[%mul3A_104] : memref<327680xi32, #tpu.memory_space<hbm>> -> memref<128xi32, #tpu.memory_space<hbm>>
      %dma_start3A_107 = tpu.memref_slice %arg4[%mul3A_104] : memref<327680xi32, #tpu.memory_space<hbm>> -> memref<128xi32, #tpu.memory_space<hbm>>
      tpu.enqueue_dma source(%dma_start3A_107 : memref<128xi32, #tpu.memory_space<hbm>>) target(%arg8 : memref<128xi32, #tpu.memory_space<vmem>>) target_semaphore(%arg14 : memref<!tpu.dma_semaphore, #tpu.memory_space<semaphore_mem>>)
      %add3A_108 = arith.constant 128 : i32
      %add3A_109 = arith.addi %mul3A_104, %add3A_108 : i32
      %dma_start3A_110 = tpu.memref_slice %arg3[%add3A_109] : memref<327680xi32, #tpu.memory_space<hbm>> -> memref<128xi32, #tpu.memory_space<hbm>>
      %dma_start3A_111 = tpu.memref_slice %arg3[%add3A_109] : memref<327680xi32, #tpu.memory_space<hbm>> -> memref<128xi32, #tpu.memory_space<hbm>>
      tpu.enqueue_dma source(%dma_start3A_111 : memref<128xi32, #tpu.memory_space<hbm>>) target(%arg9 : memref<128xi32, #tpu.memory_space<vmem>>) target_semaphore(%arg15 : memref<!tpu.dma_semaphore, #tpu.memory_space<semaphore_mem>>)
      %add3A_112 = arith.constant 128 : i32
      %add3A_113 = arith.addi %mul3A_104, %add3A_112 : i32
      %dma_start3A_114 = tpu.memref_slice %arg4[%add3A_113] : memref<327680xi32, #tpu.memory_space<hbm>> -> memref<128xi32, #tpu.memory_space<hbm>>
      %dma_start3A_115 = tpu.memref_slice %arg4[%add3A_113] : memref<327680xi32, #tpu.memory_space<hbm>> -> memref<128xi32, #tpu.memory_space<hbm>>
      tpu.enqueue_dma source(%dma_start3A_115 : memref<128xi32, #tpu.memory_space<hbm>>) target(%arg10 : memref<128xi32, #tpu.memory_space<vmem>>) target_semaphore(%arg15 : memref<!tpu.dma_semaphore, #tpu.memory_space<semaphore_mem>>)
      %dma_wait3A = tpu.memref_slice %arg3[%mul3A_104] : memref<327680xi32, #tpu.memory_space<hbm>> -> memref<128xi32, #tpu.memory_space<hbm>>
      %dma_wait3A_116 = tpu.memref_slice %arg3[%mul3A_104] : memref<327680xi32, #tpu.memory_space<hbm>> -> memref<128xi32, #tpu.memory_space<hbm>>
      tpu.wait_dma2 semaphore(%arg14 : memref<!tpu.dma_semaphore, #tpu.memory_space<semaphore_mem>>) src(%dma_wait3A_116 : memref<128xi32, #tpu.memory_space<hbm>>) dst(%arg7 : memref<128xi32, #tpu.memory_space<vmem>>)
      %dma_wait3A_117 = tpu.memref_slice %arg4[%mul3A_104] : memref<327680xi32, #tpu.memory_space<hbm>> -> memref<128xi32, #tpu.memory_space<hbm>>
      %dma_wait3A_118 = tpu.memref_slice %arg4[%mul3A_104] : memref<327680xi32, #tpu.memory_space<hbm>> -> memref<128xi32, #tpu.memory_space<hbm>>
      tpu.wait_dma2 semaphore(%arg14 : memref<!tpu.dma_semaphore, #tpu.memory_space<semaphore_mem>>) src(%dma_wait3A_118 : memref<128xi32, #tpu.memory_space<hbm>>) dst(%arg8 : memref<128xi32, #tpu.memory_space<vmem>>)
      %dma_start3A_119 = arith.constant 0 : i32
      %dma_start3A_120 = arith.constant 0 : i32
      %dma_start3A_121 = tpu.memref_slice %arg2[%dma_start3A_119, %dma_start3A_120] : memref<10000x128xf32, #tpu.memory_space<hbm>> -> memref<10000x128xf32, #tpu.memory_space<hbm>>
      tpu.enqueue_indirect_dma source(%dma_start3A_121 : memref<10000x128xf32, #tpu.memory_space<hbm>>) target(%arg11 : memref<128x128xf32, #tpu.memory_space<vmem>>) offsets(%arg7 : memref<128xi32, #tpu.memory_space<vmem>>) semaphore(%arg14 : memref<!tpu.dma_semaphore, #tpu.memory_space<semaphore_mem>>)
      %dma_wait3A_122 = tpu.memref_slice %arg3[%add3A_109] : memref<327680xi32, #tpu.memory_space<hbm>> -> memref<128xi32, #tpu.memory_space<hbm>>
      %dma_wait3A_123 = tpu.memref_slice %arg3[%add3A_109] : memref<327680xi32, #tpu.memory_space<hbm>> -> memref<128xi32, #tpu.memory_space<hbm>>
      tpu.wait_dma2 semaphore(%arg15 : memref<!tpu.dma_semaphore, #tpu.memory_space<semaphore_mem>>) src(%dma_wait3A_123 : memref<128xi32, #tpu.memory_space<hbm>>) dst(%arg9 : memref<128xi32, #tpu.memory_space<vmem>>)
      %dma_wait3A_124 = tpu.memref_slice %arg4[%add3A_113] : memref<327680xi32, #tpu.memory_space<hbm>> -> memref<128xi32, #tpu.memory_space<hbm>>
      %dma_wait3A_125 = tpu.memref_slice %arg4[%add3A_113] : memref<327680xi32, #tpu.memory_space<hbm>> -> memref<128xi32, #tpu.memory_space<hbm>>
      tpu.wait_dma2 semaphore(%arg15 : memref<!tpu.dma_semaphore, #tpu.memory_space<semaphore_mem>>) src(%dma_wait3A_125 : memref<128xi32, #tpu.memory_space<hbm>>) dst(%arg10 : memref<128xi32, #tpu.memory_space<vmem>>)
      %dma_start3A_126 = arith.constant 0 : i32
      %dma_start3A_127 = arith.constant 0 : i32
      %dma_start3A_128 = tpu.memref_slice %arg2[%dma_start3A_126, %dma_start3A_127] : memref<10000x128xf32, #tpu.memory_space<hbm>> -> memref<10000x128xf32, #tpu.memory_space<hbm>>
      tpu.enqueue_indirect_dma source(%dma_start3A_128 : memref<10000x128xf32, #tpu.memory_space<hbm>>) target(%arg12 : memref<128x128xf32, #tpu.memory_space<vmem>>) offsets(%arg9 : memref<128xi32, #tpu.memory_space<vmem>>) semaphore(%arg15 : memref<!tpu.dma_semaphore, #tpu.memory_space<semaphore_mem>>)
      %dma_wait3A_129 = arith.constant 0 : i32
      %dma_wait3A_130 = arith.constant 0 : i32
      %dma_wait3A_131 = tpu.memref_slice %arg2[%dma_wait3A_129, %dma_wait3A_130] : memref<10000x128xf32, #tpu.memory_space<hbm>> -> memref<10000x128xf32, #tpu.memory_space<hbm>>
      tpu.wait_indirect_dma semaphore(%arg14 : memref<!tpu.dma_semaphore, #tpu.memory_space<semaphore_mem>>) src(%dma_wait3A_131 : memref<10000x128xf32, #tpu.memory_space<hbm>>) dst(%arg11 : memref<128x128xf32, #tpu.memory_space<vmem>>)
      "tpu.region"() ({
        %run_scoped3A = tpu.sem_alloc : memref<!tpu.dma_semaphore, #tpu.memory_space<semaphore_mem>>
        %dma_start3A_135 = arith.constant 0 : i32
        %dma_start3A_136 = arith.constant 0 : i32
        %dma_start3A_137 = tpu.memref_slice %arg6[%dma_start3A_135, %dma_start3A_136] : memref<10240x128xf32, #tpu.memory_space<vmem_shared>> -> memref<10240x128xf32, #tpu.memory_space<vmem_shared>>
        tpu.enqueue_indirect_dma source(%arg11 : memref<128x128xf32, #tpu.memory_space<vmem>>) target(%dma_start3A_137 : memref<10240x128xf32, #tpu.memory_space<vmem_shared>>) offsets(%arg8 : memref<128xi32, #tpu.memory_space<vmem>>) semaphore(%run_scoped3A : memref<!tpu.dma_semaphore, #tpu.memory_space<semaphore_mem>>) {add = true}
        %dma_wait3A_138 = arith.constant 0 : i32
        %dma_wait3A_139 = arith.constant 0 : i32
        %dma_wait3A_140 = tpu.memref_slice %arg6[%dma_wait3A_138, %dma_wait3A_139] : memref<10240x128xf32, #tpu.memory_space<vmem_shared>> -> memref<10240x128xf32, #tpu.memory_space<vmem_shared>>
        tpu.wait_indirect_dma semaphore(%run_scoped3A : memref<!tpu.dma_semaphore, #tpu.memory_space<semaphore_mem>>) src(%arg11 : memref<128x128xf32, #tpu.memory_space<vmem>>) dst(%dma_wait3A_140 : memref<10240x128xf32, #tpu.memory_space<vmem_shared>>)
        tpu.yield
      }) : () -> ()
      %dma_wait3A_132 = arith.constant 0 : i32
      %dma_wait3A_133 = arith.constant 0 : i32
      %dma_wait3A_134 = tpu.memref_slice %arg2[%dma_wait3A_132, %dma_wait3A_133] : memref<10000x128xf32, #tpu.memory_space<hbm>> -> memref<10000x128xf32, #tpu.memory_space<hbm>>
      tpu.wait_indirect_dma semaphore(%arg15 : memref<!tpu.dma_semaphore, #tpu.memory_space<semaphore_mem>>) src(%dma_wait3A_134 : memref<10000x128xf32, #tpu.memory_space<hbm>>) dst(%arg12 : memref<128x128xf32, #tpu.memory_space<vmem>>)
      "tpu.region"() ({
        %run_scoped3A = tpu.sem_alloc : memref<!tpu.dma_semaphore, #tpu.memory_space<semaphore_mem>>
        %dma_start3A_135 = arith.constant 0 : i32
        %dma_start3A_136 = arith.constant 0 : i32
        %dma_start3A_137 = tpu.memref_slice %arg6[%dma_start3A_135, %dma_start3A_136] : memref<10240x128xf32, #tpu.memory_space<vmem_shared>> -> memref<10240x128xf32, #tpu.memory_space<vmem_shared>>
        tpu.enqueue_indirect_dma source(%arg12 : memref<128x128xf32, #tpu.memory_space<vmem>>) target(%dma_start3A_137 : memref<10240x128xf32, #tpu.memory_space<vmem_shared>>) offsets(%arg10 : memref<128xi32, #tpu.memory_space<vmem>>) semaphore(%run_scoped3A : memref<!tpu.dma_semaphore, #tpu.memory_space<semaphore_mem>>) {add = true}
        %dma_wait3A_138 = arith.constant 0 : i32
        %dma_wait3A_139 = arith.constant 0 : i32
        %dma_wait3A_140 = tpu.memref_slice %arg6[%dma_wait3A_138, %dma_wait3A_139] : memref<10240x128xf32, #tpu.memory_space<vmem_shared>> -> memref<10240x128xf32, #tpu.memory_space<vmem_shared>>
        tpu.wait_indirect_dma semaphore(%run_scoped3A : memref<!tpu.dma_semaphore, #tpu.memory_space<semaphore_mem>>) src(%arg12 : memref<128x128xf32, #tpu.memory_space<vmem>>) dst(%dma_wait3A_140 : memref<10240x128xf32, #tpu.memory_space<vmem_shared>>)
        tpu.yield
      }) : () -> ()
    }
    %scan3A_91 = arith.constant 40 : i32
    %barrier3A_92 = arith.constant 0 : index
    tpu.barrier barrier_id(%barrier3A_92)
    %mul3A_93 = arith.constant 640 : i32
    %mul3A_94 = arith.muli %arg1, %mul3A_93 : i32
    %mul3A_95 = arith.constant 640 : i32
    %mul3A_96 = arith.muli %arg1, %mul3A_95 : i32
    "tpu.region"() ({
      %run_scoped3A = tpu.sem_alloc : memref<!tpu.dma_semaphore, #tpu.memory_space<semaphore_mem>>
      %dma_start3A = arith.constant 0 : i32
      %dma_start3A_97 = tpu.memref_slice %arg5[%arg0, %mul3A_96, %dma_start3A] : memref<2x10240x128xf32, #tpu.memory_space<hbm>> -> memref<1x640x128xf32, #tpu.memory_space<hbm>>
      %dma_start3A_98 = tpu.memref_squeeze %dma_start3A_97 : memref<1x640x128xf32, #tpu.memory_space<hbm>> -> memref<640x128xf32, #tpu.memory_space<hbm>>
      %dma_start3A_99 = arith.constant 0 : i32
      %dma_start3A_100 = tpu.memref_slice %arg6[%mul3A_94, %dma_start3A_99] : memref<10240x128xf32, #tpu.memory_space<vmem_shared>> -> memref<640x128xf32, #tpu.memory_space<vmem_shared>>
      tpu.enqueue_dma source(%dma_start3A_100 : memref<640x128xf32, #tpu.memory_space<vmem_shared>>) target(%dma_start3A_98 : memref<640x128xf32, #tpu.memory_space<hbm>>) target_semaphore(%run_scoped3A : memref<!tpu.dma_semaphore, #tpu.memory_space<semaphore_mem>>)
      %dma_wait3A = arith.constant 0 : i32
      %dma_wait3A_101 = tpu.memref_slice %arg5[%arg0, %mul3A_96, %dma_wait3A] : memref<2x10240x128xf32, #tpu.memory_space<hbm>> -> memref<1x640x128xf32, #tpu.memory_space<hbm>>
      %dma_wait3A_102 = tpu.memref_squeeze %dma_wait3A_101 : memref<1x640x128xf32, #tpu.memory_space<hbm>> -> memref<640x128xf32, #tpu.memory_space<hbm>>
      %dma_wait3A_103 = arith.constant 0 : i32
      %dma_wait3A_104 = tpu.memref_slice %arg6[%mul3A_94, %dma_wait3A_103] : memref<10240x128xf32, #tpu.memory_space<vmem_shared>> -> memref<640x128xf32, #tpu.memory_space<vmem_shared>>
      tpu.wait_dma2 semaphore(%run_scoped3A : memref<!tpu.dma_semaphore, #tpu.memory_space<semaphore_mem>>) src(%dma_wait3A_104 : memref<640x128xf32, #tpu.memory_space<vmem_shared>>) dst(%dma_wait3A_102 : memref<640x128xf32, #tpu.memory_space<hbm>>)
      tpu.yield
    }) : () -> ()
    return
  }
}

module attributes {stable_mosaic.version = 14 : i64} {
  func.func @_tc1_body(%arg0: i32, %arg1: memref<1000x2xf32, #tpu.memory_space<vmem>>, %arg2: memref<1000x128xf32, #tpu.memory_space<vmem>>, %arg3: memref<128x128xf32, #tpu.memory_space<vmem>>, %arg4: memref<1000x1xf32, #tpu.memory_space<vmem>>, %arg5: memref<1000x128xf32, #tpu.memory_space<vmem>>) attributes {dimension_semantics = [#tpu.dimension_semantics<arbitrary>], iteration_bounds = array<i64: 10>, scalar_prefetch = 0 : i64, scratch_operands = 0 : i64, tpu.core_type = #tpu.core_type<tc>, window_params = [{transform_indices = @transform_0, window_bounds = array<i64: 1000, 2>}, {transform_indices = @transform_1, window_bounds = array<i64: 1000, 128>}, {pipeline_mode = #tpu.pipeline_mode<synchronous>, transform_indices = @transform_2, window_bounds = array<i64: 128, 128>}, {transform_indices = @transform_3, window_bounds = array<i64: 1000, 1>}, {transform_indices = @transform_4, window_bounds = array<i64: 1000, 128>}]} {
    %get3A = arith.constant 0 : index
    %get3A_0 = arith.constant 0 : index
    %get3A_1 = vector.load %arg1[%get3A, %get3A_0] : memref<1000x2xf32, #tpu.memory_space<vmem>>, vector<1000x1xf32>
    %get3A_2 = arith.constant 0 : index
    %get3A_3 = arith.constant 1 : index
    %get3A_4 = vector.load %arg1[%get3A_2, %get3A_3] : memref<1000x2xf32, #tpu.memory_space<vmem>>, vector<1000x1xf32>
    %add3A = arith.addf %get3A_1, %get3A_4 : vector<1000x1xf32>
    %add3A_5 = arith.constant 1.000000e+00 : f32
    %add3A_6 = vector.broadcast %add3A_5 : f32 to vector<1000x1xf32>
    %add3A_7 = arith.addf %add3A, %add3A_6 : vector<1000x1xf32>
    %rsqrt3A = math.rsqrt %add3A_7 : vector<1000x1xf32>
    %swap3A = arith.constant 0 : index
    %swap3A_8 = arith.constant 0 : index
    %swap3A_9 = vector.load %arg4[%swap3A, %swap3A_8] : memref<1000x1xf32, #tpu.memory_space<vmem>>, vector<1000x1xf32>
    tpu.vector_store %arg4[%swap3A, %swap3A_8], %rsqrt3A {strides = array<i32>} : memref<1000x1xf32, #tpu.memory_space<vmem>>, vector<1000x1xf32>,
    %get3A_10 = arith.constant 0 : index
    %get3A_11 = arith.constant 0 : index
    %get3A_12 = vector.load %arg2[%get3A_10, %get3A_11] : memref<1000x128xf32, #tpu.memory_space<vmem>>, vector<1000x128xf32>
    %get3A_13 = arith.constant 0 : index
    %get3A_14 = arith.constant 0 : index
    %get3A_15 = vector.load %arg3[%get3A_13, %get3A_14] : memref<128x128xf32, #tpu.memory_space<vmem>>, vector<128x128xf32>
    %dot_general3A = arith.constant dense<0.000000e+00> : vector<1000x128xf32>
    %dot_general3A_16 = tpu.matmul %get3A_12, %get3A_15, %dot_general3A {dimension_numbers = #tpu.dot_dimension_numbers<[1], [0], [0], [1], [0, 0, 1, 1], [], []>, precision = #tpu.contract_precision<fp32>, transpose_lhs_hint = false} : vector<1000x128xf32>, vector<128x128xf32>, vector<1000x128xf32> -> vector<1000x128xf32>
    %mul3A = vector.broadcast %rsqrt3A : vector<1000x1xf32> to vector<1000x128xf32>
    %mul3A_17 = arith.mulf %dot_general3A_16, %mul3A : vector<1000x128xf32>
    %swap3A_18 = arith.constant 0 : index
    %swap3A_19 = arith.constant 0 : index
    %swap3A_20 = vector.load %arg5[%swap3A_18, %swap3A_19] : memref<1000x128xf32, #tpu.memory_space<vmem>>, vector<1000x128xf32>
    tpu.vector_store %arg5[%swap3A_18, %swap3A_19], %mul3A_17 {strides = array<i32>} : memref<1000x128xf32, #tpu.memory_space<vmem>>, vector<1000x128xf32>,
    return
  }
  func.func @transform_0(%arg0: i32) -> (i32, i32) {
    %c0_i32 = arith.constant 0 : i32
    %c0_i32_0 = arith.constant 0 : i32
    return %arg0, %c0_i32 : i32, i32
  }
  func.func @transform_1(%arg0: i32) -> (i32, i32) {
    %c0_i32 = arith.constant 0 : i32
    %c0_i32_0 = arith.constant 0 : i32
    return %arg0, %c0_i32 : i32, i32
  }
  func.func @transform_2(%arg0: i32) -> (i32, i32) {
    %c0_i32 = arith.constant 0 : i32
    %c0_i32_0 = arith.constant 0 : i32
    %c0_i32_1 = arith.constant 0 : i32
    return %c0_i32, %c0_i32_0 : i32, i32
  }
  func.func @transform_3(%arg0: i32) -> (i32, i32) {
    %c0_i32 = arith.constant 0 : i32
    %c0_i32_0 = arith.constant 0 : i32
    return %arg0, %c0_i32 : i32, i32
  }
  func.func @transform_4(%arg0: i32) -> (i32, i32) {
    %c0_i32 = arith.constant 0 : i32
    %c0_i32_0 = arith.constant 0 : i32
    return %arg0, %c0_i32 : i32, i32
  }
}

module attributes {stable_mosaic.version = 14 : i64} {
  func.func @_tc2_body(%arg0: i32, %arg1: memref<2x1000x128xf32, #tpu.memory_space<vmem>>, %arg2: memref<1000x128xf32, #tpu.memory_space<vmem>>, %arg3: memref<1000x1xf32, #tpu.memory_space<vmem>>, %arg4: memref<1x128xf32, #tpu.memory_space<vmem>>, %arg5: memref<128x128xf32, #tpu.memory_space<vmem>>, %arg6: memref<1000x128xf32, #tpu.memory_space<vmem>>) attributes {dimension_semantics = [#tpu.dimension_semantics<arbitrary>], iteration_bounds = array<i64: 10>, scalar_prefetch = 0 : i64, scratch_operands = 0 : i64, tpu.core_type = #tpu.core_type<tc>, window_params = [{transform_indices = @transform_0, window_bounds = array<i64: 2, 1000, 128>}, {transform_indices = @transform_1, window_bounds = array<i64: 1000, 128>}, {transform_indices = @transform_2, window_bounds = array<i64: 1000, 1>}, {pipeline_mode = #tpu.pipeline_mode<synchronous>, transform_indices = @transform_3, window_bounds = array<i64: 1, 128>}, {pipeline_mode = #tpu.pipeline_mode<synchronous>, transform_indices = @transform_4, window_bounds = array<i64: 128, 128>}, {transform_indices = @transform_5, window_bounds = array<i64: 1000, 128>}]} {
    %get3A = arith.constant 0 : index
    %get3A_0 = arith.constant 0 : index
    %get3A_1 = arith.constant 0 : index
    %get3A_2 = vector.load %arg1[%get3A, %get3A_0, %get3A_1] : memref<2x1000x128xf32, #tpu.memory_space<vmem>>, vector<1x1000x128xf32>
    %get3A_3 = vector.shape_cast %get3A_2 : vector<1x1000x128xf32> to vector<1000x128xf32>
    %get3A_4 = arith.constant 1 : index
    %get3A_5 = arith.constant 0 : index
    %get3A_6 = arith.constant 0 : index
    %get3A_7 = vector.load %arg1[%get3A_4, %get3A_5, %get3A_6] : memref<2x1000x128xf32, #tpu.memory_space<vmem>>, vector<1x1000x128xf32>
    %get3A_8 = vector.shape_cast %get3A_7 : vector<1x1000x128xf32> to vector<1000x128xf32>
    %add3A = arith.addf %get3A_3, %get3A_8 : vector<1000x128xf32>
    %get3A_9 = arith.constant 0 : index
    %get3A_10 = arith.constant 0 : index
    %get3A_11 = vector.load %arg2[%get3A_9, %get3A_10] : memref<1000x128xf32, #tpu.memory_space<vmem>>, vector<1000x128xf32>
    %add3A_12 = arith.addf %add3A, %get3A_11 : vector<1000x128xf32>
    %get3A_13 = arith.constant 0 : index
    %get3A_14 = arith.constant 0 : index
    %get3A_15 = vector.load %arg3[%get3A_13, %get3A_14] : memref<1000x1xf32, #tpu.memory_space<vmem>>, vector<1000x1xf32>
    %mul3A = vector.broadcast %get3A_15 : vector<1000x1xf32> to vector<1000x128xf32>
    %mul3A_16 = arith.mulf %mul3A, %add3A_12 : vector<1000x128xf32>
    %get3A_17 = arith.constant 0 : index
    %get3A_18 = arith.constant 0 : index
    %get3A_19 = vector.load %arg4[%get3A_17, %get3A_18] : memref<1x128xf32, #tpu.memory_space<vmem>>, vector<1x128xf32>
    %add3A_20 = vector.broadcast %get3A_19 : vector<1x128xf32> to vector<1000x128xf32>
    %add3A_21 = arith.addf %mul3A_16, %add3A_20 : vector<1000x128xf32>
    %max3A = arith.constant 0.000000e+00 : f32
    %max3A_22 = vector.broadcast %max3A : f32 to vector<1000x128xf32>
    %max3A_23 = arith.maximumf %add3A_21, %max3A_22 : vector<1000x128xf32>
    %get3A_24 = arith.constant 0 : index
    %get3A_25 = arith.constant 0 : index
    %get3A_26 = vector.load %arg5[%get3A_24, %get3A_25] : memref<128x128xf32, #tpu.memory_space<vmem>>, vector<128x128xf32>
    %dot_general3A = arith.constant dense<0.000000e+00> : vector<1000x128xf32>
    %dot_general3A_27 = tpu.matmul %max3A_23, %get3A_26, %dot_general3A {dimension_numbers = #tpu.dot_dimension_numbers<[1], [0], [0], [1], [0, 0, 1, 1], [], []>, precision = #tpu.contract_precision<fp32>, transpose_lhs_hint = false} : vector<1000x128xf32>, vector<128x128xf32>, vector<1000x128xf32> -> vector<1000x128xf32>
    %get3A_28 = arith.constant 0 : index
    %get3A_29 = arith.constant 0 : index
    %get3A_30 = vector.load %arg3[%get3A_28, %get3A_29] : memref<1000x1xf32, #tpu.memory_space<vmem>>, vector<1000x1xf32>
    %mul3A_31 = vector.broadcast %get3A_30 : vector<1000x1xf32> to vector<1000x128xf32>
    %mul3A_32 = arith.mulf %dot_general3A_27, %mul3A_31 : vector<1000x128xf32>
    %swap3A = arith.constant 0 : index
    %swap3A_33 = arith.constant 0 : index
    %swap3A_34 = vector.load %arg6[%swap3A, %swap3A_33] : memref<1000x128xf32, #tpu.memory_space<vmem>>, vector<1000x128xf32>
    tpu.vector_store %arg6[%swap3A, %swap3A_33], %mul3A_32 {strides = array<i32>} : memref<1000x128xf32, #tpu.memory_space<vmem>>, vector<1000x128xf32>,
    return
  }
  func.func @transform_0(%arg0: i32) -> (i32, i32, i32) {
    %c0_i32 = arith.constant 0 : i32
    %c0_i32_0 = arith.constant 0 : i32
    %c0_i32_1 = arith.constant 0 : i32
    return %c0_i32, %arg0, %c0_i32_0 : i32, i32, i32
  }
  func.func @transform_1(%arg0: i32) -> (i32, i32) {
    %c0_i32 = arith.constant 0 : i32
    %c0_i32_0 = arith.constant 0 : i32
    return %arg0, %c0_i32 : i32, i32
  }
  func.func @transform_2(%arg0: i32) -> (i32, i32) {
    %c0_i32 = arith.constant 0 : i32
    %c0_i32_0 = arith.constant 0 : i32
    return %arg0, %c0_i32 : i32, i32
  }
  func.func @transform_3(%arg0: i32) -> (i32, i32) {
    %c0_i32 = arith.constant 0 : i32
    %c0_i32_0 = arith.constant 0 : i32
    %c0_i32_1 = arith.constant 0 : i32
    return %c0_i32, %c0_i32_0 : i32, i32
  }
  func.func @transform_4(%arg0: i32) -> (i32, i32) {
    %c0_i32 = arith.constant 0 : i32
    %c0_i32_0 = arith.constant 0 : i32
    %c0_i32_1 = arith.constant 0 : i32
    return %c0_i32, %c0_i32_0 : i32, i32
  }
  func.func @transform_5(%arg0: i32) -> (i32, i32) {
    %c0_i32 = arith.constant 0 : i32
    %c0_i32_0 = arith.constant 0 : i32
    return %arg0, %c0_i32 : i32, i32
  }
}

module attributes {stable_mosaic.version = 14 : i64} {
  func.func @_tc3_body(%arg0: i32, %arg1: memref<2x1000x128xf32, #tpu.memory_space<vmem>>, %arg2: memref<1000x128xf32, #tpu.memory_space<vmem>>, %arg3: memref<1000x1xf32, #tpu.memory_space<vmem>>, %arg4: memref<1x128xf32, #tpu.memory_space<vmem>>, %arg5: memref<1000x128xf32, #tpu.memory_space<vmem>>) attributes {dimension_semantics = [#tpu.dimension_semantics<arbitrary>], iteration_bounds = array<i64: 10>, scalar_prefetch = 0 : i64, scratch_operands = 0 : i64, tpu.core_type = #tpu.core_type<tc>, window_params = [{transform_indices = @transform_0, window_bounds = array<i64: 2, 1000, 128>}, {transform_indices = @transform_1, window_bounds = array<i64: 1000, 128>}, {transform_indices = @transform_2, window_bounds = array<i64: 1000, 1>}, {pipeline_mode = #tpu.pipeline_mode<synchronous>, transform_indices = @transform_3, window_bounds = array<i64: 1, 128>}, {transform_indices = @transform_4, window_bounds = array<i64: 1000, 128>}]} {
    %get3A = arith.constant 0 : index
    %get3A_0 = arith.constant 0 : index
    %get3A_1 = vector.load %arg3[%get3A, %get3A_0] : memref<1000x1xf32, #tpu.memory_space<vmem>>, vector<1000x1xf32>
    %get3A_2 = arith.constant 0 : index
    %get3A_3 = arith.constant 0 : index
    %get3A_4 = arith.constant 0 : index
    %get3A_5 = vector.load %arg1[%get3A_2, %get3A_3, %get3A_4] : memref<2x1000x128xf32, #tpu.memory_space<vmem>>, vector<1x1000x128xf32>
    %get3A_6 = vector.shape_cast %get3A_5 : vector<1x1000x128xf32> to vector<1000x128xf32>
    %get3A_7 = arith.constant 1 : index
    %get3A_8 = arith.constant 0 : index
    %get3A_9 = arith.constant 0 : index
    %get3A_10 = vector.load %arg1[%get3A_7, %get3A_8, %get3A_9] : memref<2x1000x128xf32, #tpu.memory_space<vmem>>, vector<1x1000x128xf32>
    %get3A_11 = vector.shape_cast %get3A_10 : vector<1x1000x128xf32> to vector<1000x128xf32>
    %add3A = arith.addf %get3A_6, %get3A_11 : vector<1000x128xf32>
    %get3A_12 = arith.constant 0 : index
    %get3A_13 = arith.constant 0 : index
    %get3A_14 = vector.load %arg2[%get3A_12, %get3A_13] : memref<1000x128xf32, #tpu.memory_space<vmem>>, vector<1000x128xf32>
    %add3A_15 = arith.addf %add3A, %get3A_14 : vector<1000x128xf32>
    %mul3A = vector.broadcast %get3A_1 : vector<1000x1xf32> to vector<1000x128xf32>
    %mul3A_16 = arith.mulf %mul3A, %add3A_15 : vector<1000x128xf32>
    %get3A_17 = arith.constant 0 : index
    %get3A_18 = arith.constant 0 : index
    %get3A_19 = vector.load %arg4[%get3A_17, %get3A_18] : memref<1x128xf32, #tpu.memory_space<vmem>>, vector<1x128xf32>
    %add3A_20 = vector.broadcast %get3A_19 : vector<1x128xf32> to vector<1000x128xf32>
    %add3A_21 = arith.addf %mul3A_16, %add3A_20 : vector<1000x128xf32>
    %swap3A = arith.constant 0 : index
    %swap3A_22 = arith.constant 0 : index
    %swap3A_23 = vector.load %arg5[%swap3A, %swap3A_22] : memref<1000x128xf32, #tpu.memory_space<vmem>>, vector<1000x128xf32>
    tpu.vector_store %arg5[%swap3A, %swap3A_22], %add3A_21 {strides = array<i32>} : memref<1000x128xf32, #tpu.memory_space<vmem>>, vector<1000x128xf32>,
    return
  }
  func.func @transform_0(%arg0: i32) -> (i32, i32, i32) {
    %c0_i32 = arith.constant 0 : i32
    %c0_i32_0 = arith.constant 0 : i32
    %c0_i32_1 = arith.constant 0 : i32
    return %c0_i32, %arg0, %c0_i32_0 : i32, i32, i32
  }
  func.func @transform_1(%arg0: i32) -> (i32, i32) {
    %c0_i32 = arith.constant 0 : i32
    %c0_i32_0 = arith.constant 0 : i32
    return %arg0, %c0_i32 : i32, i32
  }
  func.func @transform_2(%arg0: i32) -> (i32, i32) {
    %c0_i32 = arith.constant 0 : i32
    %c0_i32_0 = arith.constant 0 : i32
    return %arg0, %c0_i32 : i32, i32
  }
  func.func @transform_3(%arg0: i32) -> (i32, i32) {
    %c0_i32 = arith.constant 0 : i32
    %c0_i32_0 = arith.constant 0 : i32
    %c0_i32_1 = arith.constant 0 : i32
    return %c0_i32, %c0_i32_0 : i32, i32
  }
  func.func @transform_4(%arg0: i32) -> (i32, i32) {
    %c0_i32 = arith.constant 0 : i32
    %c0_i32_0 = arith.constant 0 : i32
    return %arg0, %c0_i32 : i32, i32
  }
}

</mosaic_0001>

<sc_bundles>
// kernel: kernel.11.cloned.1.call-start
scs
__scs_entry_jumppad:
0x0: {  	(pc) =	sbr.rel $0x88, $3  }
0x1: {  	(tag) =	ssettag $0x0;
	lr =	simm.s32 $0x1  }
0x2: {  	[smem:$0x3F9B] =	sst lr;
	_ =	strace $0xD0000000  }
0x3: {  	_ = 	snop  }
0x4: {  	_ = 	snop  }
0x5: {  	_ = 	snop  }
0x6: {  	_ = 	snop  }
0x7: {  	_ = 	snop  }
__scs_overlays_trampoline_lowered:
0x8: {  	[smem:$0x3FAA] =	sst s0  }
0x9: {  	[smem:$0x3FAB] =	sst s1  }
0xa: {  	[smem:$0x3FAC] =	sst s2  }
0xb: {  	[smem:$0x3FAD] =	sst s3  }
0xc: {  	[smem:$0x3FAE] =	sst s4  }
0xd: {  	[smem:$0x3FAF] =	sst s5  }
0xe: {  	[smem:$0x3FB0] =	sst s6  }
0xf: {  	[smem:$0x3FB1] =	sst s7  }
0x10: {  	[smem:$0x3FB2] =	sst s8  }
0x11: {  	[smem:$0x3FB3] =	sst s9;
	s0 =	simm.s32 @!p0 $0x0  }
0x12: {  	s1 =	sld [smem:$0x3F99];
	s0 =	simm.s32 @p0 $0x1  }
0x13: {  	[smem:$0x3FB4] =	sst s0;
	s0 =	simm.s32 @!p1 $0x0  }
0x14: {  	s2 =	sld [smem:$0x3F98];
	s0 =	simm.s32 @p1 $0x1  }
0x15: {  	[smem:$0x3FB5] =	sst s0;
	s0 =	simm.s32 @!p2 $0x0  }
0x16: {  	s3 =	sld [smem:$0x3FDB];
	s0 =	simm.s32 @p2 $0x1  }
0x17: {  	s4 =	simm.s32 $0x1BF5;
	[smem:$0x3FB7] =	sst s0  }
0x18: {  	s0 =	sld [smem:$0x3F9A];
	_ =	swait.ge [sflag:s4], $0x0  }
0x19: {  	s7 =	sld [smem:$0x3F9B]  }
0x1a: {  	s8 =	sadd.s32 $0xFFFFE003, lr  }
0x1b: {  	s9 =	sadd.s32 $0xFFFFFEF7, lr;
	s5 =	simm.s32 $0xFFFFFFFF;
	p2 =	slt.u32 s8, $0xFFFFF086  }
0x1c: {  	p1 =	slt.u32 s9, $0xF7A;
	s5 =	simm.s32 @!p2 $0x0  }
0x1d: {  	s5 =	simm.s32 @p1 $0x1;
	p0 =	seq.s32 s7, s2  }
0x1e: {  	s7 =	smul.u32 @!p0 $0xF7A, s2;
	p2 =	seq.s32 @!p0 s5, $0x0  }
0x1f: {  	s9 =	smul.u32 $0xF7A, s1;
	s8 =	simm.s32 @!p0 $0x1BF5;
	p2 =	por !p2, p0  }
0x20: {  	[sflag:s8] =	ssyncset.s32 @!p0 $0xFFFFF086;
	s6 =	sadd.s32 @!p0 s3, s7;
	s7 =	simm.s32 @!p0 $0x108  }
0x21: {  	s3 =	sadd.s32 s3, s9;
	s6 =	sadd.s32 @!p0 $0x88, s6;
	s7 =	simm.s32 @p2 $0x1082  }
0x22: {  	[simem:s7], [sflag:s8] =	dma.local @!p0 [hbm:s6], $0xF7A  }
0x23: {  	s9 =	sor.u32 $0xD0000000, s2;
	s6 =	simm.s32 $0x108;
	_ =	swait.ge @!p0 [sflag:s8], $0x0  }
0x24: {  	s3 =	sadd.s32 $0x88, s3;
	s6 =	simm.s32 @!p1 $0x1082;
	[sflag:s4] =	ssyncset.s32 $0xFFFFF086  }
0x25: {  	[simem:s6], [sflag:s4] =	dma.local [hbm:s3], $0xF7A  }
0x26: {  	[smem:$0x3F9B] =	sst s1;
	(tag) =	ssettag s2;
	_ =	strace s9  }
0x27: {  	s1 =	sld [smem:$0x3FAB]  }
0x28: {  	s2 =	sld [smem:$0x3FAC]  }
0x29: {  	s4 =	sld [smem:$0x3FAE]  }
0x2a: {  	p0 =	seq.s32 s5, $0x0;
	s5 =	sld [smem:$0x3FAF]  }
0x2b: {  	s6 =	sld [smem:$0x3FB0]  }
0x2c: {  	s7 =	sld [smem:$0x3FB1]  }
0x2d: {  	s3 =	simm.s32 $0x108;
	s8 =	sld [smem:$0x3FB2]  }
0x2e: {  	s3 =	simm.s32 @!p0 $0x1082;
	s9 =	sld [smem:$0x3FB3]  }
0x2f: {  	lr =	sadd.s32 s0, s3;
	s0 =	sld [smem:$0x3FAA]  }
0x30: {  	s3 =	sld [smem:$0x3FAD]  }
0x31: {  	[smem:$0x3FB6] =	sst s10  }
0x32: {  	s10 =	sld [smem:$0x3FB4];
	_ =	sdelay $0x3  }
0x33: {  	p0 =	seq.s32 s10, $0x1;
	s10 =	sld [smem:$0x3FB6];
	_ =	sdelay $0x3  }
0x34: {  	[smem:$0x3FB6] =	sst s10  }
0x35: {  	s10 =	sld [smem:$0x3FB5];
	_ =	sdelay $0x3  }
0x36: {  	p1 =	seq.s32 s10, $0x1;
	s10 =	sld [smem:$0x3FB6];
	_ =	sdelay $0x3  }
0x37: {  	[smem:$0x3FB6] =	sst s10  }
0x38: {  	s10 =	sld [smem:$0x3FB7]  }
0x39: {  	_ = 	snop;
	(pc) =	sbr.ind lr, $3  }
0x3a: {  	_ = 	snop  }
0x3b: {  	_ = 	snop  }
0x3c: {  	p2 =	seq.s32 s10, $0x1;
	s10 =	sld [smem:$0x3FB6]  }
0x3d: {  	_ =	shalt  }
0x3e: {  	_ =	shalt  }
0x3f: {  	_ =	shalt  }
0x40: {  	_ =	shalt  }
0x41: {  	_ =	shalt  }
0x42: {  	_ =	shalt  }
0x43: {  	_ =	shalt  }
0x44: {  	_ =	shalt  }
0x45: {  	_ =	shalt  }
0x46: {  	_ =	shalt  }
0x47: {  	_ =	shalt  }
0x48: {  	_ =	shalt  }
0x49: {  	_ =	shalt  }
0x4a: {  	_ =	shalt  }
0x4b: {  	_ =	shalt  }
0x4c: {  	_ =	shalt  }
0x4d: {  	_ =	shalt  }
0x4e: {  	_ =	shalt  }
0x4f: {  	_ =	shalt  }
0x50: {  	_ =	shalt  }
0x51: {  	_ =	shalt  }
0x52: {  	_ =	shalt  }
0x53: {  	_ =	shalt  }
0x54: {  	_ =	shalt  }
0x55: {  	_ =	shalt  }
0x56: {  	_ =	shalt  }
0x57: {  	_ =	shalt  }
0x58: {  	_ =	shalt  }
0x59: {  	_ =	shalt  }
0x5a: {  	_ =	shalt  }
0x5b: {  	_ =	shalt  }
0x5c: {  	_ =	shalt  }
0x5d: {  	_ =	shalt  }
0x5e: {  	_ =	shalt  }
0x5f: {  	_ =	shalt  }
0x60: {  	_ =	shalt  }
0x61: {  	_ =	shalt  }
0x62: {  	_ =	shalt  }
0x63: {  	_ =	shalt  }
0x64: {  	_ =	shalt  }
0x65: {  	_ =	shalt  }
0x66: {  	_ =	shalt  }
0x67: {  	_ =	shalt  }
0x68: {  	_ =	shalt  }
0x69: {  	_ =	shalt  }
0x6a: {  	_ =	shalt  }
0x6b: {  	_ =	shalt  }
0x6c: {  	_ =	shalt  }
0x6d: {  	_ =	shalt  }
0x6e: {  	_ =	shalt  }
0x6f: {  	_ =	shalt  }
0x70: {  	_ =	shalt  }
0x71: {  	_ =	shalt  }
0x72: {  	_ =	shalt  }
0x73: {  	_ =	shalt  }
0x74: {  	_ =	shalt  }
0x75: {  	_ =	shalt  }
0x76: {  	_ =	shalt  }
0x77: {  	_ =	shalt  }
0x78: {  	_ =	shalt  }
0x79: {  	_ =	shalt  }
0x7a: {  	_ =	shalt  }
0x7b: {  	_ =	shalt  }
0x7c: {  	_ =	shalt  }
0x7d: {  	_ =	shalt  }
0x7e: {  	_ =	shalt  }
0x7f: {  	_ =	shalt  }
0x80: {  	_ =	shalt  }
0x81: {  	_ =	shalt  }
0x82: {  	_ =	shalt  }
0x83: {  	_ =	shalt  }
0x84: {  	_ =	shalt  }
0x85: {  	_ =	shalt  }
0x86: {  	_ =	shalt  }
0x87: {  	_ =	shalt  }
.Lfunc_end0:
.L_simem_size_0:
called_computation.1_lowered:
.L_overlay_start_0:
0x88: {  	s2 =	sld [smem:$0x3FD9]  }
0x89: {  	s3 =	sld [smem:$0x3FFE];
	_ =	sdelay $0x1  }
0x8a: {  	s1 =	srdreg.scid  }
0x8b: {  	s0 =	sand.u32 $0x1, s1  }
0x8c: {  	s17 =	sshll.u32 s0, $0xA;
	s2 =	sadd.s32 s3, s2  }
0x8d: {  	s2 =	sadd.s32 s2, s17  }
0x8e: {  	[smem:$0x3FC2] =	sst s2  }
0x8f: {  	_ = 	snop  }
0x90: {  	s2 =	sld [smem:$0x3FD0];
	(tm) =	ssettm $0x1  }
0x91: {  	s18 =	sld [smem:$0x3FFB];
	_ =	sdelay $0x3  }
0x92: {  	_ =	strace s18  }
0x93: {  	s3 =	sld [smem:$0x3FFC];
	_ =	sdelay $0x3  }
0x94: {  	_ =	strace s3  }
0x95: {  	s3 =	sld [smem:$0x3FFD];
	_ =	sdelay $0x3  }
0x96: {  	_ =	strace s3  }
0x97: {  	_ =	strace $0x8FFFFFFF  }
0x98: {  	s19 =	sld [smem:$0x3FDB];
	_ =	sdelay $0x1  }
0x99: {  	s4 =	simm.s32 $_scs_section_size  }
0x9a: {  	s5 =	simm.s32 $_size__tile_overlayer_lowered;
	s6 =	simm.s32 $_tile_overlayer_lowered  }
0x9b: {  	s22 =	simm.s32 $0x1BFF;
	s21 =	sshll.u32 s6, $0x1;
	s3 =	sadd.s32 s4, s19  }
0x9c: {  	s7 =	simm.s32 $0x0;
	s20 =	sshll.u32 s5, $0x1;
	s5 =	sadd.s32 s21, s3  }
0x9d: {  	[timem:s7], [sflag:s22] =	dma.local [hbm:s5], s20  }
0x9e: {  	_ =	swait.ge [sflag:s22], s20  }
0x9f: {  	s4 =	ssub.s32 $0x0, s20;
	[sflag:s22] =	ssyncset.done $0x0  }
0xa0: {  	[sflag:s22] =	ssyncadd.s32 s4;
	_ =	sdelay $0x1  }
0xa1: {  	s23 =	simm.s32 $0x1B8B  }
0xa2: {  	_ =	swait.ge [sflag:s23], $0x1  }
0xa3: {  	[sflag:s23] =	ssyncset.done $0x0  }
0xa4: {  	s25 =	simm.s32 $0x1B8E;
	s24 =	sld [smem:$0x3FFE];
	[sflag:s23] =	ssyncadd.s32 $0xFFFFFFFF  }
0xa5: {  	s26 =	simm.s32 $execute0_lowered;
	[smem:$0x3FD2] =	sst s25  }
0xa6: {  	s5 =	sshll.u32 s26, $0x1;
	_ =	strace $0x80000049;
	[dreg:$0x1] =	wrdreg $0xFFFFFFFF  }
0xa7: {  	s28 =	simm.s32 $_size_execute0_lowered;
	s3 =	sadd.s32 s3, s5;
	[dreg:$0x0] =	wrdreg $0x0  }
0xa8: {  	s5 =	sshll.u32 s28, $0x1;
	[dreg:$0x2] =	wrdreg s3  }
0xa9: {  	[dreg:$0x3] =	wrdreg s5  }
0xaa: {  	[dreg:$0x4] =	wrdreg $0xC0  }
0xab: {  	_ =	task [dreg:s7], $0x5FFFF  }
0xac: {  	[dreg:$0x1] =	wrdreg $0xFFFFFFFF  }
0xad: {  	[dreg:$0x0] =	wrdreg $0x60  }
0xae: {  	[dreg:$0x2] =	wrdreg s2  }
0xaf: {  	[dreg:$0x3] =	wrdreg s24  }
0xb0: {  	[dreg:$0x4] =	wrdreg $0x0  }
0xb1: {  	[dreg:$0x5] =	wrdreg $0x9  }
0xb2: {  	_ =	task.clear_ibuf [dreg:s7], $0x6FFFF;
	_ =	strace $0x90000049  }
0xb3: {  	s29 =	simm.s32 $0x9;
	_ =	strace $0x8000004B  }
0xb4: {  	_ =	swait.ge [sflag:s29], $0x1  }
0xb5: {  	[sflag:s29] =	ssyncadd.s32 $0xFFFFFFFF  }
0xb6: {  	_ =	strace $0x9000004B  }
0xb7: {  	_ =	sfence  }
0xb8: {  	s30 =	sld [smem:$0x0];
	_ =	sdelay $0x2  }
0xb9: {  	s31 =	sshll.u32 s1, $0xD;
	s1 =	sshrl.u32 s1, $0x2  }
0xba: {  	s3 =	sand.u32 $0x4000, s31;
	s1 =	sadd.s32 s1, s30  }
0xbb: {  	s0 =	sor.u32 s3, s0;
	s1 =	sshll.u32 s1, $0x11  }
0xbc: {  	s0 =	sor.u32 s1, s0  }
0xbd: {  	s0 =	sadd.s32 $0x8F2B, s0  }
0xbe: {  	[sflag:s0] =	ssyncadd.remote.s32 $0x1  }
0xbf: {  	_ =	sfence.sel $0xFFFF  }
0xc0: {  	[dreg:$0x0] =	wrdreg $0xFFFFFFFF;
	(pc) =	sbr.abs _section_cstart, $3  }
0xc1: {  	[dreg:$0x1] =	wrdreg $0xFFFFFFFF  }
0xc2: {  	_ =	task.clear_ibuf [dreg:s7], $0x2FFFF;
	_ =	strace $0x9FFFFFFF  }
0xc3: {  	(tm) =	ssettm $0x7FFFFFFF  }
tec
execute0_lowered:
.L_overlay_start_1:
0x0: {  	(tag) =	ssettag $0x1  }
0x1: {  	s8 =	stileid.u32  }
0x2: {  	s0 =	srdreg.scid;
	s5 =	smul.u32 $0x5000, s8  }
0x3: {  	s0 =	sand.u32 $0x1, s0;
	s11 =	smul.u32 $0x14000, s8  }
0x4: {  	s6 =	smul.u32 $0x2800, s0  }
0x5: {  	s1 =	rddreg [dreg:$0x0];
	s7 =	smul.u32 $0x140000, s0  }
0x6: {  	s2 =	rddreg [dreg:$0x1];
	s8 =	smul.u32 $0x50000, s8;
	s5 =	sadd.s32 s6, s5  }
0x7: {  	s3 =	rddreg [dreg:$0x2];
	s12 =	sadd.s32 s11, s7;
	s5 =	sshrl.u32 s5, $0x3  }
0x8: {  	s13 =	sshrl.u32 s8, $0x2;
	s9 =	sadd.s32 s5, s2;
	s5 =	sshrl.u32 s12, $0x3  }
0x9: {  	s4 =	simm.s32 $0x0;
	s2 =	sadd.s32 s5, s2;
	s5 =	sadd.s32 s13, s3  }
0xa: {  	[smem:$0x7FF] =	sst s4;
	s6 =	sadd.s32 $0x1000, s5  }
0xb: {  	_ =	strace $0x8000004A;
	s15 =	sadd.s32 $0x2000, s5;
	[dreg:$0x4] =	wrdreg s6  }
0xc: {  	s30 =	simm.s32 $0x1C200;
	s16 =	sadd.s32 $0x3000, s5;
	[dreg:$0x5] =	wrdreg s15  }
0xd: {  	s31 =	simm.s32 $0x3;
	s17 =	sadd.s32 $0x4000, s5;
	[dreg:$0x6] =	wrdreg s16  }
0xe: {  	s10 =	simm.s32 $0x14200;
	s18 =	sadd.s32 $0x5000, s5;
	[dreg:$0x7] =	wrdreg s17  }
0xf: {  	s0 =	ssub.s32 $0x2, s0;
	s19 =	sadd.s32 $0x6000, s5;
	[dreg:$0x8] =	wrdreg s18  }
0x10: {  	s14 =	sshrl.u32 s0, $0x1;
	s20 =	sadd.s32 $0x7000, s5;
	[dreg:$0x9] =	wrdreg s19  }
0x11: {  	s8 =	simm.s32 $0x1;
	s21 =	sadd.s32 $0x8000, s5;
	[dreg:$0xa] =	wrdreg s20  }
0x12: {  	s0 =	ssub.s32 s0, s14;
	s22 =	sadd.s32 $0x9000, s5;
	[dreg:$0xb] =	wrdreg s21  }
0x13: {  	s7 =	simm.s32 $0x14180;
	s23 =	sadd.s32 $0xA000, s5;
	[dreg:$0xc] =	wrdreg s22  }
0x14: {  	s11 =	simm.s32 $0x2;
	s24 =	sadd.s32 $0xB000, s5;
	[dreg:$0xd] =	wrdreg s23  }
0x15: {  	s12 =	simm.s32 $0x18200;
	s25 =	sadd.s32 $0xC000, s5;
	[dreg:$0xe] =	wrdreg s24  }
0x16: {  	s13 =	simm.s32 $0x0;
	s26 =	sadd.s32 $0xD000, s5;
	[dreg:$0xf] =	wrdreg s25  }
0x17: {  	s28 =	sadd.s32 $0x12000, s5;
	s29 =	sadd.s32 $0x13000, s5;
	[dreg:$0x10] =	wrdreg s26  }
0x18: {  	s19 =	sadd.s32 $0xE000, s5;
	s20 =	sadd.s32 $0xF000, s5;
	s21 =	sadd.s32 $0x10000, s5  }
0x19: {  	s22 =	sadd.s32 $0x16800, s2;
	s23 =	smax.u32 s0, $0x1;
	s24 =	sadd.s32 $0xC800, s9  }
0x1a: {  	s25 =	sadd.s32 $0x2800, s9;
	s26 =	sadd.s32 $0x11000, s5;
	s2 =	simm.s32 $0x14000  }
0x1b: {  	v0 =	vimm.f32 $0.0e+00;
	s0 =	simm.s32 $0x14080;
	s6 =	simm.s32 $0x14100;
	s9 =	simm.s32 $0x80  }
.LBB2_1:
0x1c: {  	s14 =	simm.s32 $0x0  }
0x1d: {  	s15 =	sand.u32 $0xFFFFFF80, s14  }
0x1e: {  	s15 =	ssub.s32 $0x0, s15  }
0x1f: {  	s14 =	sand.u32 $0x3FFFFF80, s14;
	s15 =	sand.u32 $0xFFFFFF80, s15  }
0x20: {  	s16 =	sand.u32 $0x70, s4;
	s15 =	sadd.s32 s15, s14  }
0x21: {  	s14 =	simm.s32 $0x1;
	s16 =	sor.u32 s16, s15;
	s15 =	simm.s32 $0x0  }
.LBB2_2:
0x22: {  	s17 =	sshll.u32 s14, $0x4;
	p0 =	sne.s32 s14, $0xFF;
	s14 =	sadd.s32 $0x1, s14;
	[tilespmem:s16+$0x1C200] =	vst v0  }
.Ltmp0:
0x23: {  	s15 =	sadd.s32 $0x10, s15;
	s16 =	sand.u32 $0xFFFFFF80, s17;
	(pc) =	sbr.rel @p0 .LBB2_2-.Ltmp0, $4  }
0x24: {  	s16 =	ssub.s32 s15, s16  }
0x25: {  	s17 =	sand.u32 $0x3FFFFF80, s17;
	s16 =	sand.u32 $0xFFFFFF80, s16  }
0x26: {  	s18 =	sand.u32 $0x70, s15;
	s16 =	sadd.s32 s16, s17  }
0x27: {  	s16 =	sor.u32 s18, s16  }
0x28: {  	[tilespmem:s16+$0x1C200] =	vst v0  }
0x29: {  	[spmem:s5] =	stream.linear.scatter [tilespmem:s30], [sflag:$0x3], $0x1000, $0x38;
	[tilespmem:$0x1D200] =	vst v63  }
0x2a: {  	_ =	swait.ge [sflag:s31], $0x1000  }
0x2b: {  	[sflag:s31] =	ssyncset.done $0x0  }
0x2c: {  	s14 =	rddreg [dreg:$0x4];
	[sflag:s31] =	ssyncadd.s32 $0xFFFFF000  }
0x2d: {  	[spmem:s14] =	stream.linear.scatter [tilespmem:s30], [sflag:$0x3], $0x1000, $0x38;
	[tilespmem:$0x1D200] =	vst v63  }
0x2e: {  	_ =	swait.ge [sflag:s31], $0x1000  }
0x2f: {  	[sflag:s31] =	ssyncset.done $0x0  }
0x30: {  	s17 =	rddreg [dreg:$0x5];
	[sflag:s31] =	ssyncadd.s32 $0xFFFFF000  }
0x31: {  	[spmem:s17] =	stream.linear.scatter [tilespmem:s30], [sflag:$0x3], $0x1000, $0x38;
	[tilespmem:$0x1D200] =	vst v63  }
0x32: {  	_ =	swait.ge [sflag:s31], $0x1000  }
0x33: {  	[sflag:s31] =	ssyncset.done $0x0  }
0x34: {  	s18 =	rddreg [dreg:$0x6];
	[sflag:s31] =	ssyncadd.s32 $0xFFFFF000  }
0x35: {  	[spmem:s18] =	stream.linear.scatter [tilespmem:s30], [sflag:$0x3], $0x1000, $0x38;
	[tilespmem:$0x1D200] =	vst v63  }
0x36: {  	_ =	swait.ge [sflag:s31], $0x1000  }
0x37: {  	[sflag:s31] =	ssyncset.done $0x0  }
0x38: {  	s15 =	rddreg [dreg:$0x7];
	[sflag:s31] =	ssyncadd.s32 $0xFFFFF000  }
0x39: {  	[spmem:s15] =	stream.linear.scatter [tilespmem:s30], [sflag:$0x3], $0x1000, $0x38;
	[tilespmem:$0x1D200] =	vst v63  }
0x3a: {  	_ =	swait.ge [sflag:s31], $0x1000  }
0x3b: {  	[sflag:s31] =	ssyncset.done $0x0  }
0x3c: {  	s16 =	rddreg [dreg:$0x8];
	[sflag:s31] =	ssyncadd.s32 $0xFFFFF000  }
0x3d: {  	[spmem:s16] =	stream.linear.scatter [tilespmem:s30], [sflag:$0x3], $0x1000, $0x38;
	[tilespmem:$0x1D200] =	vst v63  }
0x3e: {  	_ =	swait.ge [sflag:s31], $0x1000  }
0x3f: {  	[sflag:s31] =	ssyncset.done $0x0  }
0x40: {  	s17 =	rddreg [dreg:$0x9];
	[sflag:s31] =	ssyncadd.s32 $0xFFFFF000  }
0x41: {  	[spmem:s17] =	stream.linear.scatter [tilespmem:s30], [sflag:$0x3], $0x1000, $0x38;
	[tilespmem:$0x1D200] =	vst v63  }
0x42: {  	_ =	swait.ge [sflag:s31], $0x1000  }
0x43: {  	[sflag:s31] =	ssyncset.done $0x0  }
0x44: {  	s18 =	rddreg [dreg:$0xa];
	[sflag:s31] =	ssyncadd.s32 $0xFFFFF000  }
0x45: {  	[spmem:s18] =	stream.linear.scatter [tilespmem:s30], [sflag:$0x3], $0x1000, $0x38;
	[tilespmem:$0x1D200] =	vst v63  }
0x46: {  	_ =	swait.ge [sflag:s31], $0x1000  }
0x47: {  	[sflag:s31] =	ssyncset.done $0x0  }
0x48: {  	s15 =	rddreg [dreg:$0xb];
	[sflag:s31] =	ssyncadd.s32 $0xFFFFF000  }
0x49: {  	[spmem:s15] =	stream.linear.scatter [tilespmem:s30], [sflag:$0x3], $0x1000, $0x38;
	[tilespmem:$0x1D200] =	vst v63  }
0x4a: {  	_ =	swait.ge [sflag:s31], $0x1000  }
0x4b: {  	[sflag:s31] =	ssyncset.done $0x0  }
0x4c: {  	s16 =	rddreg [dreg:$0xc];
	[sflag:s31] =	ssyncadd.s32 $0xFFFFF000  }
0x4d: {  	[spmem:s16] =	stream.linear.scatter [tilespmem:s30], [sflag:$0x3], $0x1000, $0x38;
	[tilespmem:$0x1D200] =	vst v63  }
0x4e: {  	_ =	swait.ge [sflag:s31], $0x1000  }
0x4f: {  	[sflag:s31] =	ssyncset.done $0x0  }
0x50: {  	s17 =	rddreg [dreg:$0xd];
	[sflag:s31] =	ssyncadd.s32 $0xFFFFF000  }
0x51: {  	[spmem:s17] =	stream.linear.scatter [tilespmem:s30], [sflag:$0x3], $0x1000, $0x38;
	[tilespmem:$0x1D200] =	vst v63  }
0x52: {  	_ =	swait.ge [sflag:s31], $0x1000  }
0x53: {  	[sflag:s31] =	ssyncset.done $0x0  }
0x54: {  	s18 =	rddreg [dreg:$0xe];
	[sflag:s31] =	ssyncadd.s32 $0xFFFFF000  }
0x55: {  	[spmem:s18] =	stream.linear.scatter [tilespmem:s30], [sflag:$0x3], $0x1000, $0x38;
	[tilespmem:$0x1D200] =	vst v63  }
0x56: {  	_ =	swait.ge [sflag:s31], $0x1000  }
0x57: {  	[sflag:s31] =	ssyncset.done $0x0  }
0x58: {  	s15 =	rddreg [dreg:$0xf];
	[sflag:s31] =	ssyncadd.s32 $0xFFFFF000  }
0x59: {  	[spmem:s15] =	stream.linear.scatter [tilespmem:s30], [sflag:$0x3], $0x1000, $0x38;
	[tilespmem:$0x1D200] =	vst v63  }
0x5a: {  	_ =	swait.ge [sflag:s31], $0x1000  }
0x5b: {  	[sflag:s31] =	ssyncset.done $0x0  }
0x5c: {  	s16 =	rddreg [dreg:$0x10];
	[sflag:s31] =	ssyncadd.s32 $0xFFFFF000  }
0x5d: {  	[spmem:s16] =	stream.linear.scatter [tilespmem:s30], [sflag:$0x3], $0x1000, $0x38;
	[tilespmem:$0x1D200] =	vst v63  }
0x5e: {  	_ =	swait.ge [sflag:s31], $0x1000  }
0x5f: {  	[sflag:s31] =	ssyncset.done $0x0  }
0x60: {  	[sflag:s31] =	ssyncadd.s32 $0xFFFFF000  }
0x61: {  	[spmem:s19] =	stream.linear.scatter [tilespmem:s30], [sflag:$0x3], $0x1000, $0x38;
	[tilespmem:$0x1D200] =	vst v63  }
0x62: {  	_ =	swait.ge [sflag:s31], $0x1000  }
0x63: {  	[sflag:s31] =	ssyncset.done $0x0  }
0x64: {  	[sflag:s31] =	ssyncadd.s32 $0xFFFFF000  }
0x65: {  	[spmem:s20] =	stream.linear.scatter [tilespmem:s30], [sflag:$0x3], $0x1000, $0x38;
	[tilespmem:$0x1D200] =	vst v63  }
0x66: {  	_ =	swait.ge [sflag:s31], $0x1000  }
0x67: {  	[sflag:s31] =	ssyncset.done $0x0  }
0x68: {  	[sflag:s31] =	ssyncadd.s32 $0xFFFFF000  }
0x69: {  	[spmem:s21] =	stream.linear.scatter [tilespmem:s30], [sflag:$0x3], $0x1000, $0x38;
	[tilespmem:$0x1D200] =	vst v63  }
0x6a: {  	_ =	swait.ge [sflag:s31], $0x1000  }
0x6b: {  	[sflag:s31] =	ssyncset.done $0x0  }
0x6c: {  	[sflag:s31] =	ssyncadd.s32 $0xFFFFF000  }
0x6d: {  	[spmem:s26] =	stream.linear.scatter [tilespmem:s30], [sflag:$0x3], $0x1000, $0x38;
	[tilespmem:$0x1D200] =	vst v63  }
0x6e: {  	_ =	swait.ge [sflag:s31], $0x1000  }
0x6f: {  	[sflag:s31] =	ssyncset.done $0x0  }
0x70: {  	[sflag:s31] =	ssyncadd.s32 $0xFFFFF000  }
0x71: {  	[spmem:s28] =	stream.linear.scatter [tilespmem:s30], [sflag:$0x3], $0x1000, $0x38;
	[tilespmem:$0x1D200] =	vst v63  }
0x72: {  	_ =	swait.ge [sflag:s31], $0x1000  }
0x73: {  	[sflag:s31] =	ssyncset.done $0x0  }
0x74: {  	[sflag:s31] =	ssyncadd.s32 $0xFFFFF000  }
0x75: {  	[spmem:s29] =	stream.linear.scatter [tilespmem:s30], [sflag:$0x3], $0x1000, $0x38;
	[tilespmem:$0x1D200] =	vst v63  }
0x76: {  	_ =	swait.ge [sflag:s31], $0x1000  }
0x77: {  	[sflag:s31] =	ssyncset.done $0x0  }
0x78: {  	[sflag:s31] =	ssyncadd.s32 $0xFFFFF000  }
0x79: {  	s17 =	sadd.s32 $0x0, s24;
	[bflag:$0x0] =	sbarrier.arrive $0xFFFF  }
0x7a: {  	[tilespmem:s2], [sflag:$0x1] =	stream.linear.gather [hbm4b:s17+s4], $0x80, $0x38;
	[tilespmem:$0x1D200] =	vst v63  }
0x7b: {  	s15 =	sadd.s32 $0x0, s25  }
0x7c: {  	[tilespmem:s0], [sflag:$0x1] =	stream.linear.gather [hbm4b:s15+s4], $0x80, $0x38;
	[tilespmem:$0x1D200] =	vst v63  }
0x7d: {  	s14 =	sadd.s32 $0x10, s17  }
0x7e: {  	[tilespmem:s6], [sflag:$0x2] =	stream.linear.gather [hbm4b:s14+s4], $0x80, $0x38;
	[tilespmem:$0x1D200] =	vst v63  }
0x7f: {  	s18 =	sadd.s32 $0x10, s15  }
0x80: {  	[tilespmem:s7], [sflag:$0x2] =	stream.linear.gather [hbm4b:s18+s4], $0x80, $0x38;
	[tilespmem:$0x1D200] =	vst v63  }
0x81: {  	_ =	swait.ge [sflag:s8], $0x80  }
0x82: {  	[sflag:s8] =	ssyncset.done $0x0  }
0x83: {  	[sflag:s8] =	ssyncadd.s32 $0xFFFFFF80  }
0x84: {  	_ =	swait.ge [sflag:s8], $0x80  }
0x85: {  	[sflag:s8] =	ssyncset.done $0x0  }
0x86: {  	[sflag:s8] =	ssyncadd.s32 $0xFFFFFF80  }
0x87: {  	[tilespmem:s10], [sflag:$0x1] =	stream.indirect.gather [hbm4b:s1+s9], $0x80, s2, s9, $0xb8;
	[tilespmem:$0x1D200] =	vst v63  }
0x88: {  	_ =	swait.ge [sflag:s11], $0x80  }
0x89: {  	[sflag:s11] =	ssyncset.done $0x0  }
0x8a: {  	[sflag:s11] =	ssyncadd.s32 $0xFFFFFF80  }
0x8b: {  	_ =	swait.ge [sflag:s11], $0x80  }
0x8c: {  	[sflag:s11] =	ssyncset.done $0x0  }
0x8d: {  	[sflag:s11] =	ssyncadd.s32 $0xFFFFFF80  }
0x8e: {  	[tilespmem:s12], [sflag:$0x2] =	stream.indirect.gather [hbm4b:s1+s9], $0x80, s6, s9, $0xb8;
	[tilespmem:$0x1D200] =	vst v63  }
0x8f: {  	_ =	swait.ge [sflag:s8], $0x4000  }
0x90: {  	[sflag:s8] =	ssyncset.done $0x0  }
0x91: {  	[sflag:s8] =	ssyncadd.s32 $0xFFFFC000  }
0x92: {  	[spmem:s3] =	stream.indirect.scatter.add.f32 [tilespmem:s10], [sflag:$0x3], $0x80, s0, s9, $0xb8;
	[tilespmem:$0x1D200] =	vst v63  }
0x93: {  	_ =	swait.ge [sflag:s31], $0x4000  }
0x94: {  	[sflag:s31] =	ssyncset.done $0x0  }
0x95: {  	[sflag:s31] =	ssyncadd.s32 $0xFFFFC000  }
0x96: {  	_ =	swait.ge [sflag:s11], $0x4000  }
0x97: {  	[sflag:s11] =	ssyncset.done $0x0  }
0x98: {  	[sflag:s11] =	ssyncadd.s32 $0xFFFFC000  }
0x99: {  	[spmem:s3] =	stream.indirect.scatter.add.f32 [tilespmem:s12], [sflag:$0x3], $0x80, s7, s9, $0xb8;
	[tilespmem:$0x1D200] =	vst v63  }
0x9a: {  	_ =	swait.ge [sflag:s31], $0x4000  }
0x9b: {  	s15 =	simm.s32 $0x40;
	s14 =	simm.s32 $0x20;
	[sflag:s31] =	ssyncset.done $0x0  }
.LBB2_4:
0x9c: {  	s17 =	sadd.s32 s14, s24  }
0x9d: {  	[sflag:s31] =	ssyncadd.s32 $0xFFFFC000;
	s18 =	smov.u32 s15;
	s16 =	sadd.s32 $0x20, s15  }
0x9e: {  	[tilespmem:s2], [sflag:$0x1] =	stream.linear.gather [hbm4b:s17+s4], $0x80, $0x38;
	[tilespmem:$0x1D200] =	vst v63  }
0x9f: {  	p0 =	sne.s32 s15, $0x4E0;
	s15 =	sadd.s32 s14, s25;
	s14 =	smov.u32 s18  }
0xa0: {  	[tilespmem:s0], [sflag:$0x1] =	stream.linear.gather [hbm4b:s15+s4], $0x80, $0x38;
	[tilespmem:$0x1D200] =	vst v63  }
0xa1: {  	s17 =	sadd.s32 $0x10, s17  }
0xa2: {  	[tilespmem:s6], [sflag:$0x2] =	stream.linear.gather [hbm4b:s17+s4], $0x80, $0x38;
	[tilespmem:$0x1D200] =	vst v63  }
0xa3: {  	s15 =	sadd.s32 $0x10, s15  }
0xa4: {  	[tilespmem:s7], [sflag:$0x2] =	stream.linear.gather [hbm4b:s15+s4], $0x80, $0x38;
	[tilespmem:$0x1D200] =	vst v63  }
0xa5: {  	_ =	swait.ge [sflag:s8], $0x80  }
0xa6: {  	[sflag:s8] =	ssyncset.done $0x0  }
0xa7: {  	[sflag:s8] =	ssyncadd.s32 $0xFFFFFF80  }
0xa8: {  	_ =	swait.ge [sflag:s8], $0x80  }
0xa9: {  	[sflag:s8] =	ssyncset.done $0x0  }
0xaa: {  	[sflag:s8] =	ssyncadd.s32 $0xFFFFFF80  }
0xab: {  	[tilespmem:s10], [sflag:$0x1] =	stream.indirect.gather [hbm4b:s1+s9], $0x80, s2, s9, $0xb8;
	[tilespmem:$0x1D200] =	vst v63  }
0xac: {  	_ =	swait.ge [sflag:s11], $0x80  }
0xad: {  	[sflag:s11] =	ssyncset.done $0x0  }
0xae: {  	[sflag:s11] =	ssyncadd.s32 $0xFFFFFF80  }
0xaf: {  	_ =	swait.ge [sflag:s11], $0x80  }
0xb0: {  	[sflag:s11] =	ssyncset.done $0x0  }
0xb1: {  	[sflag:s11] =	ssyncadd.s32 $0xFFFFFF80  }
0xb2: {  	[tilespmem:s12], [sflag:$0x2] =	stream.indirect.gather [hbm4b:s1+s9], $0x80, s6, s9, $0xb8;
	[tilespmem:$0x1D200] =	vst v63  }
0xb3: {  	_ =	swait.ge [sflag:s8], $0x4000  }
0xb4: {  	[sflag:s8] =	ssyncset.done $0x0  }
0xb5: {  	[sflag:s8] =	ssyncadd.s32 $0xFFFFC000  }
0xb6: {  	[spmem:s3] =	stream.indirect.scatter.add.f32 [tilespmem:s10], [sflag:$0x3], $0x80, s0, s9, $0xb8;
	[tilespmem:$0x1D200] =	vst v63  }
0xb7: {  	_ =	swait.ge [sflag:s31], $0x4000  }
0xb8: {  	[sflag:s31] =	ssyncset.done $0x0  }
0xb9: {  	[sflag:s31] =	ssyncadd.s32 $0xFFFFC000  }
0xba: {  	_ =	swait.ge [sflag:s11], $0x4000  }
.Ltmp1:
0xbb: {  	[sflag:s11] =	ssyncset.done $0x0;
	(pc) =	sbr.rel @p0 .LBB2_4-.Ltmp1, $4  }
0xbc: {  	[sflag:s11] =	ssyncadd.s32 $0xFFFFC000  }
0xbd: {  	[spmem:s3] =	stream.indirect.scatter.add.f32 [tilespmem:s12], [sflag:$0x3], $0x80, s7, s9, $0xb8;
	[tilespmem:$0x1D200] =	vst v63  }
0xbe: {  	_ =	swait.ge [sflag:s31], $0x4000  }
0xbf: {  	s15 =	smov.u32 s16;
	[sflag:s31] =	ssyncset.done $0x0  }
0xc0: {  	s15 =	sadd.s32 s14, s24;
	[sflag:s31] =	ssyncadd.s32 $0xFFFFC000  }
0xc1: {  	[tilespmem:s2], [sflag:$0x1] =	stream.linear.gather [hbm4b:s15+s4], $0x80, $0x38;
	[tilespmem:$0x1D200] =	vst v63  }
0xc2: {  	s16 =	sadd.s32 s14, s25  }
0xc3: {  	[tilespmem:s0], [sflag:$0x1] =	stream.linear.gather [hbm4b:s16+s4], $0x80, $0x38;
	[tilespmem:$0x1D200] =	vst v63  }
0xc4: {  	s15 =	sadd.s32 $0x10, s15  }
0xc5: {  	[tilespmem:s6], [sflag:$0x2] =	stream.linear.gather [hbm4b:s15+s4], $0x80, $0x38;
	[tilespmem:$0x1D200] =	vst v63  }
0xc6: {  	s14 =	sadd.s32 $0x10, s16  }
0xc7: {  	[tilespmem:s7], [sflag:$0x2] =	stream.linear.gather [hbm4b:s14+s4], $0x80, $0x38;
	[tilespmem:$0x1D200] =	vst v63  }
0xc8: {  	_ =	swait.ge [sflag:s8], $0x80  }
0xc9: {  	[sflag:s8] =	ssyncset.done $0x0  }
0xca: {  	[sflag:s8] =	ssyncadd.s32 $0xFFFFFF80  }
0xcb: {  	_ =	swait.ge [sflag:s8], $0x80  }
0xcc: {  	[sflag:s8] =	ssyncset.done $0x0  }
0xcd: {  	[sflag:s8] =	ssyncadd.s32 $0xFFFFFF80  }
0xce: {  	[tilespmem:s10], [sflag:$0x1] =	stream.indirect.gather [hbm4b:s1+s9], $0x80, s2, s9, $0xb8;
	[tilespmem:$0x1D200] =	vst v63  }
0xcf: {  	_ =	swait.ge [sflag:s11], $0x80  }
0xd0: {  	[sflag:s11] =	ssyncset.done $0x0  }
0xd1: {  	[sflag:s11] =	ssyncadd.s32 $0xFFFFFF80  }
0xd2: {  	_ =	swait.ge [sflag:s11], $0x80  }
0xd3: {  	[sflag:s11] =	ssyncset.done $0x0  }
0xd4: {  	[sflag:s11] =	ssyncadd.s32 $0xFFFFFF80  }
0xd5: {  	[tilespmem:s12], [sflag:$0x2] =	stream.indirect.gather [hbm4b:s1+s9], $0x80, s6, s9, $0xb8;
	[tilespmem:$0x1D200] =	vst v63  }
0xd6: {  	_ =	swait.ge [sflag:s8], $0x4000  }
0xd7: {  	[sflag:s8] =	ssyncset.done $0x0  }
0xd8: {  	[sflag:s8] =	ssyncadd.s32 $0xFFFFC000  }
0xd9: {  	[spmem:s3] =	stream.indirect.scatter.add.f32 [tilespmem:s10], [sflag:$0x3], $0x80, s0, s9, $0xb8;
	[tilespmem:$0x1D200] =	vst v63  }
0xda: {  	_ =	swait.ge [sflag:s31], $0x4000  }
0xdb: {  	[sflag:s31] =	ssyncset.done $0x0  }
0xdc: {  	[sflag:s31] =	ssyncadd.s32 $0xFFFFC000  }
0xdd: {  	_ =	swait.ge [sflag:s11], $0x4000  }
0xde: {  	[sflag:s11] =	ssyncset.done $0x0  }
0xdf: {  	[sflag:s11] =	ssyncadd.s32 $0xFFFFC000  }
0xe0: {  	[spmem:s3] =	stream.indirect.scatter.add.f32 [tilespmem:s12], [sflag:$0x3], $0x80, s7, s9, $0xb8;
	[tilespmem:$0x1D200] =	vst v63  }
0xe1: {  	s17 =	stileid.u32;
	_ =	swait.ge [sflag:s31], $0x4000  }
0xe2: {  	s18 =	sshrl.u32 s5, $0x3;
	s13 =	sadd.s32 $0x1, s13;
	[sflag:s31] =	ssyncset.done $0x0  }
0xe3: {  	p0 =	sne.s32 s13, s23;
	s14 =	sshll.u32 s17, $0x6;
	[sflag:s31] =	ssyncadd.s32 $0xFFFFC000  }
.Ltmp2:
0xe4: {  	s14 =	sor.u32 $0x1C03, s14;
	[bflag:$0x0] =	sbarrier.arrive $0xFFFF;
	(pc) =	sbr.rel @p0 .LBB2_1-.Ltmp2, $4  }
0xe5: {  	[hbm:s22], [sflag:s14] =	dma.local [spmem:s18], $0x2800  }
0xe6: {  	_ =	swait.ge [sflag:s31], $0x2800  }
0xe7: {  	[sflag:s31] =	ssyncset.done $0x0  }
0xe8: {  	[sflag:s31] =	ssyncadd.s32 $0xFFFFD800  }
0xe9: {  	_ =	sfence.sel $0x180000  }
0xea: {  	[bflag:$0x0] =	sbarrier.arrive $0xFFFF  }
0xeb: {  	_ =	strace $0x9000004A  }
0xec: {  	s0 =	stileid.u32;
	[bflag:$0x2] =	sbarrier.arrive $0xFFFF  }
0xed: {  	p0 =	sne.s32 s0, $0x0;
	s0 =	rddreg [dreg:$0x3]  }
0xee: {  	s0 =	sadd.s32 @!p0 $0x100000, s0  }
0xef: {  	[sflag:s0] =	ssyncadd.tile.s32 @!p0 $0x1;
	_ =	shalt  }
.Lfunc_end2:
_tile_overlayer_lowered:
.L_overlay_start_2:
0xf0: {  	(tag) =	ssettag $0x2  }
0xf1: {  	s0 =	rddreg [dreg:$0x0];
	s2 =	stileid.u32  }
0xf2: {  	s1 =	rddreg [dreg:$0x1];
	p0 =	sne.s32 s2, $0x0  }
0xf3: {  	s3 =	rddreg [dreg:$0x2];
	[bflag:$0x3] =	sbarrier.arrive $0xFFFF;
	s2 =	simm.s32 @!p0 $0x1C03  }
0xf4: {  	[timem:s3], [sflag:s2] =	dma.local @!p0 [hbm:s0], s1  }
0xf5: {  	s0 =	simm.s32 @!p0 $0x3  }
0xf6: {  	_ =	swait.ge @!p0 [sflag:s0], s1  }
0xf7: {  	s1 =	ssub.s32 @!p0 $0x0, s1;
	[sflag:s0] =	ssyncset.done @!p0 $0x0  }
0xf8: {  	[sflag:s0] =	ssyncadd.s32 @!p0 s1  }
0xf9: {  	[bflag:$0x3] =	sbarrier.arrive $0xFFFF  }
0xfa: {  	_ =	shalt  }

// kernel: kernel.14.cloned.1.call-start
scs
__scs_entry_jumppad:
0x0: {  	(pc) =	sbr.rel $0x88, $3  }
0x1: {  	(tag) =	ssettag $0x0;
	lr =	simm.s32 $0x1  }
0x2: {  	[smem:$0x3F9B] =	sst lr;
	_ =	strace $0xD0000000  }
0x3: {  	_ = 	snop  }
0x4: {  	_ = 	snop  }
0x5: {  	_ = 	snop  }
0x6: {  	_ = 	snop  }
0x7: {  	_ = 	snop  }
__scs_overlays_trampoline_lowered:
0x8: {  	[smem:$0x3FAA] =	sst s0  }
0x9: {  	[smem:$0x3FAB] =	sst s1  }
0xa: {  	[smem:$0x3FAC] =	sst s2  }
0xb: {  	[smem:$0x3FAD] =	sst s3  }
0xc: {  	[smem:$0x3FAE] =	sst s4  }
0xd: {  	[smem:$0x3FAF] =	sst s5  }
0xe: {  	[smem:$0x3FB0] =	sst s6  }
0xf: {  	[smem:$0x3FB1] =	sst s7  }
0x10: {  	[smem:$0x3FB2] =	sst s8  }
0x11: {  	[smem:$0x3FB3] =	sst s9;
	s0 =	simm.s32 @!p0 $0x0  }
0x12: {  	s1 =	sld [smem:$0x3F99];
	s0 =	simm.s32 @p0 $0x1  }
0x13: {  	[smem:$0x3FB4] =	sst s0;
	s0 =	simm.s32 @!p1 $0x0  }
0x14: {  	s2 =	sld [smem:$0x3F98];
	s0 =	simm.s32 @p1 $0x1  }
0x15: {  	[smem:$0x3FB5] =	sst s0;
	s0 =	simm.s32 @!p2 $0x0  }
0x16: {  	s3 =	sld [smem:$0x3FDB];
	s0 =	simm.s32 @p2 $0x1  }
0x17: {  	s4 =	simm.s32 $0x1BF5;
	[smem:$0x3FB7] =	sst s0  }
0x18: {  	s0 =	sld [smem:$0x3F9A];
	_ =	swait.ge [sflag:s4], $0x0  }
0x19: {  	s7 =	sld [smem:$0x3F9B]  }
0x1a: {  	s8 =	sadd.s32 $0xFFFFE003, lr  }
0x1b: {  	s9 =	sadd.s32 $0xFFFFFEF7, lr;
	s5 =	simm.s32 $0xFFFFFFFF;
	p2 =	slt.u32 s8, $0xFFFFF086  }
0x1c: {  	p1 =	slt.u32 s9, $0xF7A;
	s5 =	simm.s32 @!p2 $0x0  }
0x1d: {  	s5 =	simm.s32 @p1 $0x1;
	p0 =	seq.s32 s7, s2  }
0x1e: {  	s7 =	smul.u32 @!p0 $0xF7A, s2;
	p2 =	seq.s32 @!p0 s5, $0x0  }
0x1f: {  	s9 =	smul.u32 $0xF7A, s1;
	s8 =	simm.s32 @!p0 $0x1BF5;
	p2 =	por !p2, p0  }
0x20: {  	[sflag:s8] =	ssyncset.s32 @!p0 $0xFFFFF086;
	s6 =	sadd.s32 @!p0 s3, s7;
	s7 =	simm.s32 @!p0 $0x108  }
0x21: {  	s3 =	sadd.s32 s3, s9;
	s6 =	sadd.s32 @!p0 $0x88, s6;
	s7 =	simm.s32 @p2 $0x1082  }
0x22: {  	[simem:s7], [sflag:s8] =	dma.local @!p0 [hbm:s6], $0xF7A  }
0x23: {  	s9 =	sor.u32 $0xD0000000, s2;
	s6 =	simm.s32 $0x108;
	_ =	swait.ge @!p0 [sflag:s8], $0x0  }
0x24: {  	s3 =	sadd.s32 $0x88, s3;
	s6 =	simm.s32 @!p1 $0x1082;
	[sflag:s4] =	ssyncset.s32 $0xFFFFF086  }
0x25: {  	[simem:s6], [sflag:s4] =	dma.local [hbm:s3], $0xF7A  }
0x26: {  	[smem:$0x3F9B] =	sst s1;
	(tag) =	ssettag s2;
	_ =	strace s9  }
0x27: {  	s1 =	sld [smem:$0x3FAB]  }
0x28: {  	s2 =	sld [smem:$0x3FAC]  }
0x29: {  	s4 =	sld [smem:$0x3FAE]  }
0x2a: {  	p0 =	seq.s32 s5, $0x0;
	s5 =	sld [smem:$0x3FAF]  }
0x2b: {  	s6 =	sld [smem:$0x3FB0]  }
0x2c: {  	s7 =	sld [smem:$0x3FB1]  }
0x2d: {  	s3 =	simm.s32 $0x108;
	s8 =	sld [smem:$0x3FB2]  }
0x2e: {  	s3 =	simm.s32 @!p0 $0x1082;
	s9 =	sld [smem:$0x3FB3]  }
0x2f: {  	lr =	sadd.s32 s0, s3;
	s0 =	sld [smem:$0x3FAA]  }
0x30: {  	s3 =	sld [smem:$0x3FAD]  }
0x31: {  	[smem:$0x3FB6] =	sst s10  }
0x32: {  	s10 =	sld [smem:$0x3FB4];
	_ =	sdelay $0x3  }
0x33: {  	p0 =	seq.s32 s10, $0x1;
	s10 =	sld [smem:$0x3FB6];
	_ =	sdelay $0x3  }
0x34: {  	[smem:$0x3FB6] =	sst s10  }
0x35: {  	s10 =	sld [smem:$0x3FB5];
	_ =	sdelay $0x3  }
0x36: {  	p1 =	seq.s32 s10, $0x1;
	s10 =	sld [smem:$0x3FB6];
	_ =	sdelay $0x3  }
0x37: {  	[smem:$0x3FB6] =	sst s10  }
0x38: {  	s10 =	sld [smem:$0x3FB7]  }
0x39: {  	_ = 	snop;
	(pc) =	sbr.ind lr, $3  }
0x3a: {  	_ = 	snop  }
0x3b: {  	_ = 	snop  }
0x3c: {  	p2 =	seq.s32 s10, $0x1;
	s10 =	sld [smem:$0x3FB6]  }
0x3d: {  	_ =	shalt  }
0x3e: {  	_ =	shalt  }
0x3f: {  	_ =	shalt  }
0x40: {  	_ =	shalt  }
0x41: {  	_ =	shalt  }
0x42: {  	_ =	shalt  }
0x43: {  	_ =	shalt  }
0x44: {  	_ =	shalt  }
0x45: {  	_ =	shalt  }
0x46: {  	_ =	shalt  }
0x47: {  	_ =	shalt  }
0x48: {  	_ =	shalt  }
0x49: {  	_ =	shalt  }
0x4a: {  	_ =	shalt  }
0x4b: {  	_ =	shalt  }
0x4c: {  	_ =	shalt  }
0x4d: {  	_ =	shalt  }
0x4e: {  	_ =	shalt  }
0x4f: {  	_ =	shalt  }
0x50: {  	_ =	shalt  }
0x51: {  	_ =	shalt  }
0x52: {  	_ =	shalt  }
0x53: {  	_ =	shalt  }
0x54: {  	_ =	shalt  }
0x55: {  	_ =	shalt  }
0x56: {  	_ =	shalt  }
0x57: {  	_ =	shalt  }
0x58: {  	_ =	shalt  }
0x59: {  	_ =	shalt  }
0x5a: {  	_ =	shalt  }
0x5b: {  	_ =	shalt  }
0x5c: {  	_ =	shalt  }
0x5d: {  	_ =	shalt  }
0x5e: {  	_ =	shalt  }
0x5f: {  	_ =	shalt  }
0x60: {  	_ =	shalt  }
0x61: {  	_ =	shalt  }
0x62: {  	_ =	shalt  }
0x63: {  	_ =	shalt  }
0x64: {  	_ =	shalt  }
0x65: {  	_ =	shalt  }
0x66: {  	_ =	shalt  }
0x67: {  	_ =	shalt  }
0x68: {  	_ =	shalt  }
0x69: {  	_ =	shalt  }
0x6a: {  	_ =	shalt  }
0x6b: {  	_ =	shalt  }
0x6c: {  	_ =	shalt  }
0x6d: {  	_ =	shalt  }
0x6e: {  	_ =	shalt  }
0x6f: {  	_ =	shalt  }
0x70: {  	_ =	shalt  }
0x71: {  	_ =	shalt  }
0x72: {  	_ =	shalt  }
0x73: {  	_ =	shalt  }
0x74: {  	_ =	shalt  }
0x75: {  	_ =	shalt  }
0x76: {  	_ =	shalt  }
0x77: {  	_ =	shalt  }
0x78: {  	_ =	shalt  }
0x79: {  	_ =	shalt  }
0x7a: {  	_ =	shalt  }
0x7b: {  	_ =	shalt  }
0x7c: {  	_ =	shalt  }
0x7d: {  	_ =	shalt  }
0x7e: {  	_ =	shalt  }
0x7f: {  	_ =	shalt  }
0x80: {  	_ =	shalt  }
0x81: {  	_ =	shalt  }
0x82: {  	_ =	shalt  }
0x83: {  	_ =	shalt  }
0x84: {  	_ =	shalt  }
0x85: {  	_ =	shalt  }
0x86: {  	_ =	shalt  }
0x87: {  	_ =	shalt  }
.Lfunc_end0:
.L_simem_size_0:
called_computation.2_lowered:
.L_overlay_start_0:
0x88: {  	s2 =	sld [smem:$0x3FD9]  }
0x89: {  	s3 =	sld [smem:$0x3FFE];
	_ =	sdelay $0x1  }
0x8a: {  	s1 =	srdreg.scid  }
0x8b: {  	s0 =	sand.u32 $0x1, s1  }
0x8c: {  	s17 =	sshll.u32 s0, $0xA;
	s2 =	sadd.s32 s3, s2  }
0x8d: {  	s2 =	sadd.s32 s2, s17  }
0x8e: {  	[smem:$0x3FC2] =	sst s2  }
0x8f: {  	_ = 	snop  }
0x90: {  	s2 =	sld [smem:$0x3FD0];
	(tm) =	ssettm $0x1  }
0x91: {  	s18 =	sld [smem:$0x3FFB];
	_ =	sdelay $0x3  }
0x92: {  	_ =	strace s18  }
0x93: {  	s3 =	sld [smem:$0x3FFC];
	_ =	sdelay $0x3  }
0x94: {  	_ =	strace s3  }
0x95: {  	s3 =	sld [smem:$0x3FFD];
	_ =	sdelay $0x3  }
0x96: {  	_ =	strace s3  }
0x97: {  	_ =	strace $0x8FFFFFFF  }
0x98: {  	s19 =	sld [smem:$0x3FDB];
	_ =	sdelay $0x1  }
0x99: {  	s4 =	simm.s32 $_scs_section_size  }
0x9a: {  	s5 =	simm.s32 $_size__tile_overlayer_lowered;
	s6 =	simm.s32 $_tile_overlayer_lowered  }
0x9b: {  	s22 =	simm.s32 $0x1BFF;
	s21 =	sshll.u32 s6, $0x1;
	s3 =	sadd.s32 s4, s19  }
0x9c: {  	s7 =	simm.s32 $0x0;
	s20 =	sshll.u32 s5, $0x1;
	s5 =	sadd.s32 s21, s3  }
0x9d: {  	[timem:s7], [sflag:s22] =	dma.local [hbm:s5], s20  }
0x9e: {  	_ =	swait.ge [sflag:s22], s20  }
0x9f: {  	s4 =	ssub.s32 $0x0, s20;
	[sflag:s22] =	ssyncset.done $0x0  }
0xa0: {  	[sflag:s22] =	ssyncadd.s32 s4;
	_ =	sdelay $0x1  }
0xa1: {  	s23 =	simm.s32 $0x1B8B  }
0xa2: {  	_ =	swait.ge [sflag:s23], $0x1  }
0xa3: {  	[sflag:s23] =	ssyncset.done $0x0  }
0xa4: {  	s25 =	simm.s32 $0x1B8E;
	s24 =	sld [smem:$0x3FFE];
	[sflag:s23] =	ssyncadd.s32 $0xFFFFFFFF  }
0xa5: {  	s26 =	simm.s32 $execute0_lowered;
	[smem:$0x3FD2] =	sst s25  }
0xa6: {  	s5 =	sshll.u32 s26, $0x1;
	_ =	strace $0x8000004C;
	[dreg:$0x1] =	wrdreg $0xFFFFFFFF  }
0xa7: {  	s28 =	simm.s32 $_size_execute0_lowered;
	s3 =	sadd.s32 s3, s5;
	[dreg:$0x0] =	wrdreg $0x0  }
0xa8: {  	s5 =	sshll.u32 s28, $0x1;
	[dreg:$0x2] =	wrdreg s3  }
0xa9: {  	[dreg:$0x3] =	wrdreg s5  }
0xaa: {  	[dreg:$0x4] =	wrdreg $0xC0  }
0xab: {  	_ =	task [dreg:s7], $0x5FFFF  }
0xac: {  	[dreg:$0x1] =	wrdreg $0xFFFFFFFF  }
0xad: {  	[dreg:$0x0] =	wrdreg $0x60  }
0xae: {  	[dreg:$0x2] =	wrdreg s2  }
0xaf: {  	[dreg:$0x3] =	wrdreg s24  }
0xb0: {  	[dreg:$0x4] =	wrdreg $0x0  }
0xb1: {  	[dreg:$0x5] =	wrdreg $0x9  }
0xb2: {  	_ =	task.clear_ibuf [dreg:s7], $0x6FFFF;
	_ =	strace $0x9000004C  }
0xb3: {  	s29 =	simm.s32 $0x9;
	_ =	strace $0x8000004E  }
0xb4: {  	_ =	swait.ge [sflag:s29], $0x1  }
0xb5: {  	[sflag:s29] =	ssyncadd.s32 $0xFFFFFFFF  }
0xb6: {  	_ =	strace $0x9000004E  }
0xb7: {  	_ =	sfence  }
0xb8: {  	s30 =	sld [smem:$0x0];
	_ =	sdelay $0x2  }
0xb9: {  	s31 =	sshll.u32 s1, $0xD;
	s1 =	sshrl.u32 s1, $0x2  }
0xba: {  	s3 =	sand.u32 $0x4000, s31;
	s1 =	sadd.s32 s1, s30  }
0xbb: {  	s0 =	sor.u32 s3, s0;
	s1 =	sshll.u32 s1, $0x11  }
0xbc: {  	s0 =	sor.u32 s1, s0  }
0xbd: {  	s0 =	sadd.s32 $0x8F2B, s0  }
0xbe: {  	[sflag:s0] =	ssyncadd.remote.s32 $0x1  }
0xbf: {  	_ =	sfence.sel $0xFFFF  }
0xc0: {  	[dreg:$0x0] =	wrdreg $0xFFFFFFFF;
	(pc) =	sbr.abs _section_cstart, $3  }
0xc1: {  	[dreg:$0x1] =	wrdreg $0xFFFFFFFF  }
0xc2: {  	_ =	task.clear_ibuf [dreg:s7], $0x2FFFF;
	_ =	strace $0x9FFFFFFF  }
0xc3: {  	(tm) =	ssettm $0x7FFFFFFF  }
tec
execute0_lowered:
.L_overlay_start_1:
0x0: {  	(tag) =	ssettag $0x1  }
0x1: {  	s8 =	stileid.u32  }
0x2: {  	s0 =	srdreg.scid;
	s5 =	smul.u32 $0x5000, s8  }
0x3: {  	s0 =	sand.u32 $0x1, s0;
	s11 =	smul.u32 $0x14000, s8  }
0x4: {  	s6 =	smul.u32 $0x2800, s0  }
0x5: {  	s1 =	rddreg [dreg:$0x0];
	s7 =	smul.u32 $0x140000, s0  }
0x6: {  	s2 =	rddreg [dreg:$0x1];
	s8 =	smul.u32 $0x50000, s8;
	s5 =	sadd.s32 s6, s5  }
0x7: {  	s3 =	rddreg [dreg:$0x2];
	s12 =	sadd.s32 s11, s7;
	s5 =	sshrl.u32 s5, $0x3  }
0x8: {  	s13 =	sshrl.u32 s8, $0x2;
	s9 =	sadd.s32 s5, s2;
	s5 =	sshrl.u32 s12, $0x3  }
0x9: {  	s4 =	simm.s32 $0x0;
	s2 =	sadd.s32 s5, s2;
	s5 =	sadd.s32 s13, s3  }
0xa: {  	[smem:$0x7FF] =	sst s4;
	s6 =	sadd.s32 $0x1000, s5  }
0xb: {  	_ =	strace $0x8000004D;
	s15 =	sadd.s32 $0x2000, s5;
	[dreg:$0x4] =	wrdreg s6  }
0xc: {  	s30 =	simm.s32 $0x1C200;
	s16 =	sadd.s32 $0x3000, s5;
	[dreg:$0x5] =	wrdreg s15  }
0xd: {  	s31 =	simm.s32 $0x3;
	s17 =	sadd.s32 $0x4000, s5;
	[dreg:$0x6] =	wrdreg s16  }
0xe: {  	s10 =	simm.s32 $0x14200;
	s18 =	sadd.s32 $0x5000, s5;
	[dreg:$0x7] =	wrdreg s17  }
0xf: {  	s0 =	ssub.s32 $0x2, s0;
	s19 =	sadd.s32 $0x6000, s5;
	[dreg:$0x8] =	wrdreg s18  }
0x10: {  	s14 =	sshrl.u32 s0, $0x1;
	s20 =	sadd.s32 $0x7000, s5;
	[dreg:$0x9] =	wrdreg s19  }
0x11: {  	s8 =	simm.s32 $0x1;
	s21 =	sadd.s32 $0x8000, s5;
	[dreg:$0xa] =	wrdreg s20  }
0x12: {  	s0 =	ssub.s32 s0, s14;
	s22 =	sadd.s32 $0x9000, s5;
	[dreg:$0xb] =	wrdreg s21  }
0x13: {  	s7 =	simm.s32 $0x14180;
	s23 =	sadd.s32 $0xA000, s5;
	[dreg:$0xc] =	wrdreg s22  }
0x14: {  	s11 =	simm.s32 $0x2;
	s24 =	sadd.s32 $0xB000, s5;
	[dreg:$0xd] =	wrdreg s23  }
0x15: {  	s12 =	simm.s32 $0x18200;
	s25 =	sadd.s32 $0xC000, s5;
	[dreg:$0xe] =	wrdreg s24  }
0x16: {  	s13 =	simm.s32 $0x0;
	s26 =	sadd.s32 $0xD000, s5;
	[dreg:$0xf] =	wrdreg s25  }
0x17: {  	s28 =	sadd.s32 $0x12000, s5;
	s29 =	sadd.s32 $0x13000, s5;
	[dreg:$0x10] =	wrdreg s26  }
0x18: {  	s19 =	sadd.s32 $0xE000, s5;
	s20 =	sadd.s32 $0xF000, s5;
	s21 =	sadd.s32 $0x10000, s5  }
0x19: {  	s22 =	sadd.s32 $0x16800, s2;
	s23 =	smax.u32 s0, $0x1;
	s24 =	sadd.s32 $0xC800, s9  }
0x1a: {  	s25 =	sadd.s32 $0x2800, s9;
	s26 =	sadd.s32 $0x11000, s5;
	s2 =	simm.s32 $0x14000  }
0x1b: {  	v0 =	vimm.f32 $0.0e+00;
	s0 =	simm.s32 $0x14080;
	s6 =	simm.s32 $0x14100;
	s9 =	simm.s32 $0x80  }
.LBB2_1:
0x1c: {  	s14 =	simm.s32 $0x0  }
0x1d: {  	s15 =	sand.u32 $0xFFFFFF80, s14  }
0x1e: {  	s15 =	ssub.s32 $0x0, s15  }
0x1f: {  	s14 =	sand.u32 $0x3FFFFF80, s14;
	s15 =	sand.u32 $0xFFFFFF80, s15  }
0x20: {  	s16 =	sand.u32 $0x70, s4;
	s15 =	sadd.s32 s15, s14  }
0x21: {  	s14 =	simm.s32 $0x1;
	s16 =	sor.u32 s16, s15;
	s15 =	simm.s32 $0x0  }
.LBB2_2:
0x22: {  	s17 =	sshll.u32 s14, $0x4;
	p0 =	sne.s32 s14, $0xFF;
	s14 =	sadd.s32 $0x1, s14;
	[tilespmem:s16+$0x1C200] =	vst v0  }
.Ltmp0:
0x23: {  	s15 =	sadd.s32 $0x10, s15;
	s16 =	sand.u32 $0xFFFFFF80, s17;
	(pc) =	sbr.rel @p0 .LBB2_2-.Ltmp0, $4  }
0x24: {  	s16 =	ssub.s32 s15, s16  }
0x25: {  	s17 =	sand.u32 $0x3FFFFF80, s17;
	s16 =	sand.u32 $0xFFFFFF80, s16  }
0x26: {  	s18 =	sand.u32 $0x70, s15;
	s16 =	sadd.s32 s16, s17  }
0x27: {  	s16 =	sor.u32 s18, s16  }
0x28: {  	[tilespmem:s16+$0x1C200] =	vst v0  }
0x29: {  	[spmem:s5] =	stream.linear.scatter [tilespmem:s30], [sflag:$0x3], $0x1000, $0x38;
	[tilespmem:$0x1D200] =	vst v63  }
0x2a: {  	_ =	swait.ge [sflag:s31], $0x1000  }
0x2b: {  	[sflag:s31] =	ssyncset.done $0x0  }
0x2c: {  	s14 =	rddreg [dreg:$0x4];
	[sflag:s31] =	ssyncadd.s32 $0xFFFFF000  }
0x2d: {  	[spmem:s14] =	stream.linear.scatter [tilespmem:s30], [sflag:$0x3], $0x1000, $0x38;
	[tilespmem:$0x1D200] =	vst v63  }
0x2e: {  	_ =	swait.ge [sflag:s31], $0x1000  }
0x2f: {  	[sflag:s31] =	ssyncset.done $0x0  }
0x30: {  	s17 =	rddreg [dreg:$0x5];
	[sflag:s31] =	ssyncadd.s32 $0xFFFFF000  }
0x31: {  	[spmem:s17] =	stream.linear.scatter [tilespmem:s30], [sflag:$0x3], $0x1000, $0x38;
	[tilespmem:$0x1D200] =	vst v63  }
0x32: {  	_ =	swait.ge [sflag:s31], $0x1000  }
0x33: {  	[sflag:s31] =	ssyncset.done $0x0  }
0x34: {  	s18 =	rddreg [dreg:$0x6];
	[sflag:s31] =	ssyncadd.s32 $0xFFFFF000  }
0x35: {  	[spmem:s18] =	stream.linear.scatter [tilespmem:s30], [sflag:$0x3], $0x1000, $0x38;
	[tilespmem:$0x1D200] =	vst v63  }
0x36: {  	_ =	swait.ge [sflag:s31], $0x1000  }
0x37: {  	[sflag:s31] =	ssyncset.done $0x0  }
0x38: {  	s15 =	rddreg [dreg:$0x7];
	[sflag:s31] =	ssyncadd.s32 $0xFFFFF000  }
0x39: {  	[spmem:s15] =	stream.linear.scatter [tilespmem:s30], [sflag:$0x3], $0x1000, $0x38;
	[tilespmem:$0x1D200] =	vst v63  }
0x3a: {  	_ =	swait.ge [sflag:s31], $0x1000  }
0x3b: {  	[sflag:s31] =	ssyncset.done $0x0  }
0x3c: {  	s16 =	rddreg [dreg:$0x8];
	[sflag:s31] =	ssyncadd.s32 $0xFFFFF000  }
0x3d: {  	[spmem:s16] =	stream.linear.scatter [tilespmem:s30], [sflag:$0x3], $0x1000, $0x38;
	[tilespmem:$0x1D200] =	vst v63  }
0x3e: {  	_ =	swait.ge [sflag:s31], $0x1000  }
0x3f: {  	[sflag:s31] =	ssyncset.done $0x0  }
0x40: {  	s17 =	rddreg [dreg:$0x9];
	[sflag:s31] =	ssyncadd.s32 $0xFFFFF000  }
0x41: {  	[spmem:s17] =	stream.linear.scatter [tilespmem:s30], [sflag:$0x3], $0x1000, $0x38;
	[tilespmem:$0x1D200] =	vst v63  }
0x42: {  	_ =	swait.ge [sflag:s31], $0x1000  }
0x43: {  	[sflag:s31] =	ssyncset.done $0x0  }
0x44: {  	s18 =	rddreg [dreg:$0xa];
	[sflag:s31] =	ssyncadd.s32 $0xFFFFF000  }
0x45: {  	[spmem:s18] =	stream.linear.scatter [tilespmem:s30], [sflag:$0x3], $0x1000, $0x38;
	[tilespmem:$0x1D200] =	vst v63  }
0x46: {  	_ =	swait.ge [sflag:s31], $0x1000  }
0x47: {  	[sflag:s31] =	ssyncset.done $0x0  }
0x48: {  	s15 =	rddreg [dreg:$0xb];
	[sflag:s31] =	ssyncadd.s32 $0xFFFFF000  }
0x49: {  	[spmem:s15] =	stream.linear.scatter [tilespmem:s30], [sflag:$0x3], $0x1000, $0x38;
	[tilespmem:$0x1D200] =	vst v63  }
0x4a: {  	_ =	swait.ge [sflag:s31], $0x1000  }
0x4b: {  	[sflag:s31] =	ssyncset.done $0x0  }
0x4c: {  	s16 =	rddreg [dreg:$0xc];
	[sflag:s31] =	ssyncadd.s32 $0xFFFFF000  }
0x4d: {  	[spmem:s16] =	stream.linear.scatter [tilespmem:s30], [sflag:$0x3], $0x1000, $0x38;
	[tilespmem:$0x1D200] =	vst v63  }
0x4e: {  	_ =	swait.ge [sflag:s31], $0x1000  }
0x4f: {  	[sflag:s31] =	ssyncset.done $0x0  }
0x50: {  	s17 =	rddreg [dreg:$0xd];
	[sflag:s31] =	ssyncadd.s32 $0xFFFFF000  }
0x51: {  	[spmem:s17] =	stream.linear.scatter [tilespmem:s30], [sflag:$0x3], $0x1000, $0x38;
	[tilespmem:$0x1D200] =	vst v63  }
0x52: {  	_ =	swait.ge [sflag:s31], $0x1000  }
0x53: {  	[sflag:s31] =	ssyncset.done $0x0  }
0x54: {  	s18 =	rddreg [dreg:$0xe];
	[sflag:s31] =	ssyncadd.s32 $0xFFFFF000  }
0x55: {  	[spmem:s18] =	stream.linear.scatter [tilespmem:s30], [sflag:$0x3], $0x1000, $0x38;
	[tilespmem:$0x1D200] =	vst v63  }
0x56: {  	_ =	swait.ge [sflag:s31], $0x1000  }
0x57: {  	[sflag:s31] =	ssyncset.done $0x0  }
0x58: {  	s15 =	rddreg [dreg:$0xf];
	[sflag:s31] =	ssyncadd.s32 $0xFFFFF000  }
0x59: {  	[spmem:s15] =	stream.linear.scatter [tilespmem:s30], [sflag:$0x3], $0x1000, $0x38;
	[tilespmem:$0x1D200] =	vst v63  }
0x5a: {  	_ =	swait.ge [sflag:s31], $0x1000  }
0x5b: {  	[sflag:s31] =	ssyncset.done $0x0  }
0x5c: {  	s16 =	rddreg [dreg:$0x10];
	[sflag:s31] =	ssyncadd.s32 $0xFFFFF000  }
0x5d: {  	[spmem:s16] =	stream.linear.scatter [tilespmem:s30], [sflag:$0x3], $0x1000, $0x38;
	[tilespmem:$0x1D200] =	vst v63  }
0x5e: {  	_ =	swait.ge [sflag:s31], $0x1000  }
0x5f: {  	[sflag:s31] =	ssyncset.done $0x0  }
0x60: {  	[sflag:s31] =	ssyncadd.s32 $0xFFFFF000  }
0x61: {  	[spmem:s19] =	stream.linear.scatter [tilespmem:s30], [sflag:$0x3], $0x1000, $0x38;
	[tilespmem:$0x1D200] =	vst v63  }
0x62: {  	_ =	swait.ge [sflag:s31], $0x1000  }
0x63: {  	[sflag:s31] =	ssyncset.done $0x0  }
0x64: {  	[sflag:s31] =	ssyncadd.s32 $0xFFFFF000  }
0x65: {  	[spmem:s20] =	stream.linear.scatter [tilespmem:s30], [sflag:$0x3], $0x1000, $0x38;
	[tilespmem:$0x1D200] =	vst v63  }
0x66: {  	_ =	swait.ge [sflag:s31], $0x1000  }
0x67: {  	[sflag:s31] =	ssyncset.done $0x0  }
0x68: {  	[sflag:s31] =	ssyncadd.s32 $0xFFFFF000  }
0x69: {  	[spmem:s21] =	stream.linear.scatter [tilespmem:s30], [sflag:$0x3], $0x1000, $0x38;
	[tilespmem:$0x1D200] =	vst v63  }
0x6a: {  	_ =	swait.ge [sflag:s31], $0x1000  }
0x6b: {  	[sflag:s31] =	ssyncset.done $0x0  }
0x6c: {  	[sflag:s31] =	ssyncadd.s32 $0xFFFFF000  }
0x6d: {  	[spmem:s26] =	stream.linear.scatter [tilespmem:s30], [sflag:$0x3], $0x1000, $0x38;
	[tilespmem:$0x1D200] =	vst v63  }
0x6e: {  	_ =	swait.ge [sflag:s31], $0x1000  }
0x6f: {  	[sflag:s31] =	ssyncset.done $0x0  }
0x70: {  	[sflag:s31] =	ssyncadd.s32 $0xFFFFF000  }
0x71: {  	[spmem:s28] =	stream.linear.scatter [tilespmem:s30], [sflag:$0x3], $0x1000, $0x38;
	[tilespmem:$0x1D200] =	vst v63  }
0x72: {  	_ =	swait.ge [sflag:s31], $0x1000  }
0x73: {  	[sflag:s31] =	ssyncset.done $0x0  }
0x74: {  	[sflag:s31] =	ssyncadd.s32 $0xFFFFF000  }
0x75: {  	[spmem:s29] =	stream.linear.scatter [tilespmem:s30], [sflag:$0x3], $0x1000, $0x38;
	[tilespmem:$0x1D200] =	vst v63  }
0x76: {  	_ =	swait.ge [sflag:s31], $0x1000  }
0x77: {  	[sflag:s31] =	ssyncset.done $0x0  }
0x78: {  	[sflag:s31] =	ssyncadd.s32 $0xFFFFF000  }
0x79: {  	s17 =	sadd.s32 $0x0, s24;
	[bflag:$0x0] =	sbarrier.arrive $0xFFFF  }
0x7a: {  	[tilespmem:s2], [sflag:$0x1] =	stream.linear.gather [hbm4b:s17+s4], $0x80, $0x38;
	[tilespmem:$0x1D200] =	vst v63  }
0x7b: {  	s15 =	sadd.s32 $0x0, s25  }
0x7c: {  	[tilespmem:s0], [sflag:$0x1] =	stream.linear.gather [hbm4b:s15+s4], $0x80, $0x38;
	[tilespmem:$0x1D200] =	vst v63  }
0x7d: {  	s14 =	sadd.s32 $0x10, s17  }
0x7e: {  	[tilespmem:s6], [sflag:$0x2] =	stream.linear.gather [hbm4b:s14+s4], $0x80, $0x38;
	[tilespmem:$0x1D200] =	vst v63  }
0x7f: {  	s18 =	sadd.s32 $0x10, s15  }
0x80: {  	[tilespmem:s7], [sflag:$0x2] =	stream.linear.gather [hbm4b:s18+s4], $0x80, $0x38;
	[tilespmem:$0x1D200] =	vst v63  }
0x81: {  	_ =	swait.ge [sflag:s8], $0x80  }
0x82: {  	[sflag:s8] =	ssyncset.done $0x0  }
0x83: {  	[sflag:s8] =	ssyncadd.s32 $0xFFFFFF80  }
0x84: {  	_ =	swait.ge [sflag:s8], $0x80  }
0x85: {  	[sflag:s8] =	ssyncset.done $0x0  }
0x86: {  	[sflag:s8] =	ssyncadd.s32 $0xFFFFFF80  }
0x87: {  	[tilespmem:s10], [sflag:$0x1] =	stream.indirect.gather [hbm4b:s1+s9], $0x80, s2, s9, $0xb8;
	[tilespmem:$0x1D200] =	vst v63  }
0x88: {  	_ =	swait.ge [sflag:s11], $0x80  }
0x89: {  	[sflag:s11] =	ssyncset.done $0x0  }
0x8a: {  	[sflag:s11] =	ssyncadd.s32 $0xFFFFFF80  }
0x8b: {  	_ =	swait.ge [sflag:s11], $0x80  }
0x8c: {  	[sflag:s11] =	ssyncset.done $0x0  }
0x8d: {  	[sflag:s11] =	ssyncadd.s32 $0xFFFFFF80  }
0x8e: {  	[tilespmem:s12], [sflag:$0x2] =	stream.indirect.gather [hbm4b:s1+s9], $0x80, s6, s9, $0xb8;
	[tilespmem:$0x1D200] =	vst v63  }
0x8f: {  	_ =	swait.ge [sflag:s8], $0x4000  }
0x90: {  	[sflag:s8] =	ssyncset.done $0x0  }
0x91: {  	[sflag:s8] =	ssyncadd.s32 $0xFFFFC000  }
0x92: {  	[spmem:s3] =	stream.indirect.scatter.add.f32 [tilespmem:s10], [sflag:$0x3], $0x80, s0, s9, $0xb8;
	[tilespmem:$0x1D200] =	vst v63  }
0x93: {  	_ =	swait.ge [sflag:s31], $0x4000  }
0x94: {  	[sflag:s31] =	ssyncset.done $0x0  }
0x95: {  	[sflag:s31] =	ssyncadd.s32 $0xFFFFC000  }
0x96: {  	_ =	swait.ge [sflag:s11], $0x4000  }
0x97: {  	[sflag:s11] =	ssyncset.done $0x0  }
0x98: {  	[sflag:s11] =	ssyncadd.s32 $0xFFFFC000  }
0x99: {  	[spmem:s3] =	stream.indirect.scatter.add.f32 [tilespmem:s12], [sflag:$0x3], $0x80, s7, s9, $0xb8;
	[tilespmem:$0x1D200] =	vst v63  }
0x9a: {  	_ =	swait.ge [sflag:s31], $0x4000  }
0x9b: {  	s15 =	simm.s32 $0x40;
	s14 =	simm.s32 $0x20;
	[sflag:s31] =	ssyncset.done $0x0  }
.LBB2_4:
0x9c: {  	s17 =	sadd.s32 s14, s24  }
0x9d: {  	[sflag:s31] =	ssyncadd.s32 $0xFFFFC000;
	s18 =	smov.u32 s15;
	s16 =	sadd.s32 $0x20, s15  }
0x9e: {  	[tilespmem:s2], [sflag:$0x1] =	stream.linear.gather [hbm4b:s17+s4], $0x80, $0x38;
	[tilespmem:$0x1D200] =	vst v63  }
0x9f: {  	p0 =	sne.s32 s15, $0x4E0;
	s15 =	sadd.s32 s14, s25;
	s14 =	smov.u32 s18  }
0xa0: {  	[tilespmem:s0], [sflag:$0x1] =	stream.linear.gather [hbm4b:s15+s4], $0x80, $0x38;
	[tilespmem:$0x1D200] =	vst v63  }
0xa1: {  	s17 =	sadd.s32 $0x10, s17  }
0xa2: {  	[tilespmem:s6], [sflag:$0x2] =	stream.linear.gather [hbm4b:s17+s4], $0x80, $0x38;
	[tilespmem:$0x1D200] =	vst v63  }
0xa3: {  	s15 =	sadd.s32 $0x10, s15  }
0xa4: {  	[tilespmem:s7], [sflag:$0x2] =	stream.linear.gather [hbm4b:s15+s4], $0x80, $0x38;
	[tilespmem:$0x1D200] =	vst v63  }
0xa5: {  	_ =	swait.ge [sflag:s8], $0x80  }
0xa6: {  	[sflag:s8] =	ssyncset.done $0x0  }
0xa7: {  	[sflag:s8] =	ssyncadd.s32 $0xFFFFFF80  }
0xa8: {  	_ =	swait.ge [sflag:s8], $0x80  }
0xa9: {  	[sflag:s8] =	ssyncset.done $0x0  }
0xaa: {  	[sflag:s8] =	ssyncadd.s32 $0xFFFFFF80  }
0xab: {  	[tilespmem:s10], [sflag:$0x1] =	stream.indirect.gather [hbm4b:s1+s9], $0x80, s2, s9, $0xb8;
	[tilespmem:$0x1D200] =	vst v63  }
0xac: {  	_ =	swait.ge [sflag:s11], $0x80  }
0xad: {  	[sflag:s11] =	ssyncset.done $0x0  }
0xae: {  	[sflag:s11] =	ssyncadd.s32 $0xFFFFFF80  }
0xaf: {  	_ =	swait.ge [sflag:s11], $0x80  }
0xb0: {  	[sflag:s11] =	ssyncset.done $0x0  }
0xb1: {  	[sflag:s11] =	ssyncadd.s32 $0xFFFFFF80  }
0xb2: {  	[tilespmem:s12], [sflag:$0x2] =	stream.indirect.gather [hbm4b:s1+s9], $0x80, s6, s9, $0xb8;
	[tilespmem:$0x1D200] =	vst v63  }
0xb3: {  	_ =	swait.ge [sflag:s8], $0x4000  }
0xb4: {  	[sflag:s8] =	ssyncset.done $0x0  }
0xb5: {  	[sflag:s8] =	ssyncadd.s32 $0xFFFFC000  }
0xb6: {  	[spmem:s3] =	stream.indirect.scatter.add.f32 [tilespmem:s10], [sflag:$0x3], $0x80, s0, s9, $0xb8;
	[tilespmem:$0x1D200] =	vst v63  }
0xb7: {  	_ =	swait.ge [sflag:s31], $0x4000  }
0xb8: {  	[sflag:s31] =	ssyncset.done $0x0  }
0xb9: {  	[sflag:s31] =	ssyncadd.s32 $0xFFFFC000  }
0xba: {  	_ =	swait.ge [sflag:s11], $0x4000  }
.Ltmp1:
0xbb: {  	[sflag:s11] =	ssyncset.done $0x0;
	(pc) =	sbr.rel @p0 .LBB2_4-.Ltmp1, $4  }
0xbc: {  	[sflag:s11] =	ssyncadd.s32 $0xFFFFC000  }
0xbd: {  	[spmem:s3] =	stream.indirect.scatter.add.f32 [tilespmem:s12], [sflag:$0x3], $0x80, s7, s9, $0xb8;
	[tilespmem:$0x1D200] =	vst v63  }
0xbe: {  	_ =	swait.ge [sflag:s31], $0x4000  }
0xbf: {  	s15 =	smov.u32 s16;
	[sflag:s31] =	ssyncset.done $0x0  }
0xc0: {  	s15 =	sadd.s32 s14, s24;
	[sflag:s31] =	ssyncadd.s32 $0xFFFFC000  }
0xc1: {  	[tilespmem:s2], [sflag:$0x1] =	stream.linear.gather [hbm4b:s15+s4], $0x80, $0x38;
	[tilespmem:$0x1D200] =	vst v63  }
0xc2: {  	s16 =	sadd.s32 s14, s25  }
0xc3: {  	[tilespmem:s0], [sflag:$0x1] =	stream.linear.gather [hbm4b:s16+s4], $0x80, $0x38;
	[tilespmem:$0x1D200] =	vst v63  }
0xc4: {  	s15 =	sadd.s32 $0x10, s15  }
0xc5: {  	[tilespmem:s6], [sflag:$0x2] =	stream.linear.gather [hbm4b:s15+s4], $0x80, $0x38;
	[tilespmem:$0x1D200] =	vst v63  }
0xc6: {  	s14 =	sadd.s32 $0x10, s16  }
0xc7: {  	[tilespmem:s7], [sflag:$0x2] =	stream.linear.gather [hbm4b:s14+s4], $0x80, $0x38;
	[tilespmem:$0x1D200] =	vst v63  }
0xc8: {  	_ =	swait.ge [sflag:s8], $0x80  }
0xc9: {  	[sflag:s8] =	ssyncset.done $0x0  }
0xca: {  	[sflag:s8] =	ssyncadd.s32 $0xFFFFFF80  }
0xcb: {  	_ =	swait.ge [sflag:s8], $0x80  }
0xcc: {  	[sflag:s8] =	ssyncset.done $0x0  }
0xcd: {  	[sflag:s8] =	ssyncadd.s32 $0xFFFFFF80  }
0xce: {  	[tilespmem:s10], [sflag:$0x1] =	stream.indirect.gather [hbm4b:s1+s9], $0x80, s2, s9, $0xb8;
	[tilespmem:$0x1D200] =	vst v63  }
0xcf: {  	_ =	swait.ge [sflag:s11], $0x80  }
0xd0: {  	[sflag:s11] =	ssyncset.done $0x0  }
0xd1: {  	[sflag:s11] =	ssyncadd.s32 $0xFFFFFF80  }
0xd2: {  	_ =	swait.ge [sflag:s11], $0x80  }
0xd3: {  	[sflag:s11] =	ssyncset.done $0x0  }
0xd4: {  	[sflag:s11] =	ssyncadd.s32 $0xFFFFFF80  }
0xd5: {  	[tilespmem:s12], [sflag:$0x2] =	stream.indirect.gather [hbm4b:s1+s9], $0x80, s6, s9, $0xb8;
	[tilespmem:$0x1D200] =	vst v63  }
0xd6: {  	_ =	swait.ge [sflag:s8], $0x4000  }
0xd7: {  	[sflag:s8] =	ssyncset.done $0x0  }
0xd8: {  	[sflag:s8] =	ssyncadd.s32 $0xFFFFC000  }
0xd9: {  	[spmem:s3] =	stream.indirect.scatter.add.f32 [tilespmem:s10], [sflag:$0x3], $0x80, s0, s9, $0xb8;
	[tilespmem:$0x1D200] =	vst v63  }
0xda: {  	_ =	swait.ge [sflag:s31], $0x4000  }
0xdb: {  	[sflag:s31] =	ssyncset.done $0x0  }
0xdc: {  	[sflag:s31] =	ssyncadd.s32 $0xFFFFC000  }
0xdd: {  	_ =	swait.ge [sflag:s11], $0x4000  }
0xde: {  	[sflag:s11] =	ssyncset.done $0x0  }
0xdf: {  	[sflag:s11] =	ssyncadd.s32 $0xFFFFC000  }
0xe0: {  	[spmem:s3] =	stream.indirect.scatter.add.f32 [tilespmem:s12], [sflag:$0x3], $0x80, s7, s9, $0xb8;
	[tilespmem:$0x1D200] =	vst v63  }
0xe1: {  	s17 =	stileid.u32;
	_ =	swait.ge [sflag:s31], $0x4000  }
0xe2: {  	s18 =	sshrl.u32 s5, $0x3;
	s13 =	sadd.s32 $0x1, s13;
	[sflag:s31] =	ssyncset.done $0x0  }
0xe3: {  	p0 =	sne.s32 s13, s23;
	s14 =	sshll.u32 s17, $0x6;
	[sflag:s31] =	ssyncadd.s32 $0xFFFFC000  }
.Ltmp2:
0xe4: {  	s14 =	sor.u32 $0x1C03, s14;
	[bflag:$0x0] =	sbarrier.arrive $0xFFFF;
	(pc) =	sbr.rel @p0 .LBB2_1-.Ltmp2, $4  }
0xe5: {  	[hbm:s22], [sflag:s14] =	dma.local [spmem:s18], $0x2800  }
0xe6: {  	_ =	swait.ge [sflag:s31], $0x2800  }
0xe7: {  	[sflag:s31] =	ssyncset.done $0x0  }
0xe8: {  	[sflag:s31] =	ssyncadd.s32 $0xFFFFD800  }
0xe9: {  	_ =	sfence.sel $0x180000  }
0xea: {  	[bflag:$0x0] =	sbarrier.arrive $0xFFFF  }
0xeb: {  	_ =	strace $0x9000004D  }
0xec: {  	s0 =	stileid.u32;
	[bflag:$0x2] =	sbarrier.arrive $0xFFFF  }
0xed: {  	p0 =	sne.s32 s0, $0x0;
	s0 =	rddreg [dreg:$0x3]  }
0xee: {  	s0 =	sadd.s32 @!p0 $0x100000, s0  }
0xef: {  	[sflag:s0] =	ssyncadd.tile.s32 @!p0 $0x1;
	_ =	shalt  }
.Lfunc_end2:
_tile_overlayer_lowered:
.L_overlay_start_2:
0xf0: {  	(tag) =	ssettag $0x2  }
0xf1: {  	s0 =	rddreg [dreg:$0x0];
	s2 =	stileid.u32  }
0xf2: {  	s1 =	rddreg [dreg:$0x1];
	p0 =	sne.s32 s2, $0x0  }
0xf3: {  	s3 =	rddreg [dreg:$0x2];
	[bflag:$0x3] =	sbarrier.arrive $0xFFFF;
	s2 =	simm.s32 @!p0 $0x1C03  }
0xf4: {  	[timem:s3], [sflag:s2] =	dma.local @!p0 [hbm:s0], s1  }
0xf5: {  	s0 =	simm.s32 @!p0 $0x3  }
0xf6: {  	_ =	swait.ge @!p0 [sflag:s0], s1  }
0xf7: {  	s1 =	ssub.s32 @!p0 $0x0, s1;
	[sflag:s0] =	ssyncset.done @!p0 $0x0  }
0xf8: {  	[sflag:s0] =	ssyncadd.s32 @!p0 s1  }
0xf9: {  	[bflag:$0x3] =	sbarrier.arrive $0xFFFF  }
0xfa: {  	_ =	shalt  }

// kernel: kernel.8.cloned.1.call-start
scs
__scs_entry_jumppad:
0x0: {  	(pc) =	sbr.rel $0x88, $3  }
0x1: {  	(tag) =	ssettag $0x0;
	lr =	simm.s32 $0x1  }
0x2: {  	[smem:$0x3F9B] =	sst lr;
	_ =	strace $0xD0000000  }
0x3: {  	_ = 	snop  }
0x4: {  	_ = 	snop  }
0x5: {  	_ = 	snop  }
0x6: {  	_ = 	snop  }
0x7: {  	_ = 	snop  }
__scs_overlays_trampoline_lowered:
0x8: {  	[smem:$0x3FAA] =	sst s0  }
0x9: {  	[smem:$0x3FAB] =	sst s1  }
0xa: {  	[smem:$0x3FAC] =	sst s2  }
0xb: {  	[smem:$0x3FAD] =	sst s3  }
0xc: {  	[smem:$0x3FAE] =	sst s4  }
0xd: {  	[smem:$0x3FAF] =	sst s5  }
0xe: {  	[smem:$0x3FB0] =	sst s6  }
0xf: {  	[smem:$0x3FB1] =	sst s7  }
0x10: {  	[smem:$0x3FB2] =	sst s8  }
0x11: {  	[smem:$0x3FB3] =	sst s9;
	s0 =	simm.s32 @!p0 $0x0  }
0x12: {  	s1 =	sld [smem:$0x3F99];
	s0 =	simm.s32 @p0 $0x1  }
0x13: {  	[smem:$0x3FB4] =	sst s0;
	s0 =	simm.s32 @!p1 $0x0  }
0x14: {  	s2 =	sld [smem:$0x3F98];
	s0 =	simm.s32 @p1 $0x1  }
0x15: {  	[smem:$0x3FB5] =	sst s0;
	s0 =	simm.s32 @!p2 $0x0  }
0x16: {  	s3 =	sld [smem:$0x3FDB];
	s0 =	simm.s32 @p2 $0x1  }
0x17: {  	s4 =	simm.s32 $0x1BF5;
	[smem:$0x3FB7] =	sst s0  }
0x18: {  	s0 =	sld [smem:$0x3F9A];
	_ =	swait.ge [sflag:s4], $0x0  }
0x19: {  	s7 =	sld [smem:$0x3F9B]  }
0x1a: {  	s8 =	sadd.s32 $0xFFFFE003, lr  }
0x1b: {  	s9 =	sadd.s32 $0xFFFFFEF7, lr;
	s5 =	simm.s32 $0xFFFFFFFF;
	p2 =	slt.u32 s8, $0xFFFFF086  }
0x1c: {  	p1 =	slt.u32 s9, $0xF7A;
	s5 =	simm.s32 @!p2 $0x0  }
0x1d: {  	s5 =	simm.s32 @p1 $0x1;
	p0 =	seq.s32 s7, s2  }
0x1e: {  	s7 =	smul.u32 @!p0 $0xF7A, s2;
	p2 =	seq.s32 @!p0 s5, $0x0  }
0x1f: {  	s9 =	smul.u32 $0xF7A, s1;
	s8 =	simm.s32 @!p0 $0x1BF5;
	p2 =	por !p2, p0  }
0x20: {  	[sflag:s8] =	ssyncset.s32 @!p0 $0xFFFFF086;
	s6 =	sadd.s32 @!p0 s3, s7;
	s7 =	simm.s32 @!p0 $0x108  }
0x21: {  	s3 =	sadd.s32 s3, s9;
	s6 =	sadd.s32 @!p0 $0x88, s6;
	s7 =	simm.s32 @p2 $0x1082  }
0x22: {  	[simem:s7], [sflag:s8] =	dma.local @!p0 [hbm:s6], $0xF7A  }
0x23: {  	s9 =	sor.u32 $0xD0000000, s2;
	s6 =	simm.s32 $0x108;
	_ =	swait.ge @!p0 [sflag:s8], $0x0  }
0x24: {  	s3 =	sadd.s32 $0x88, s3;
	s6 =	simm.s32 @!p1 $0x1082;
	[sflag:s4] =	ssyncset.s32 $0xFFFFF086  }
0x25: {  	[simem:s6], [sflag:s4] =	dma.local [hbm:s3], $0xF7A  }
0x26: {  	[smem:$0x3F9B] =	sst s1;
	(tag) =	ssettag s2;
	_ =	strace s9  }
0x27: {  	s1 =	sld [smem:$0x3FAB]  }
0x28: {  	s2 =	sld [smem:$0x3FAC]  }
0x29: {  	s4 =	sld [smem:$0x3FAE]  }
0x2a: {  	p0 =	seq.s32 s5, $0x0;
	s5 =	sld [smem:$0x3FAF]  }
0x2b: {  	s6 =	sld [smem:$0x3FB0]  }
0x2c: {  	s7 =	sld [smem:$0x3FB1]  }
0x2d: {  	s3 =	simm.s32 $0x108;
	s8 =	sld [smem:$0x3FB2]  }
0x2e: {  	s3 =	simm.s32 @!p0 $0x1082;
	s9 =	sld [smem:$0x3FB3]  }
0x2f: {  	lr =	sadd.s32 s0, s3;
	s0 =	sld [smem:$0x3FAA]  }
0x30: {  	s3 =	sld [smem:$0x3FAD]  }
0x31: {  	[smem:$0x3FB6] =	sst s10  }
0x32: {  	s10 =	sld [smem:$0x3FB4];
	_ =	sdelay $0x3  }
0x33: {  	p0 =	seq.s32 s10, $0x1;
	s10 =	sld [smem:$0x3FB6];
	_ =	sdelay $0x3  }
0x34: {  	[smem:$0x3FB6] =	sst s10  }
0x35: {  	s10 =	sld [smem:$0x3FB5];
	_ =	sdelay $0x3  }
0x36: {  	p1 =	seq.s32 s10, $0x1;
	s10 =	sld [smem:$0x3FB6];
	_ =	sdelay $0x3  }
0x37: {  	[smem:$0x3FB6] =	sst s10  }
0x38: {  	s10 =	sld [smem:$0x3FB7]  }
0x39: {  	_ = 	snop;
	(pc) =	sbr.ind lr, $3  }
0x3a: {  	_ = 	snop  }
0x3b: {  	_ = 	snop  }
0x3c: {  	p2 =	seq.s32 s10, $0x1;
	s10 =	sld [smem:$0x3FB6]  }
0x3d: {  	_ =	shalt  }
0x3e: {  	_ =	shalt  }
0x3f: {  	_ =	shalt  }
0x40: {  	_ =	shalt  }
0x41: {  	_ =	shalt  }
0x42: {  	_ =	shalt  }
0x43: {  	_ =	shalt  }
0x44: {  	_ =	shalt  }
0x45: {  	_ =	shalt  }
0x46: {  	_ =	shalt  }
0x47: {  	_ =	shalt  }
0x48: {  	_ =	shalt  }
0x49: {  	_ =	shalt  }
0x4a: {  	_ =	shalt  }
0x4b: {  	_ =	shalt  }
0x4c: {  	_ =	shalt  }
0x4d: {  	_ =	shalt  }
0x4e: {  	_ =	shalt  }
0x4f: {  	_ =	shalt  }
0x50: {  	_ =	shalt  }
0x51: {  	_ =	shalt  }
0x52: {  	_ =	shalt  }
0x53: {  	_ =	shalt  }
0x54: {  	_ =	shalt  }
0x55: {  	_ =	shalt  }
0x56: {  	_ =	shalt  }
0x57: {  	_ =	shalt  }
0x58: {  	_ =	shalt  }
0x59: {  	_ =	shalt  }
0x5a: {  	_ =	shalt  }
0x5b: {  	_ =	shalt  }
0x5c: {  	_ =	shalt  }
0x5d: {  	_ =	shalt  }
0x5e: {  	_ =	shalt  }
0x5f: {  	_ =	shalt  }
0x60: {  	_ =	shalt  }
0x61: {  	_ =	shalt  }
0x62: {  	_ =	shalt  }
0x63: {  	_ =	shalt  }
0x64: {  	_ =	shalt  }
0x65: {  	_ =	shalt  }
0x66: {  	_ =	shalt  }
0x67: {  	_ =	shalt  }
0x68: {  	_ =	shalt  }
0x69: {  	_ =	shalt  }
0x6a: {  	_ =	shalt  }
0x6b: {  	_ =	shalt  }
0x6c: {  	_ =	shalt  }
0x6d: {  	_ =	shalt  }
0x6e: {  	_ =	shalt  }
0x6f: {  	_ =	shalt  }
0x70: {  	_ =	shalt  }
0x71: {  	_ =	shalt  }
0x72: {  	_ =	shalt  }
0x73: {  	_ =	shalt  }
0x74: {  	_ =	shalt  }
0x75: {  	_ =	shalt  }
0x76: {  	_ =	shalt  }
0x77: {  	_ =	shalt  }
0x78: {  	_ =	shalt  }
0x79: {  	_ =	shalt  }
0x7a: {  	_ =	shalt  }
0x7b: {  	_ =	shalt  }
0x7c: {  	_ =	shalt  }
0x7d: {  	_ =	shalt  }
0x7e: {  	_ =	shalt  }
0x7f: {  	_ =	shalt  }
0x80: {  	_ =	shalt  }
0x81: {  	_ =	shalt  }
0x82: {  	_ =	shalt  }
0x83: {  	_ =	shalt  }
0x84: {  	_ =	shalt  }
0x85: {  	_ =	shalt  }
0x86: {  	_ =	shalt  }
0x87: {  	_ =	shalt  }
.Lfunc_end0:
.L_simem_size_0:
called_computation_lowered:
.L_overlay_start_0:
0x88: {  	s2 =	sld [smem:$0x3FD9]  }
0x89: {  	s3 =	sld [smem:$0x3FFE];
	_ =	sdelay $0x1  }
0x8a: {  	s1 =	srdreg.scid  }
0x8b: {  	s0 =	sand.u32 $0x1, s1  }
0x8c: {  	s16 =	sshll.u32 s0, $0xA;
	s2 =	sadd.s32 s3, s2  }
0x8d: {  	s2 =	sadd.s32 s2, s16  }
0x8e: {  	[smem:$0x3FC2] =	sst s2  }
0x8f: {  	_ = 	snop  }
0x90: {  	(tm) =	ssettm $0x1  }
0x91: {  	s17 =	sld [smem:$0x3FFB];
	_ =	sdelay $0x3  }
0x92: {  	_ =	strace s17  }
0x93: {  	s2 =	sld [smem:$0x3FFC];
	_ =	sdelay $0x3  }
0x94: {  	_ =	strace s2  }
0x95: {  	s2 =	sld [smem:$0x3FFD];
	_ =	sdelay $0x3  }
0x96: {  	_ =	strace s2  }
0x97: {  	_ =	strace $0x8FFFFFFF  }
0x98: {  	s18 =	sld [smem:$0x3FDB];
	_ =	sdelay $0x1  }
0x99: {  	s19 =	simm.s32 $_scs_section_size  }
0x9a: {  	s4 =	simm.s32 $_size__tile_overlayer_lowered;
	s5 =	simm.s32 $_tile_overlayer_lowered  }
0x9b: {  	s22 =	simm.s32 $0x1BFF;
	s21 =	sshll.u32 s5, $0x1;
	s2 =	sadd.s32 s19, s18  }
0x9c: {  	s6 =	simm.s32 $0x0;
	s20 =	sshll.u32 s4, $0x1;
	s4 =	sadd.s32 s21, s2  }
0x9d: {  	[timem:s6], [sflag:s22] =	dma.local [hbm:s4], s20  }
0x9e: {  	_ =	swait.ge [sflag:s22], s20  }
0x9f: {  	s3 =	ssub.s32 $0x0, s20;
	[sflag:s22] =	ssyncset.done $0x0  }
0xa0: {  	[sflag:s22] =	ssyncadd.s32 s3;
	_ =	sdelay $0x1  }
0xa1: {  	s23 =	simm.s32 $0x1B8B  }
0xa2: {  	_ =	swait.ge [sflag:s23], $0x1  }
0xa3: {  	[sflag:s23] =	ssyncset.done $0x0  }
0xa4: {  	s25 =	simm.s32 $0x1B8E;
	s24 =	sld [smem:$0x3FFE];
	[sflag:s23] =	ssyncadd.s32 $0xFFFFFFFF  }
0xa5: {  	s26 =	simm.s32 $execute0_lowered;
	[smem:$0x3FD2] =	sst s25  }
0xa6: {  	s4 =	sshll.u32 s26, $0x1;
	_ =	strace $0x80000046;
	[dreg:$0x1] =	wrdreg $0xFFFFFFFF  }
0xa7: {  	s28 =	simm.s32 $_size_execute0_lowered;
	s2 =	sadd.s32 s2, s4;
	[dreg:$0x0] =	wrdreg $0x0  }
0xa8: {  	s4 =	sshll.u32 s28, $0x1;
	[dreg:$0x2] =	wrdreg s2  }
0xa9: {  	[dreg:$0x3] =	wrdreg s4  }
0xaa: {  	[dreg:$0x4] =	wrdreg $0xC0  }
0xab: {  	_ =	task [dreg:s6], $0x5FFFF  }
0xac: {  	[dreg:$0x1] =	wrdreg $0xFFFFFFFF  }
0xad: {  	[dreg:$0x0] =	wrdreg $0x60  }
0xae: {  	[dreg:$0x2] =	wrdreg s24  }
0xaf: {  	[dreg:$0x3] =	wrdreg $0x0  }
0xb0: {  	[dreg:$0x4] =	wrdreg $0x9  }
0xb1: {  	_ =	task.clear_ibuf [dreg:s6], $0x5FFFF;
	_ =	strace $0x90000046  }
0xb2: {  	s29 =	simm.s32 $0x9;
	_ =	strace $0x80000048  }
0xb3: {  	_ =	swait.ge [sflag:s29], $0x1  }
0xb4: {  	[sflag:s29] =	ssyncadd.s32 $0xFFFFFFFF  }
0xb5: {  	_ =	strace $0x90000048  }
0xb6: {  	_ =	sfence  }
0xb7: {  	s30 =	sld [smem:$0x0];
	_ =	sdelay $0x2  }
0xb8: {  	s31 =	sshll.u32 s1, $0xD;
	s1 =	sshrl.u32 s1, $0x2  }
0xb9: {  	s3 =	sand.u32 $0x4000, s31;
	s1 =	sadd.s32 s1, s30  }
0xba: {  	s0 =	sor.u32 s3, s0;
	s1 =	sshll.u32 s1, $0x11  }
0xbb: {  	s0 =	sor.u32 s1, s0  }
0xbc: {  	s0 =	sadd.s32 $0x8F2B, s0  }
0xbd: {  	[sflag:s0] =	ssyncadd.remote.s32 $0x1  }
0xbe: {  	_ =	sfence.sel $0xFFFF  }
0xbf: {  	[dreg:$0x0] =	wrdreg $0xFFFFFFFF;
	(pc) =	sbr.abs _section_cstart, $3  }
0xc0: {  	[dreg:$0x1] =	wrdreg $0xFFFFFFFF  }
0xc1: {  	_ =	task.clear_ibuf [dreg:s6], $0x2FFFF;
	_ =	strace $0x9FFFFFFF  }
0xc2: {  	(tm) =	ssettm $0x7FFFFFFF  }
0xc3: {  	_ =	shalt  }
tec
execute0_lowered:
.L_overlay_start_1:
0x0: {  	(tag) =	ssettag $0x1  }
0x1: {  	s4 =	rddreg [dreg:$0x0]  }
0x2: {  	s2 =	rddreg [dreg:$0x1]  }
0x3: {  	s0 =	srdreg.scid;
	s1 =	rddreg [dreg:$0x2]  }
0x4: {  	s3 =	simm.s32 $0x0;
	s13 =	simm.s32 $0x1;
	s5 =	sand.u32 $0x1, s0  }
0x5: {  	s14 =	simm.s32 $0x2800;
	s0 =	stileid.u32;
	s6 =	smul.u32 $0x140000, s5  }
0x6: {  	s15 =	simm.s32 $0x80;
	s16 =	simm.s32 $0x2880;
	s7 =	smul.u32 $0x14000, s0  }
0x7: {  	s19 =	simm.s32 $0x0;
	[smem:$0x7FF] =	sst s3;
	s8 =	smul.u32 $0xA00, s0  }
0x8: {  	s28 =	smul.u32 $0x50000, s0;
	_ =	strace $0x80000047;
	s29 =	ssub.s32 $0x2, s5  }
0x9: {  	s11 =	smul.u32 $0x500, s5;
	s17 =	sshll.u32 s0, $0x6;
	s31 =	sshrl.u32 s29, $0x1  }
0xa: {  	s17 =	sor.u32 $0x1C01, s17;
	s6 =	sadd.s32 s7, s6;
	s9 =	sadd.s32 s8, s4  }
0xb: {  	s30 =	sshrl.u32 s28, $0x2;
	s12 =	ssub.s32 s29, s31;
	s6 =	sshrl.u32 s6, $0x3  }
0xc: {  	s11 =	sadd.s32 s11, s9;
	s10 =	sadd.s32 s6, s4;
	s4 =	sadd.s32 s30, s2  }
0xd: {  	s11 =	sadd.s32 $0x2800, s11;
	s5 =	sadd.s32 $0x4000, s4;
	s6 =	sadd.s32 $0x8000, s4  }
0xe: {  	s7 =	sadd.s32 $0xC000, s4;
	s8 =	sadd.s32 $0x10000, s4;
	s9 =	sadd.s32 $0x16800, s10  }
0xf: {  	v0 =	vimm.f32 $1.000000000e+00;
	v1 =	vimm.f32 $0.0e+00;
	s10 =	smax.u32 s12, $0x1;
	s12 =	simm.s32 $0x6880;
	s18 =	sshrl.u32 s4, $0x3  }
.LBB2_1:
0x10: {  	s20 =	simm.s32 $0x0  }
.LBB2_2:
0x11: {  	p0 =	sne.s32 s20, $0xFE00  }
.Ltmp0:
0x12: {  	_ = 	snop;
	(pc) =	sbr.rel @p0 .LBB2_2-.Ltmp0, $3  }
0x13: {  	_ =	sdelay $0x1  }
0x14: {  	s21 =	sshra.s32 s20, $0x2  }
0x15: {  	s20 =	sadd.s32 $0x200, s20;
	[tilespmem:s21+$0x2880] =	vst v0  }
0x16: {  	s20 =	simm.s32 $0x200;
	s21 =	simm.s32 $0x0  }
.LBB2_4:
0x17: {  	p0 =	sne.s32 s20, $0xFE00;
	[tilespmem:s21+$0x6880] =	vst v1;
	s21 =	smov.u32 s20;
	s20 =	sadd.s32 $0x200, s20  }
.Ltmp1:
0x18: {  	(pc) =	sbr.rel @p0 .LBB2_4-.Ltmp1, $2  }
0x19: {  	_ =	sdelay $0x2  }
0x1a: {  	s21 =	sshra.s32 s21, $0x2  }
0x1b: {  	[tilespmem:s21+$0x6880] =	vst v1  }
0x1c: {  	[spmem:s4] =	stream.linear.scatter [tilespmem:s12], [sflag:$0x1], $0x4000, $0x38;
	[tilespmem:$0xA880] =	vst v63  }
0x1d: {  	_ =	swait.ge [sflag:s13], $0x4000  }
0x1e: {  	[sflag:s13] =	ssyncset.done $0x0  }
0x1f: {  	[sflag:s13] =	ssyncadd.s32 $0xFFFFC000  }
0x20: {  	[spmem:s5] =	stream.linear.scatter [tilespmem:s12], [sflag:$0x1], $0x4000, $0x38;
	[tilespmem:$0xA880] =	vst v63  }
0x21: {  	_ =	swait.ge [sflag:s13], $0x4000  }
0x22: {  	[sflag:s13] =	ssyncset.done $0x0  }
0x23: {  	[sflag:s13] =	ssyncadd.s32 $0xFFFFC000  }
0x24: {  	[spmem:s6] =	stream.linear.scatter [tilespmem:s12], [sflag:$0x1], $0x4000, $0x38;
	[tilespmem:$0xA880] =	vst v63  }
0x25: {  	_ =	swait.ge [sflag:s13], $0x4000  }
0x26: {  	[sflag:s13] =	ssyncset.done $0x0  }
0x27: {  	[sflag:s13] =	ssyncadd.s32 $0xFFFFC000  }
0x28: {  	[spmem:s7] =	stream.linear.scatter [tilespmem:s12], [sflag:$0x1], $0x4000, $0x38;
	[tilespmem:$0xA880] =	vst v63  }
0x29: {  	_ =	swait.ge [sflag:s13], $0x4000  }
0x2a: {  	[sflag:s13] =	ssyncset.done $0x0  }
0x2b: {  	[sflag:s13] =	ssyncadd.s32 $0xFFFFC000  }
0x2c: {  	[spmem:s8] =	stream.linear.scatter [tilespmem:s12], [sflag:$0x1], $0x4000, $0x38;
	[tilespmem:$0xA880] =	vst v63  }
0x2d: {  	_ =	swait.ge [sflag:s13], $0x4000  }
0x2e: {  	[sflag:s13] =	ssyncset.done $0x0  }
0x2f: {  	[sflag:s13] =	ssyncadd.s32 $0xFFFFC000  }
0x30: {  	s20 =	sadd.s32 $0x0, s11;
	[bflag:$0x0] =	sbarrier.arrive $0xFFFF  }
0x31: {  	[tilespmem:s14], [sflag:$0x1] =	stream.linear.gather [hbm4b:s20+s3], $0x80, $0x38;
	[tilespmem:$0xA880] =	vst v63  }
0x32: {  	_ =	swait.ge [sflag:s13], $0x80  }
0x33: {  	[sflag:s13] =	ssyncset.done $0x0  }
0x34: {  	[sflag:s13] =	ssyncadd.s32 $0xFFFFFF80  }
0x35: {  	[spmem:s2] =	stream.indirect.scatter.add.f32 [tilespmem:s16], [sflag:$0x1], $0x10, s14, s15, $0xb8;
	[tilespmem:$0xA880] =	vst v63  }
0x36: {  	_ =	swait.ge [sflag:s13], $0x800  }
0x37: {  	s21 =	simm.s32 $0x20;
	s20 =	simm.s32 $0x10;
	[sflag:s13] =	ssyncset.done $0x0  }
.LBB2_6:
0x38: {  	s22 =	sadd.s32 s20, s11  }
0x39: {  	[sflag:s13] =	ssyncadd.s32 $0xFFFFF800;
	s20 =	smov.u32 s21;
	s23 =	sadd.s32 $0x10, s21  }
0x3a: {  	[tilespmem:s14], [sflag:$0x1] =	stream.linear.gather [hbm4b:s22+s3], $0x80, $0x38;
	[tilespmem:$0xA880] =	vst v63  }
0x3b: {  	p0 =	sne.s32 s21, $0x4F0;
	_ =	swait.ge [sflag:s13], $0x80  }
.Ltmp2:
0x3c: {  	[sflag:s13] =	ssyncset.done $0x0;
	(pc) =	sbr.rel @p0 .LBB2_6-.Ltmp2, $4  }
0x3d: {  	[sflag:s13] =	ssyncadd.s32 $0xFFFFFF80  }
0x3e: {  	[spmem:s2] =	stream.indirect.scatter.add.f32 [tilespmem:s16], [sflag:$0x1], $0x10, s14, s15, $0xb8;
	[tilespmem:$0xA880] =	vst v63  }
0x3f: {  	_ =	swait.ge [sflag:s13], $0x800  }
0x40: {  	s21 =	smov.u32 s23;
	[sflag:s13] =	ssyncset.done $0x0  }
0x41: {  	s20 =	sadd.s32 s20, s11;
	[sflag:s13] =	ssyncadd.s32 $0xFFFFF800  }
0x42: {  	[tilespmem:s14], [sflag:$0x1] =	stream.linear.gather [hbm4b:s20+s3], $0x80, $0x38;
	[tilespmem:$0xA880] =	vst v63  }
0x43: {  	_ =	swait.ge [sflag:s13], $0x80  }
0x44: {  	[sflag:s13] =	ssyncset.done $0x0  }
0x45: {  	[sflag:s13] =	ssyncadd.s32 $0xFFFFFF80  }
0x46: {  	[spmem:s2] =	stream.indirect.scatter.add.f32 [tilespmem:s16], [sflag:$0x1], $0x10, s14, s15, $0xb8;
	[tilespmem:$0xA880] =	vst v63  }
0x47: {  	_ =	swait.ge [sflag:s13], $0x800  }
0x48: {  	s19 =	sadd.s32 $0x1, s19;
	[sflag:s13] =	ssyncset.done $0x0  }
0x49: {  	p0 =	sne.s32 s19, s10;
	[sflag:s13] =	ssyncadd.s32 $0xFFFFF800  }
.Ltmp3:
0x4a: {  	[bflag:$0x0] =	sbarrier.arrive $0xFFFF;
	(pc) =	sbr.rel @p0 .LBB2_1-.Ltmp3, $4  }
0x4b: {  	[hbm:s9], [sflag:s17] =	dma.local [spmem:s18], $0x2800  }
0x4c: {  	_ =	swait.ge [sflag:s13], $0x2800  }
0x4d: {  	[sflag:s13] =	ssyncset.done $0x0  }
0x4e: {  	[sflag:s13] =	ssyncadd.s32 $0xFFFFD800  }
0x4f: {  	_ =	sfence.sel $0x180000  }
0x50: {  	[bflag:$0x0] =	sbarrier.arrive $0xFFFF  }
0x51: {  	p0 =	sne.s32 s0, $0x0;
	_ =	strace $0x90000047  }
0x52: {  	s0 =	sadd.s32 @!p0 $0x100000, s1;
	[bflag:$0x2] =	sbarrier.arrive $0xFFFF  }
0x53: {  	[sflag:s0] =	ssyncadd.tile.s32 @!p0 $0x1;
	_ =	shalt  }
.Lfunc_end2:
_tile_overlayer_lowered:
.L_overlay_start_2:
0x54: {  	(tag) =	ssettag $0x2  }
0x55: {  	s0 =	rddreg [dreg:$0x0];
	s2 =	stileid.u32  }
0x56: {  	s1 =	rddreg [dreg:$0x1];
	p0 =	sne.s32 s2, $0x0  }
0x57: {  	s3 =	rddreg [dreg:$0x2];
	[bflag:$0x3] =	sbarrier.arrive $0xFFFF;
	s2 =	simm.s32 @!p0 $0x1C01  }
0x58: {  	[timem:s3], [sflag:s2] =	dma.local @!p0 [hbm:s0], s1  }
0x59: {  	s0 =	simm.s32 @!p0 $0x1  }
0x5a: {  	_ =	swait.ge @!p0 [sflag:s0], s1  }
0x5b: {  	s1 =	ssub.s32 @!p0 $0x0, s1;
	[sflag:s0] =	ssyncset.done @!p0 $0x0  }
0x5c: {  	[sflag:s0] =	ssyncadd.s32 @!p0 s1  }
0x5d: {  	[bflag:$0x3] =	sbarrier.arrive $0xFFFF  }
0x5e: {  	_ =	shalt  }

</sc_bundles>
